<compile_context>
chip_gen: v7x
topology: tpu7x:2x2x1
jax: 0.10.2.dev20260603
libtpu: 0.0.44.dev20260713+nightly
codegen_flags: <defaults>
</compile_context>

<pallas_src>
import functools

import jax
import jax.numpy as jnp
from jax import lax
from jax.experimental import pallas as pl
from jax.experimental.pallas import tpu as pltpu
from jax.experimental.pallas import tpu_sc as plsc

_N = 100000
_D = 128
_S = 512
_NC = 2
_NS = 16
_NW = _NC * _NS
_K_SC = 52000
_RPW = _K_SC // _NW
_CHUNK = 125
_NCHUNK = _RPW // _CHUNK
_NBUF = 3
_SEGDMA = 1664
_SEGALLOC = 1680
_TCB = 4000
_TCG = (_N - _K_SC) // _TCB


def _sc_gated_pool(node_flat, segs, Wg2d, bg1):
  mesh = plsc.VectorSubcoreMesh(
      core_axis_name="c", subcore_axis_name="s",
      num_cores=_NC, num_subcores=_NS)

  @functools.partial(
      pl.kernel,
      out_type=jax.ShapeDtypeStruct((_NC, _S, _D), jnp.float32),
      mesh=mesh,
      scratch_types=[
          pltpu.VMEM((_SEGALLOC,), jnp.int32),
          pltpu.VMEM((_NBUF * _CHUNK * _D,), jnp.float32),
          pltpu.VMEM((_S, _D), jnp.float32),
          pltpu.VMEM((1, _D), jnp.float32),
          pltpu.VMEM((16,), jnp.float32),
          pltpu.VMEM((_S // 32, 32), jnp.int32),
          pltpu.VMEM_SHARED((_S, _D), jnp.float32),
          pltpu.SemaphoreType.DMA,
          pltpu.SemaphoreType.DMA,
          pltpu.SemaphoreType.DMA,
      ],
  )
  def k(node_hbm, seg_hbm, wg_hbm, bg_hbm, out_hbm,
        segv, buf, pool, gatev, bgb, idxv, shared, sem0, sem1, sem2):
    cid = lax.axis_index("c")
    sid = lax.axis_index("s")
    wid = sid * _NC + cid
    base = wid * _RPW
    a0 = jnp.minimum((base // 16) * 16, _N - _SEGDMA)
    soff = base - a0

    pltpu.sync_copy(wg_hbm, gatev)
    pltpu.sync_copy(bg_hbm, bgb.at[pl.ds(0, 1)])
    pltpu.sync_copy(seg_hbm.at[pl.ds(a0, _SEGDMA)], segv.at[pl.ds(0, _SEGDMA)])

    zeros16 = jnp.zeros((16,), jnp.float32)

    @plsc.parallel_loop(0, _S, 1, unroll=8)
    def zero_row(i):
      for kk in range(8):
        pool[i, pl.ds(16 * kk, 16)] = zeros16

    iota16 = lax.iota(jnp.int32, 16)
    for jj in range(_S // 32):
      idxv[jj, pl.ds(0, 16)] = iota16 + (32 * jj)
      idxv[jj, pl.ds(16, 16)] = iota16 + (32 * jj + 16)

    wg = [gatev[0, pl.ds(16 * kk, 16)] for kk in range(8)]
    iota0 = lax.iota(jnp.int32, 16) * 0
    bgv = bgb[pl.ds(0, 16)].at[iota0].get(
        mode="promise_in_bounds", unique_indices=False)
    perms = [lax.iota(jnp.int32, 16) ^ d for d in (8, 4, 2, 1)]

    def start(c, sem):
      boff = (c % _NBUF) * (_CHUNK * _D)
      pltpu.async_copy(
          node_hbm.at[pl.ds((base + c * _CHUNK) * _D, _CHUNK * _D)],
          buf.at[pl.ds(boff, _CHUNK * _D)], sem)

    def wait(sem):
      pltpu.make_async_copy(
          node_hbm.at[pl.ds(0, _CHUNK * _D)],
          buf.at[pl.ds(0, _CHUNK * _D)], sem).wait()

    def process(c, boff):
      segbase = soff + c * _CHUNK

      @plsc.parallel_loop(0, _CHUNK, 1, unroll=25)
      def row(r):
        rb = boff + r * _D
        xs = [buf[pl.ds(rb + 16 * kk, 16)] for kk in range(8)]
        acc = xs[0] * wg[0]
        for kk in range(1, 8):
          acc = acc + xs[kk] * wg[kk]
        for p in perms:
          acc = acc + acc.at[p].get(mode="promise_in_bounds", unique_indices=True)
        av = acc + bgv
        seg = segv[pl.ds(segbase + r, 16)][0]
        for kk in range(8):
          plsc.addupdate(pool.at[seg, pl.ds(16 * kk, 16)], av * xs[kk])

    @pl.when(sid == 0)
    def _():
      pltpu.sync_copy(pool, shared)

    plsc.subcore_barrier()

    start(0, sem0)
    start(1, sem1)

    def chunk_body(c, carry):
      m = c % _NBUF

      @pl.when(m == 0)
      def _():
        wait(sem0)

      @pl.when(m == 1)
      def _():
        wait(sem1)

      @pl.when(m == 2)
      def _():
        wait(sem2)

      @pl.when(c + 2 < _NCHUNK)
      def _():
        m2 = (c + 2) % _NBUF

        @pl.when(m2 == 0)
        def _():
          start(c + 2, sem0)

        @pl.when(m2 == 1)
        def _():
          start(c + 2, sem1)

        @pl.when(m2 == 2)
        def _():
          start(c + 2, sem2)

      process(c, m * (_CHUNK * _D))
      return carry

    lax.fori_loop(0, _NCHUNK, chunk_body, 0)

    s_first = segv[pl.ds(soff, 16)][0]
    s_last = segv[pl.ds(soff + _RPW - 1, 16)][0]

    def add_block(j, carry):
      pltpu.sync_copy(pool.at[pl.ds(j * 32, 32), :],
                      shared.at[idxv.at[j]], add=True)
      return carry

    lax.fori_loop(s_first // 32, s_last // 32 + 1, add_block, 0)
    plsc.subcore_barrier()

    @pl.when(sid == 0)
    def _():
      pltpu.sync_copy(shared, out_hbm.at[cid])

  return k(node_flat, segs, Wg2d, bg1)


def _tc_gated_pool(node_features, segs3d, Wg2d, bg2d):
  def body(x_ref, seg_ref, wg_ref, bg_ref, o_ref, acc_ref):
    g = pl.program_id(0)

    @pl.when(g == 0)
    def _():
      acc_ref[...] = jnp.zeros_like(acc_ref)

    x = x_ref[...]
    alpha = jnp.sum(x * wg_ref[...], axis=1, keepdims=True) + bg_ref[...]
    gated = (alpha * x).astype(jnp.bfloat16)
    seg = seg_ref[0, 0, :].astype(jnp.int16)
    oh = (seg[None, :] == lax.broadcasted_iota(
        jnp.int16, (_S, _TCB), 0)).astype(jnp.bfloat16)
    acc_ref[...] += lax.dot_general(
        oh, gated, (((1,), (0,)), ((), ())),
        preferred_element_type=jnp.float32)

    @pl.when(g == _TCG - 1)
    def _():
      o_ref[...] = acc_ref[...]

  blk0 = _K_SC // _TCB
  return pl.pallas_call(
      body,
      grid=(_TCG,),
      in_specs=[
          pl.BlockSpec((_TCB, _D), lambda g: (blk0 + g, 0)),
          pl.BlockSpec((1, 1, _TCB), lambda g: (blk0 + g, 0, 0)),
          pl.BlockSpec((1, _D), lambda g: (0, 0)),
          pl.BlockSpec((1, 1), lambda g: (0, 0)),
      ],
      out_specs=pl.BlockSpec((_S, _D), lambda g: (0, 0)),
      scratch_shapes=[pltpu.VMEM((_S, _D), jnp.float32)],
      out_shape=jax.ShapeDtypeStruct((_S, _D), jnp.float32),
  )(node_features, segs3d, Wg2d, bg2d)


def _tc_finish(sc_partials, tc_partial, Wp, bp2d):
  def body(p_ref, t_ref, wp_ref, bp_ref, o_ref):
    acc = p_ref[0] + p_ref[1] + t_ref[...]
    o_ref[...] = lax.dot_general(
        acc, wp_ref[...], (((1,), (1,)), ((), ())),
        preferred_element_type=jnp.float32) + bp_ref[...]

  return pl.pallas_call(
      body,
      out_shape=jax.ShapeDtypeStruct((_S, _D), jnp.float32),
  )(sc_partials, tc_partial, Wp, bp2d)


def kernel(node_features, batch_list, Wg, bg, Wp, bp):
  segs = batch_list.astype(jnp.int32)
  sc_partials = _sc_gated_pool(node_features.reshape(-1), segs,
                               Wg.astype(jnp.float32),
                               bg.astype(jnp.float32))
  tc_partial = _tc_gated_pool(
      node_features, segs.reshape(_N // _TCB, 1, _TCB),
      Wg.astype(jnp.float32), bg.reshape(1, 1).astype(jnp.float32))
  return _tc_finish(sc_partials, tc_partial, Wp, bp.reshape(1, _D))

# --- scband reference (transcript-rebuilt; emitter-appended) ---
"""Pipeline reference for scband-gated-pooling-20366734918019 (READ-ONLY COPY).

The authoritative reference and input builder live on the scoring server;
editing this copy changes nothing except your own understanding.
"""

import jax, jax.numpy as jnp
import numpy as np

N = 100000
NODE_DIM = 128
POOL_DIM = 128
NUM_SEGMENTS = 512

def setup_inputs(seed: int = 0) -> dict:
    key = jax.random.key(seed)
    k0, k1, k2, k3, k4, k5 = jax.random.split(key, 6)
    node_features = jax.random.normal(k0, (N, NODE_DIM), dtype=jnp.float32)
    batch_list = jnp.sort(jax.random.randint(k1, (N,), 0, NUM_SEGMENTS, dtype=jnp.int64))
    # hgate_node: Linear(node_dim, 1)
    lim_g = 1.0 / np.sqrt(NODE_DIM)
    Wg = jax.random.uniform(k2, (1, NODE_DIM), dtype=jnp.float32, minval=-lim_g, maxval=lim_g)
    bg = jax.random.uniform(k3, (1,), dtype=jnp.float32, minval=-lim_g, maxval=lim_g)
    # poolingLayer: Linear(node_dim, pooling_dim)
    lim_p = 1.0 / np.sqrt(NODE_DIM)
    Wp = jax.random.uniform(k4, (POOL_DIM, NODE_DIM), dtype=jnp.float32, minval=-lim_p, maxval=lim_p)
    bp = jax.random.uniform(k5, (POOL_DIM,), dtype=jnp.float32, minval=-lim_p, maxval=lim_p)
    return {"node_features": node_features, "batch_list": batch_list, "Wg": Wg, "bg": bg, "Wp": Wp, "bp": bp}

def reference(node_features, batch_list, Wg, bg, Wp, bp):
    # hgate_node: per-node scalar gate
    node_alpha = node_features @ Wg.T + bg  # [N, 1]
    gated = node_alpha * node_features      # [N, node_dim]
    # scatter(..., reduce='sum') over batch_list
    node_pool = jax.ops.segment_sum(gated, batch_list, num_segments=NUM_SEGMENTS)  # [G, node_dim]
    # poolingLayer
    return node_pool @ Wp.T + bp             # [G, pooling_dim]

if __name__ == "__main__":
    import jax
    _d = setup_inputs()
    print(jax.jit(kernel)(*tuple(_d.values())))

</pallas_src>

<mosaic_0001>
#map = affine_map<(d0, d1) -> (0)>
#map1 = affine_map<(d0, d1) -> (0, 0)>
#map2 = affine_map<(d0, d1) -> (0, 0, 0)>
module attributes {stable_mosaic.version = 14 : i64} {
  func.func @k(%arg0: i32, %arg1: i32, %arg2: memref<12800000xf32, #tpu.memory_space<hbm>>, %arg3: memref<100000xi32, #tpu.memory_space<hbm>>, %arg4: memref<1x128xf32, #tpu.memory_space<hbm>>, %arg5: memref<1xf32, #tpu.memory_space<hbm>>, %arg6: memref<2x512x128xf32, #tpu.memory_space<hbm>>, %arg7: memref<1680xi32, #tpu.memory_space<vmem>>, %arg8: memref<48000xf32, #tpu.memory_space<vmem>>, %arg9: memref<512x128xf32, #tpu.memory_space<vmem>>, %arg10: memref<1x128xf32, #tpu.memory_space<vmem>>, %arg11: memref<16xf32, #tpu.memory_space<vmem>>, %arg12: memref<16x32xi32, #tpu.memory_space<vmem>>, %arg13: memref<512x128xf32, #tpu.memory_space<vmem_shared>>, %arg14: memref<!tpu.dma_semaphore, #tpu.memory_space<semaphore_mem>>, %arg15: memref<!tpu.dma_semaphore, #tpu.memory_space<semaphore_mem>>, %arg16: memref<!tpu.dma_semaphore, #tpu.memory_space<semaphore_mem>>) attributes {dimension_semantics = [#tpu.dimension_semantics<core_parallel>, #tpu.dimension_semantics<subcore_parallel>], iteration_bounds = array<i64: 2, 16>, scalar_prefetch = 0 : i64, scratch_operands = 10 : i64, tpu.core_type = #tpu.core_type<sc_vector_subcore>, window_params = [{transform_indices = #map}, {transform_indices = #map}, {transform_indices = #map1}, {transform_indices = #map}, {transform_indices = #map2}]} {
    %mul3A = arith.constant 2 : i32
    %mul3A_0 = arith.muli %arg1, %mul3A : i32
    %add3A = arith.addi %mul3A_0, %arg0 : i32
    %mul3A_1 = arith.constant 1625 : i32
    %mul3A_2 = arith.muli %add3A, %mul3A_1 : i32
    %jit3A = arith.constant 16 : i32
    %div3A = arith.divsi %mul3A_2, %jit3A : i32
    %sign3A = arith.constant 0 : i32
    %sign3A_3 = arith.cmpi sgt, %mul3A_2, %sign3A : i32
    %sign3A_4 = arith.extui %sign3A_3 : i1 to i32
    %sign3A_5 = arith.constant 0 : i32
    %sign3A_6 = arith.cmpi slt, %mul3A_2, %sign3A_5 : i32
    %sign3A_7 = arith.extui %sign3A_6 : i1 to i32
    %sign3A_8 = arith.subi %sign3A_4, %sign3A_7 : i32
    %sign3A_9 = arith.constant 0 : i32
    %sign3A_10 = arith.cmpi sgt, %jit3A, %sign3A_9 : i32
    %sign3A_11 = arith.extui %sign3A_10 : i1 to i32
    %sign3A_12 = arith.constant 0 : i32
    %sign3A_13 = arith.cmpi slt, %jit3A, %sign3A_12 : i32
    %sign3A_14 = arith.extui %sign3A_13 : i1 to i32
    %sign3A_15 = arith.subi %sign3A_11, %sign3A_14 : i32
    %ne3A = arith.cmpi ne, %sign3A_8, %sign3A_15 : i32
    %rem3A = arith.remsi %mul3A_2, %jit3A : i32
    %ne3A_16 = arith.constant 0 : i32
    %ne3A_17 = arith.cmpi ne, %rem3A, %ne3A_16 : i32
    %and3A = arith.andi %ne3A, %ne3A_17 : i1
    %sub3A = arith.constant 1 : i32
    %sub3A_18 = arith.subi %div3A, %sub3A : i32
    %select_n3A = arith.select %and3A, %sub3A_18, %div3A : i32
    %mul3A_19 = arith.constant 16 : i32
    %mul3A_20 = arith.muli %select_n3A, %mul3A_19 : i32
    %min3A = arith.constant 98336 : i32
    %min3A_21 = arith.minsi %mul3A_20, %min3A : i32
    %sub3A_22 = arith.subi %mul3A_2, %min3A_21 : i32
    "tpu.region"() ({
      %run_scoped3A = tpu.sem_alloc : memref<!tpu.dma_semaphore, #tpu.memory_space<semaphore_mem>>
      tpu.enqueue_dma source(%arg4 : memref<1x128xf32, #tpu.memory_space<hbm>>) target(%arg10 : memref<1x128xf32, #tpu.memory_space<vmem>>) target_semaphore(%run_scoped3A : memref<!tpu.dma_semaphore, #tpu.memory_space<semaphore_mem>>)
      tpu.wait_dma2 semaphore(%run_scoped3A : memref<!tpu.dma_semaphore, #tpu.memory_space<semaphore_mem>>) src(%arg4 : memref<1x128xf32, #tpu.memory_space<hbm>>) dst(%arg10 : memref<1x128xf32, #tpu.memory_space<vmem>>)
      tpu.yield
    }) : () -> ()
    "tpu.region"() ({
      %run_scoped3A = tpu.sem_alloc : memref<!tpu.dma_semaphore, #tpu.memory_space<semaphore_mem>>
      %dma_start3A_484 = arith.constant 0 : i32
      %dma_start3A_485 = tpu.memref_slice %arg11[%dma_start3A_484] : memref<16xf32, #tpu.memory_space<vmem>> -> memref<1xf32, #tpu.memory_space<vmem>>
      %dma_start3A_486 = arith.constant 0 : i32
      %dma_start3A_487 = tpu.memref_slice %arg11[%dma_start3A_486] : memref<16xf32, #tpu.memory_space<vmem>> -> memref<1xf32, #tpu.memory_space<vmem>>
      tpu.enqueue_dma source(%arg5 : memref<1xf32, #tpu.memory_space<hbm>>) target(%dma_start3A_487 : memref<1xf32, #tpu.memory_space<vmem>>) target_semaphore(%run_scoped3A : memref<!tpu.dma_semaphore, #tpu.memory_space<semaphore_mem>>)
      %dma_wait3A = arith.constant 0 : i32
      %dma_wait3A_488 = tpu.memref_slice %arg11[%dma_wait3A] : memref<16xf32, #tpu.memory_space<vmem>> -> memref<1xf32, #tpu.memory_space<vmem>>
      %dma_wait3A_489 = arith.constant 0 : i32
      %dma_wait3A_490 = tpu.memref_slice %arg11[%dma_wait3A_489] : memref<16xf32, #tpu.memory_space<vmem>> -> memref<1xf32, #tpu.memory_space<vmem>>
      tpu.wait_dma2 semaphore(%run_scoped3A : memref<!tpu.dma_semaphore, #tpu.memory_space<semaphore_mem>>) src(%arg5 : memref<1xf32, #tpu.memory_space<hbm>>) dst(%dma_wait3A_490 : memref<1xf32, #tpu.memory_space<vmem>>)
      tpu.yield
    }) : () -> ()
    "tpu.region"() ({
      %run_scoped3A = tpu.sem_alloc : memref<!tpu.dma_semaphore, #tpu.memory_space<semaphore_mem>>
      %dma_start3A_484 = arith.constant 0 : i32
      %dma_start3A_485 = tpu.memref_slice %arg7[%dma_start3A_484] : memref<1680xi32, #tpu.memory_space<vmem>> -> memref<1664xi32, #tpu.memory_space<vmem>>
      %dma_start3A_486 = tpu.memref_slice %arg3[%min3A_21] : memref<100000xi32, #tpu.memory_space<hbm>> -> memref<1664xi32, #tpu.memory_space<hbm>>
      %dma_start3A_487 = arith.constant 0 : i32
      %dma_start3A_488 = tpu.memref_slice %arg7[%dma_start3A_487] : memref<1680xi32, #tpu.memory_space<vmem>> -> memref<1664xi32, #tpu.memory_space<vmem>>
      %dma_start3A_489 = tpu.memref_slice %arg3[%min3A_21] : memref<100000xi32, #tpu.memory_space<hbm>> -> memref<1664xi32, #tpu.memory_space<hbm>>
      tpu.enqueue_dma source(%dma_start3A_489 : memref<1664xi32, #tpu.memory_space<hbm>>) target(%dma_start3A_488 : memref<1664xi32, #tpu.memory_space<vmem>>) target_semaphore(%run_scoped3A : memref<!tpu.dma_semaphore, #tpu.memory_space<semaphore_mem>>)
      %dma_wait3A = arith.constant 0 : i32
      %dma_wait3A_490 = tpu.memref_slice %arg7[%dma_wait3A] : memref<1680xi32, #tpu.memory_space<vmem>> -> memref<1664xi32, #tpu.memory_space<vmem>>
      %dma_wait3A_491 = tpu.memref_slice %arg3[%min3A_21] : memref<100000xi32, #tpu.memory_space<hbm>> -> memref<1664xi32, #tpu.memory_space<hbm>>
      %dma_wait3A_492 = arith.constant 0 : i32
      %dma_wait3A_493 = tpu.memref_slice %arg7[%dma_wait3A_492] : memref<1680xi32, #tpu.memory_space<vmem>> -> memref<1664xi32, #tpu.memory_space<vmem>>
      %dma_wait3A_494 = tpu.memref_slice %arg3[%min3A_21] : memref<100000xi32, #tpu.memory_space<hbm>> -> memref<1664xi32, #tpu.memory_space<hbm>>
      tpu.wait_dma2 semaphore(%run_scoped3A : memref<!tpu.dma_semaphore, #tpu.memory_space<semaphore_mem>>) src(%dma_wait3A_494 : memref<1664xi32, #tpu.memory_space<hbm>>) dst(%dma_wait3A_493 : memref<1664xi32, #tpu.memory_space<vmem>>)
      tpu.yield
    }) : () -> ()
    %broadcast_in_dim3A = arith.constant 0.000000e+00 : f32
    %broadcast_in_dim3A_23 = vector.broadcast %broadcast_in_dim3A : f32 to vector<16xf32>
    %parallel_loop3A = arith.constant 0 : i32
    %parallel_loop3A_24 = arith.constant 512 : i32
    %parallel_loop3A_25 = arith.constant 1 : i32
    scf.for %parallel_loop3A_484 = %parallel_loop3A to %parallel_loop3A_24 step %parallel_loop3A_25  : i32 {
      %parallel_loop3A_485 = arith.index_cast %parallel_loop3A_484 : i32 to index
      %parallel_loop3A_486 = arith.constant 0 : index
      %parallel_loop3A_487 = tpu.vector_load %arg9[%parallel_loop3A_485, %parallel_loop3A_486] {strides = array<i32>} : memref<512x128xf32, #tpu.memory_space<vmem>>, vector<1x16xf32>,
      %parallel_loop3A_488 = vector.shape_cast %parallel_loop3A_487 : vector<1x16xf32> to vector<16xf32>
      %parallel_loop3A_489 = vector.shape_cast %broadcast_in_dim3A_23 : vector<16xf32> to vector<1x16xf32>
      tpu.vector_store %arg9[%parallel_loop3A_485, %parallel_loop3A_486], %parallel_loop3A_489 {strides = array<i32>} : memref<512x128xf32, #tpu.memory_space<vmem>>, vector<1x16xf32>,
      %parallel_loop3A_490 = arith.index_cast %parallel_loop3A_484 : i32 to index
      %parallel_loop3A_491 = arith.constant 16 : index
      %parallel_loop3A_492 = tpu.vector_load %arg9[%parallel_loop3A_490, %parallel_loop3A_491] {strides = array<i32>} : memref<512x128xf32, #tpu.memory_space<vmem>>, vector<1x16xf32>,
      %parallel_loop3A_493 = vector.shape_cast %parallel_loop3A_492 : vector<1x16xf32> to vector<16xf32>
      %parallel_loop3A_494 = vector.shape_cast %broadcast_in_dim3A_23 : vector<16xf32> to vector<1x16xf32>
      tpu.vector_store %arg9[%parallel_loop3A_490, %parallel_loop3A_491], %parallel_loop3A_494 {strides = array<i32>} : memref<512x128xf32, #tpu.memory_space<vmem>>, vector<1x16xf32>,
      %parallel_loop3A_495 = arith.index_cast %parallel_loop3A_484 : i32 to index
      %parallel_loop3A_496 = arith.constant 32 : index
      %parallel_loop3A_497 = tpu.vector_load %arg9[%parallel_loop3A_495, %parallel_loop3A_496] {strides = array<i32>} : memref<512x128xf32, #tpu.memory_space<vmem>>, vector<1x16xf32>,
      %parallel_loop3A_498 = vector.shape_cast %parallel_loop3A_497 : vector<1x16xf32> to vector<16xf32>
      %parallel_loop3A_499 = vector.shape_cast %broadcast_in_dim3A_23 : vector<16xf32> to vector<1x16xf32>
      tpu.vector_store %arg9[%parallel_loop3A_495, %parallel_loop3A_496], %parallel_loop3A_499 {strides = array<i32>} : memref<512x128xf32, #tpu.memory_space<vmem>>, vector<1x16xf32>,
      %parallel_loop3A_500 = arith.index_cast %parallel_loop3A_484 : i32 to index
      %parallel_loop3A_501 = arith.constant 48 : index
      %parallel_loop3A_502 = tpu.vector_load %arg9[%parallel_loop3A_500, %parallel_loop3A_501] {strides = array<i32>} : memref<512x128xf32, #tpu.memory_space<vmem>>, vector<1x16xf32>,
      %parallel_loop3A_503 = vector.shape_cast %parallel_loop3A_502 : vector<1x16xf32> to vector<16xf32>
      %parallel_loop3A_504 = vector.shape_cast %broadcast_in_dim3A_23 : vector<16xf32> to vector<1x16xf32>
      tpu.vector_store %arg9[%parallel_loop3A_500, %parallel_loop3A_501], %parallel_loop3A_504 {strides = array<i32>} : memref<512x128xf32, #tpu.memory_space<vmem>>, vector<1x16xf32>,
      %parallel_loop3A_505 = arith.index_cast %parallel_loop3A_484 : i32 to index
      %parallel_loop3A_506 = arith.constant 64 : index
      %parallel_loop3A_507 = tpu.vector_load %arg9[%parallel_loop3A_505, %parallel_loop3A_506] {strides = array<i32>} : memref<512x128xf32, #tpu.memory_space<vmem>>, vector<1x16xf32>,
      %parallel_loop3A_508 = vector.shape_cast %parallel_loop3A_507 : vector<1x16xf32> to vector<16xf32>
      %parallel_loop3A_509 = vector.shape_cast %broadcast_in_dim3A_23 : vector<16xf32> to vector<1x16xf32>
      tpu.vector_store %arg9[%parallel_loop3A_505, %parallel_loop3A_506], %parallel_loop3A_509 {strides = array<i32>} : memref<512x128xf32, #tpu.memory_space<vmem>>, vector<1x16xf32>,
      %parallel_loop3A_510 = arith.index_cast %parallel_loop3A_484 : i32 to index
      %parallel_loop3A_511 = arith.constant 80 : index
      %parallel_loop3A_512 = tpu.vector_load %arg9[%parallel_loop3A_510, %parallel_loop3A_511] {strides = array<i32>} : memref<512x128xf32, #tpu.memory_space<vmem>>, vector<1x16xf32>,
      %parallel_loop3A_513 = vector.shape_cast %parallel_loop3A_512 : vector<1x16xf32> to vector<16xf32>
      %parallel_loop3A_514 = vector.shape_cast %broadcast_in_dim3A_23 : vector<16xf32> to vector<1x16xf32>
      tpu.vector_store %arg9[%parallel_loop3A_510, %parallel_loop3A_511], %parallel_loop3A_514 {strides = array<i32>} : memref<512x128xf32, #tpu.memory_space<vmem>>, vector<1x16xf32>,
      %parallel_loop3A_515 = arith.index_cast %parallel_loop3A_484 : i32 to index
      %parallel_loop3A_516 = arith.constant 96 : index
      %parallel_loop3A_517 = tpu.vector_load %arg9[%parallel_loop3A_515, %parallel_loop3A_516] {strides = array<i32>} : memref<512x128xf32, #tpu.memory_space<vmem>>, vector<1x16xf32>,
      %parallel_loop3A_518 = vector.shape_cast %parallel_loop3A_517 : vector<1x16xf32> to vector<16xf32>
      %parallel_loop3A_519 = vector.shape_cast %broadcast_in_dim3A_23 : vector<16xf32> to vector<1x16xf32>
      tpu.vector_store %arg9[%parallel_loop3A_515, %parallel_loop3A_516], %parallel_loop3A_519 {strides = array<i32>} : memref<512x128xf32, #tpu.memory_space<vmem>>, vector<1x16xf32>,
      %parallel_loop3A_520 = arith.index_cast %parallel_loop3A_484 : i32 to index
      %parallel_loop3A_521 = arith.constant 112 : index
      %parallel_loop3A_522 = tpu.vector_load %arg9[%parallel_loop3A_520, %parallel_loop3A_521] {strides = array<i32>} : memref<512x128xf32, #tpu.memory_space<vmem>>, vector<1x16xf32>,
      %parallel_loop3A_523 = vector.shape_cast %parallel_loop3A_522 : vector<1x16xf32> to vector<16xf32>
      %parallel_loop3A_524 = vector.shape_cast %broadcast_in_dim3A_23 : vector<16xf32> to vector<1x16xf32>
      tpu.vector_store %arg9[%parallel_loop3A_520, %parallel_loop3A_521], %parallel_loop3A_524 {strides = array<i32>} : memref<512x128xf32, #tpu.memory_space<vmem>>, vector<1x16xf32>,
    } {sc.loop_unroll_factor = 8 : i64, sc.parallel_access}
    %iota3A = tpu.iota {dimensions = array<i32: 0>} : vector<16xi32>
    %add3A_26 = arith.constant 0 : i32
    %add3A_27 = vector.broadcast %add3A_26 : i32 to vector<16xi32>
    %add3A_28 = arith.addi %iota3A, %add3A_27 : vector<16xi32>
    %swap3A = arith.constant 0 : i32
    %swap3A_29 = arith.index_cast %swap3A : i32 to index
    %swap3A_30 = arith.constant 0 : index
    %swap3A_31 = tpu.vector_load %arg12[%swap3A_29, %swap3A_30] {strides = array<i32>} : memref<16x32xi32, #tpu.memory_space<vmem>>, vector<1x16xi32>,
    %swap3A_32 = vector.shape_cast %swap3A_31 : vector<1x16xi32> to vector<16xi32>
    %swap3A_33 = vector.shape_cast %add3A_28 : vector<16xi32> to vector<1x16xi32>
    tpu.vector_store %arg12[%swap3A_29, %swap3A_30], %swap3A_33 {strides = array<i32>} : memref<16x32xi32, #tpu.memory_space<vmem>>, vector<1x16xi32>,
    %add3A_34 = arith.constant 16 : i32
    %add3A_35 = vector.broadcast %add3A_34 : i32 to vector<16xi32>
    %add3A_36 = arith.addi %iota3A, %add3A_35 : vector<16xi32>
    %swap3A_37 = arith.constant 0 : i32
    %swap3A_38 = arith.index_cast %swap3A_37 : i32 to index
    %swap3A_39 = arith.constant 16 : index
    %swap3A_40 = tpu.vector_load %arg12[%swap3A_38, %swap3A_39] {strides = array<i32>} : memref<16x32xi32, #tpu.memory_space<vmem>>, vector<1x16xi32>,
    %swap3A_41 = vector.shape_cast %swap3A_40 : vector<1x16xi32> to vector<16xi32>
    %swap3A_42 = vector.shape_cast %add3A_36 : vector<16xi32> to vector<1x16xi32>
    tpu.vector_store %arg12[%swap3A_38, %swap3A_39], %swap3A_42 {strides = array<i32>} : memref<16x32xi32, #tpu.memory_space<vmem>>, vector<1x16xi32>,
    %add3A_43 = arith.constant 32 : i32
    %add3A_44 = vector.broadcast %add3A_43 : i32 to vector<16xi32>
    %add3A_45 = arith.addi %iota3A, %add3A_44 : vector<16xi32>
    %swap3A_46 = arith.constant 1 : i32
    %swap3A_47 = arith.index_cast %swap3A_46 : i32 to index
    %swap3A_48 = arith.constant 0 : index
    %swap3A_49 = tpu.vector_load %arg12[%swap3A_47, %swap3A_48] {strides = array<i32>} : memref<16x32xi32, #tpu.memory_space<vmem>>, vector<1x16xi32>,
    %swap3A_50 = vector.shape_cast %swap3A_49 : vector<1x16xi32> to vector<16xi32>
    %swap3A_51 = vector.shape_cast %add3A_45 : vector<16xi32> to vector<1x16xi32>
    tpu.vector_store %arg12[%swap3A_47, %swap3A_48], %swap3A_51 {strides = array<i32>} : memref<16x32xi32, #tpu.memory_space<vmem>>, vector<1x16xi32>,
    %add3A_52 = arith.constant 48 : i32
    %add3A_53 = vector.broadcast %add3A_52 : i32 to vector<16xi32>
    %add3A_54 = arith.addi %iota3A, %add3A_53 : vector<16xi32>
    %swap3A_55 = arith.constant 1 : i32
    %swap3A_56 = arith.index_cast %swap3A_55 : i32 to index
    %swap3A_57 = arith.constant 16 : index
    %swap3A_58 = tpu.vector_load %arg12[%swap3A_56, %swap3A_57] {strides = array<i32>} : memref<16x32xi32, #tpu.memory_space<vmem>>, vector<1x16xi32>,
    %swap3A_59 = vector.shape_cast %swap3A_58 : vector<1x16xi32> to vector<16xi32>
    %swap3A_60 = vector.shape_cast %add3A_54 : vector<16xi32> to vector<1x16xi32>
    tpu.vector_store %arg12[%swap3A_56, %swap3A_57], %swap3A_60 {strides = array<i32>} : memref<16x32xi32, #tpu.memory_space<vmem>>, vector<1x16xi32>,
    %add3A_61 = arith.constant 64 : i32
    %add3A_62 = vector.broadcast %add3A_61 : i32 to vector<16xi32>
    %add3A_63 = arith.addi %iota3A, %add3A_62 : vector<16xi32>
    %swap3A_64 = arith.constant 2 : i32
    %swap3A_65 = arith.index_cast %swap3A_64 : i32 to index
    %swap3A_66 = arith.constant 0 : index
    %swap3A_67 = tpu.vector_load %arg12[%swap3A_65, %swap3A_66] {strides = array<i32>} : memref<16x32xi32, #tpu.memory_space<vmem>>, vector<1x16xi32>,
    %swap3A_68 = vector.shape_cast %swap3A_67 : vector<1x16xi32> to vector<16xi32>
    %swap3A_69 = vector.shape_cast %add3A_63 : vector<16xi32> to vector<1x16xi32>
    tpu.vector_store %arg12[%swap3A_65, %swap3A_66], %swap3A_69 {strides = array<i32>} : memref<16x32xi32, #tpu.memory_space<vmem>>, vector<1x16xi32>,
    %add3A_70 = arith.constant 80 : i32
    %add3A_71 = vector.broadcast %add3A_70 : i32 to vector<16xi32>
    %add3A_72 = arith.addi %iota3A, %add3A_71 : vector<16xi32>
    %swap3A_73 = arith.constant 2 : i32
    %swap3A_74 = arith.index_cast %swap3A_73 : i32 to index
    %swap3A_75 = arith.constant 16 : index
    %swap3A_76 = tpu.vector_load %arg12[%swap3A_74, %swap3A_75] {strides = array<i32>} : memref<16x32xi32, #tpu.memory_space<vmem>>, vector<1x16xi32>,
    %swap3A_77 = vector.shape_cast %swap3A_76 : vector<1x16xi32> to vector<16xi32>
    %swap3A_78 = vector.shape_cast %add3A_72 : vector<16xi32> to vector<1x16xi32>
    tpu.vector_store %arg12[%swap3A_74, %swap3A_75], %swap3A_78 {strides = array<i32>} : memref<16x32xi32, #tpu.memory_space<vmem>>, vector<1x16xi32>,
    %add3A_79 = arith.constant 96 : i32
    %add3A_80 = vector.broadcast %add3A_79 : i32 to vector<16xi32>
    %add3A_81 = arith.addi %iota3A, %add3A_80 : vector<16xi32>
    %swap3A_82 = arith.constant 3 : i32
    %swap3A_83 = arith.index_cast %swap3A_82 : i32 to index
    %swap3A_84 = arith.constant 0 : index
    %swap3A_85 = tpu.vector_load %arg12[%swap3A_83, %swap3A_84] {strides = array<i32>} : memref<16x32xi32, #tpu.memory_space<vmem>>, vector<1x16xi32>,
    %swap3A_86 = vector.shape_cast %swap3A_85 : vector<1x16xi32> to vector<16xi32>
    %swap3A_87 = vector.shape_cast %add3A_81 : vector<16xi32> to vector<1x16xi32>
    tpu.vector_store %arg12[%swap3A_83, %swap3A_84], %swap3A_87 {strides = array<i32>} : memref<16x32xi32, #tpu.memory_space<vmem>>, vector<1x16xi32>,
    %add3A_88 = arith.constant 112 : i32
    %add3A_89 = vector.broadcast %add3A_88 : i32 to vector<16xi32>
    %add3A_90 = arith.addi %iota3A, %add3A_89 : vector<16xi32>
    %swap3A_91 = arith.constant 3 : i32
    %swap3A_92 = arith.index_cast %swap3A_91 : i32 to index
    %swap3A_93 = arith.constant 16 : index
    %swap3A_94 = tpu.vector_load %arg12[%swap3A_92, %swap3A_93] {strides = array<i32>} : memref<16x32xi32, #tpu.memory_space<vmem>>, vector<1x16xi32>,
    %swap3A_95 = vector.shape_cast %swap3A_94 : vector<1x16xi32> to vector<16xi32>
    %swap3A_96 = vector.shape_cast %add3A_90 : vector<16xi32> to vector<1x16xi32>
    tpu.vector_store %arg12[%swap3A_92, %swap3A_93], %swap3A_96 {strides = array<i32>} : memref<16x32xi32, #tpu.memory_space<vmem>>, vector<1x16xi32>,
    %add3A_97 = arith.constant 128 : i32
    %add3A_98 = vector.broadcast %add3A_97 : i32 to vector<16xi32>
    %add3A_99 = arith.addi %iota3A, %add3A_98 : vector<16xi32>
    %swap3A_100 = arith.constant 4 : i32
    %swap3A_101 = arith.index_cast %swap3A_100 : i32 to index
    %swap3A_102 = arith.constant 0 : index
    %swap3A_103 = tpu.vector_load %arg12[%swap3A_101, %swap3A_102] {strides = array<i32>} : memref<16x32xi32, #tpu.memory_space<vmem>>, vector<1x16xi32>,
    %swap3A_104 = vector.shape_cast %swap3A_103 : vector<1x16xi32> to vector<16xi32>
    %swap3A_105 = vector.shape_cast %add3A_99 : vector<16xi32> to vector<1x16xi32>
    tpu.vector_store %arg12[%swap3A_101, %swap3A_102], %swap3A_105 {strides = array<i32>} : memref<16x32xi32, #tpu.memory_space<vmem>>, vector<1x16xi32>,
    %add3A_106 = arith.constant 144 : i32
    %add3A_107 = vector.broadcast %add3A_106 : i32 to vector<16xi32>
    %add3A_108 = arith.addi %iota3A, %add3A_107 : vector<16xi32>
    %swap3A_109 = arith.constant 4 : i32
    %swap3A_110 = arith.index_cast %swap3A_109 : i32 to index
    %swap3A_111 = arith.constant 16 : index
    %swap3A_112 = tpu.vector_load %arg12[%swap3A_110, %swap3A_111] {strides = array<i32>} : memref<16x32xi32, #tpu.memory_space<vmem>>, vector<1x16xi32>,
    %swap3A_113 = vector.shape_cast %swap3A_112 : vector<1x16xi32> to vector<16xi32>
    %swap3A_114 = vector.shape_cast %add3A_108 : vector<16xi32> to vector<1x16xi32>
    tpu.vector_store %arg12[%swap3A_110, %swap3A_111], %swap3A_114 {strides = array<i32>} : memref<16x32xi32, #tpu.memory_space<vmem>>, vector<1x16xi32>,
    %add3A_115 = arith.constant 160 : i32
    %add3A_116 = vector.broadcast %add3A_115 : i32 to vector<16xi32>
    %add3A_117 = arith.addi %iota3A, %add3A_116 : vector<16xi32>
    %swap3A_118 = arith.constant 5 : i32
    %swap3A_119 = arith.index_cast %swap3A_118 : i32 to index
    %swap3A_120 = arith.constant 0 : index
    %swap3A_121 = tpu.vector_load %arg12[%swap3A_119, %swap3A_120] {strides = array<i32>} : memref<16x32xi32, #tpu.memory_space<vmem>>, vector<1x16xi32>,
    %swap3A_122 = vector.shape_cast %swap3A_121 : vector<1x16xi32> to vector<16xi32>
    %swap3A_123 = vector.shape_cast %add3A_117 : vector<16xi32> to vector<1x16xi32>
    tpu.vector_store %arg12[%swap3A_119, %swap3A_120], %swap3A_123 {strides = array<i32>} : memref<16x32xi32, #tpu.memory_space<vmem>>, vector<1x16xi32>,
    %add3A_124 = arith.constant 176 : i32
    %add3A_125 = vector.broadcast %add3A_124 : i32 to vector<16xi32>
    %add3A_126 = arith.addi %iota3A, %add3A_125 : vector<16xi32>
    %swap3A_127 = arith.constant 5 : i32
    %swap3A_128 = arith.index_cast %swap3A_127 : i32 to index
    %swap3A_129 = arith.constant 16 : index
    %swap3A_130 = tpu.vector_load %arg12[%swap3A_128, %swap3A_129] {strides = array<i32>} : memref<16x32xi32, #tpu.memory_space<vmem>>, vector<1x16xi32>,
    %swap3A_131 = vector.shape_cast %swap3A_130 : vector<1x16xi32> to vector<16xi32>
    %swap3A_132 = vector.shape_cast %add3A_126 : vector<16xi32> to vector<1x16xi32>
    tpu.vector_store %arg12[%swap3A_128, %swap3A_129], %swap3A_132 {strides = array<i32>} : memref<16x32xi32, #tpu.memory_space<vmem>>, vector<1x16xi32>,
    %add3A_133 = arith.constant 192 : i32
    %add3A_134 = vector.broadcast %add3A_133 : i32 to vector<16xi32>
    %add3A_135 = arith.addi %iota3A, %add3A_134 : vector<16xi32>
    %swap3A_136 = arith.constant 6 : i32
    %swap3A_137 = arith.index_cast %swap3A_136 : i32 to index
    %swap3A_138 = arith.constant 0 : index
    %swap3A_139 = tpu.vector_load %arg12[%swap3A_137, %swap3A_138] {strides = array<i32>} : memref<16x32xi32, #tpu.memory_space<vmem>>, vector<1x16xi32>,
    %swap3A_140 = vector.shape_cast %swap3A_139 : vector<1x16xi32> to vector<16xi32>
    %swap3A_141 = vector.shape_cast %add3A_135 : vector<16xi32> to vector<1x16xi32>
    tpu.vector_store %arg12[%swap3A_137, %swap3A_138], %swap3A_141 {strides = array<i32>} : memref<16x32xi32, #tpu.memory_space<vmem>>, vector<1x16xi32>,
    %add3A_142 = arith.constant 208 : i32
    %add3A_143 = vector.broadcast %add3A_142 : i32 to vector<16xi32>
    %add3A_144 = arith.addi %iota3A, %add3A_143 : vector<16xi32>
    %swap3A_145 = arith.constant 6 : i32
    %swap3A_146 = arith.index_cast %swap3A_145 : i32 to index
    %swap3A_147 = arith.constant 16 : index
    %swap3A_148 = tpu.vector_load %arg12[%swap3A_146, %swap3A_147] {strides = array<i32>} : memref<16x32xi32, #tpu.memory_space<vmem>>, vector<1x16xi32>,
    %swap3A_149 = vector.shape_cast %swap3A_148 : vector<1x16xi32> to vector<16xi32>
    %swap3A_150 = vector.shape_cast %add3A_144 : vector<16xi32> to vector<1x16xi32>
    tpu.vector_store %arg12[%swap3A_146, %swap3A_147], %swap3A_150 {strides = array<i32>} : memref<16x32xi32, #tpu.memory_space<vmem>>, vector<1x16xi32>,
    %add3A_151 = arith.constant 224 : i32
    %add3A_152 = vector.broadcast %add3A_151 : i32 to vector<16xi32>
    %add3A_153 = arith.addi %iota3A, %add3A_152 : vector<16xi32>
    %swap3A_154 = arith.constant 7 : i32
    %swap3A_155 = arith.index_cast %swap3A_154 : i32 to index
    %swap3A_156 = arith.constant 0 : index
    %swap3A_157 = tpu.vector_load %arg12[%swap3A_155, %swap3A_156] {strides = array<i32>} : memref<16x32xi32, #tpu.memory_space<vmem>>, vector<1x16xi32>,
    %swap3A_158 = vector.shape_cast %swap3A_157 : vector<1x16xi32> to vector<16xi32>
    %swap3A_159 = vector.shape_cast %add3A_153 : vector<16xi32> to vector<1x16xi32>
    tpu.vector_store %arg12[%swap3A_155, %swap3A_156], %swap3A_159 {strides = array<i32>} : memref<16x32xi32, #tpu.memory_space<vmem>>, vector<1x16xi32>,
    %add3A_160 = arith.constant 240 : i32
    %add3A_161 = vector.broadcast %add3A_160 : i32 to vector<16xi32>
    %add3A_162 = arith.addi %iota3A, %add3A_161 : vector<16xi32>
    %swap3A_163 = arith.constant 7 : i32
    %swap3A_164 = arith.index_cast %swap3A_163 : i32 to index
    %swap3A_165 = arith.constant 16 : index
    %swap3A_166 = tpu.vector_load %arg12[%swap3A_164, %swap3A_165] {strides = array<i32>} : memref<16x32xi32, #tpu.memory_space<vmem>>, vector<1x16xi32>,
    %swap3A_167 = vector.shape_cast %swap3A_166 : vector<1x16xi32> to vector<16xi32>
    %swap3A_168 = vector.shape_cast %add3A_162 : vector<16xi32> to vector<1x16xi32>
    tpu.vector_store %arg12[%swap3A_164, %swap3A_165], %swap3A_168 {strides = array<i32>} : memref<16x32xi32, #tpu.memory_space<vmem>>, vector<1x16xi32>,
    %add3A_169 = arith.constant 256 : i32
    %add3A_170 = vector.broadcast %add3A_169 : i32 to vector<16xi32>
    %add3A_171 = arith.addi %iota3A, %add3A_170 : vector<16xi32>
    %swap3A_172 = arith.constant 8 : i32
    %swap3A_173 = arith.index_cast %swap3A_172 : i32 to index
    %swap3A_174 = arith.constant 0 : index
    %swap3A_175 = tpu.vector_load %arg12[%swap3A_173, %swap3A_174] {strides = array<i32>} : memref<16x32xi32, #tpu.memory_space<vmem>>, vector<1x16xi32>,
    %swap3A_176 = vector.shape_cast %swap3A_175 : vector<1x16xi32> to vector<16xi32>
    %swap3A_177 = vector.shape_cast %add3A_171 : vector<16xi32> to vector<1x16xi32>
    tpu.vector_store %arg12[%swap3A_173, %swap3A_174], %swap3A_177 {strides = array<i32>} : memref<16x32xi32, #tpu.memory_space<vmem>>, vector<1x16xi32>,
    %add3A_178 = arith.constant 272 : i32
    %add3A_179 = vector.broadcast %add3A_178 : i32 to vector<16xi32>
    %add3A_180 = arith.addi %iota3A, %add3A_179 : vector<16xi32>
    %swap3A_181 = arith.constant 8 : i32
    %swap3A_182 = arith.index_cast %swap3A_181 : i32 to index
    %swap3A_183 = arith.constant 16 : index
    %swap3A_184 = tpu.vector_load %arg12[%swap3A_182, %swap3A_183] {strides = array<i32>} : memref<16x32xi32, #tpu.memory_space<vmem>>, vector<1x16xi32>,
    %swap3A_185 = vector.shape_cast %swap3A_184 : vector<1x16xi32> to vector<16xi32>
    %swap3A_186 = vector.shape_cast %add3A_180 : vector<16xi32> to vector<1x16xi32>
    tpu.vector_store %arg12[%swap3A_182, %swap3A_183], %swap3A_186 {strides = array<i32>} : memref<16x32xi32, #tpu.memory_space<vmem>>, vector<1x16xi32>,
    %add3A_187 = arith.constant 288 : i32
    %add3A_188 = vector.broadcast %add3A_187 : i32 to vector<16xi32>
    %add3A_189 = arith.addi %iota3A, %add3A_188 : vector<16xi32>
    %swap3A_190 = arith.constant 9 : i32
    %swap3A_191 = arith.index_cast %swap3A_190 : i32 to index
    %swap3A_192 = arith.constant 0 : index
    %swap3A_193 = tpu.vector_load %arg12[%swap3A_191, %swap3A_192] {strides = array<i32>} : memref<16x32xi32, #tpu.memory_space<vmem>>, vector<1x16xi32>,
    %swap3A_194 = vector.shape_cast %swap3A_193 : vector<1x16xi32> to vector<16xi32>
    %swap3A_195 = vector.shape_cast %add3A_189 : vector<16xi32> to vector<1x16xi32>
    tpu.vector_store %arg12[%swap3A_191, %swap3A_192], %swap3A_195 {strides = array<i32>} : memref<16x32xi32, #tpu.memory_space<vmem>>, vector<1x16xi32>,
    %add3A_196 = arith.constant 304 : i32
    %add3A_197 = vector.broadcast %add3A_196 : i32 to vector<16xi32>
    %add3A_198 = arith.addi %iota3A, %add3A_197 : vector<16xi32>
    %swap3A_199 = arith.constant 9 : i32
    %swap3A_200 = arith.index_cast %swap3A_199 : i32 to index
    %swap3A_201 = arith.constant 16 : index
    %swap3A_202 = tpu.vector_load %arg12[%swap3A_200, %swap3A_201] {strides = array<i32>} : memref<16x32xi32, #tpu.memory_space<vmem>>, vector<1x16xi32>,
    %swap3A_203 = vector.shape_cast %swap3A_202 : vector<1x16xi32> to vector<16xi32>
    %swap3A_204 = vector.shape_cast %add3A_198 : vector<16xi32> to vector<1x16xi32>
    tpu.vector_store %arg12[%swap3A_200, %swap3A_201], %swap3A_204 {strides = array<i32>} : memref<16x32xi32, #tpu.memory_space<vmem>>, vector<1x16xi32>,
    %add3A_205 = arith.constant 320 : i32
    %add3A_206 = vector.broadcast %add3A_205 : i32 to vector<16xi32>
    %add3A_207 = arith.addi %iota3A, %add3A_206 : vector<16xi32>
    %swap3A_208 = arith.constant 10 : i32
    %swap3A_209 = arith.index_cast %swap3A_208 : i32 to index
    %swap3A_210 = arith.constant 0 : index
    %swap3A_211 = tpu.vector_load %arg12[%swap3A_209, %swap3A_210] {strides = array<i32>} : memref<16x32xi32, #tpu.memory_space<vmem>>, vector<1x16xi32>,
    %swap3A_212 = vector.shape_cast %swap3A_211 : vector<1x16xi32> to vector<16xi32>
    %swap3A_213 = vector.shape_cast %add3A_207 : vector<16xi32> to vector<1x16xi32>
    tpu.vector_store %arg12[%swap3A_209, %swap3A_210], %swap3A_213 {strides = array<i32>} : memref<16x32xi32, #tpu.memory_space<vmem>>, vector<1x16xi32>,
    %add3A_214 = arith.constant 336 : i32
    %add3A_215 = vector.broadcast %add3A_214 : i32 to vector<16xi32>
    %add3A_216 = arith.addi %iota3A, %add3A_215 : vector<16xi32>
    %swap3A_217 = arith.constant 10 : i32
    %swap3A_218 = arith.index_cast %swap3A_217 : i32 to index
    %swap3A_219 = arith.constant 16 : index
    %swap3A_220 = tpu.vector_load %arg12[%swap3A_218, %swap3A_219] {strides = array<i32>} : memref<16x32xi32, #tpu.memory_space<vmem>>, vector<1x16xi32>,
    %swap3A_221 = vector.shape_cast %swap3A_220 : vector<1x16xi32> to vector<16xi32>
    %swap3A_222 = vector.shape_cast %add3A_216 : vector<16xi32> to vector<1x16xi32>
    tpu.vector_store %arg12[%swap3A_218, %swap3A_219], %swap3A_222 {strides = array<i32>} : memref<16x32xi32, #tpu.memory_space<vmem>>, vector<1x16xi32>,
    %add3A_223 = arith.constant 352 : i32
    %add3A_224 = vector.broadcast %add3A_223 : i32 to vector<16xi32>
    %add3A_225 = arith.addi %iota3A, %add3A_224 : vector<16xi32>
    %swap3A_226 = arith.constant 11 : i32
    %swap3A_227 = arith.index_cast %swap3A_226 : i32 to index
    %swap3A_228 = arith.constant 0 : index
    %swap3A_229 = tpu.vector_load %arg12[%swap3A_227, %swap3A_228] {strides = array<i32>} : memref<16x32xi32, #tpu.memory_space<vmem>>, vector<1x16xi32>,
    %swap3A_230 = vector.shape_cast %swap3A_229 : vector<1x16xi32> to vector<16xi32>
    %swap3A_231 = vector.shape_cast %add3A_225 : vector<16xi32> to vector<1x16xi32>
    tpu.vector_store %arg12[%swap3A_227, %swap3A_228], %swap3A_231 {strides = array<i32>} : memref<16x32xi32, #tpu.memory_space<vmem>>, vector<1x16xi32>,
    %add3A_232 = arith.constant 368 : i32
    %add3A_233 = vector.broadcast %add3A_232 : i32 to vector<16xi32>
    %add3A_234 = arith.addi %iota3A, %add3A_233 : vector<16xi32>
    %swap3A_235 = arith.constant 11 : i32
    %swap3A_236 = arith.index_cast %swap3A_235 : i32 to index
    %swap3A_237 = arith.constant 16 : index
    %swap3A_238 = tpu.vector_load %arg12[%swap3A_236, %swap3A_237] {strides = array<i32>} : memref<16x32xi32, #tpu.memory_space<vmem>>, vector<1x16xi32>,
    %swap3A_239 = vector.shape_cast %swap3A_238 : vector<1x16xi32> to vector<16xi32>
    %swap3A_240 = vector.shape_cast %add3A_234 : vector<16xi32> to vector<1x16xi32>
    tpu.vector_store %arg12[%swap3A_236, %swap3A_237], %swap3A_240 {strides = array<i32>} : memref<16x32xi32, #tpu.memory_space<vmem>>, vector<1x16xi32>,
    %add3A_241 = arith.constant 384 : i32
    %add3A_242 = vector.broadcast %add3A_241 : i32 to vector<16xi32>
    %add3A_243 = arith.addi %iota3A, %add3A_242 : vector<16xi32>
    %swap3A_244 = arith.constant 12 : i32
    %swap3A_245 = arith.index_cast %swap3A_244 : i32 to index
    %swap3A_246 = arith.constant 0 : index
    %swap3A_247 = tpu.vector_load %arg12[%swap3A_245, %swap3A_246] {strides = array<i32>} : memref<16x32xi32, #tpu.memory_space<vmem>>, vector<1x16xi32>,
    %swap3A_248 = vector.shape_cast %swap3A_247 : vector<1x16xi32> to vector<16xi32>
    %swap3A_249 = vector.shape_cast %add3A_243 : vector<16xi32> to vector<1x16xi32>
    tpu.vector_store %arg12[%swap3A_245, %swap3A_246], %swap3A_249 {strides = array<i32>} : memref<16x32xi32, #tpu.memory_space<vmem>>, vector<1x16xi32>,
    %add3A_250 = arith.constant 400 : i32
    %add3A_251 = vector.broadcast %add3A_250 : i32 to vector<16xi32>
    %add3A_252 = arith.addi %iota3A, %add3A_251 : vector<16xi32>
    %swap3A_253 = arith.constant 12 : i32
    %swap3A_254 = arith.index_cast %swap3A_253 : i32 to index
    %swap3A_255 = arith.constant 16 : index
    %swap3A_256 = tpu.vector_load %arg12[%swap3A_254, %swap3A_255] {strides = array<i32>} : memref<16x32xi32, #tpu.memory_space<vmem>>, vector<1x16xi32>,
    %swap3A_257 = vector.shape_cast %swap3A_256 : vector<1x16xi32> to vector<16xi32>
    %swap3A_258 = vector.shape_cast %add3A_252 : vector<16xi32> to vector<1x16xi32>
    tpu.vector_store %arg12[%swap3A_254, %swap3A_255], %swap3A_258 {strides = array<i32>} : memref<16x32xi32, #tpu.memory_space<vmem>>, vector<1x16xi32>,
    %add3A_259 = arith.constant 416 : i32
    %add3A_260 = vector.broadcast %add3A_259 : i32 to vector<16xi32>
    %add3A_261 = arith.addi %iota3A, %add3A_260 : vector<16xi32>
    %swap3A_262 = arith.constant 13 : i32
    %swap3A_263 = arith.index_cast %swap3A_262 : i32 to index
    %swap3A_264 = arith.constant 0 : index
    %swap3A_265 = tpu.vector_load %arg12[%swap3A_263, %swap3A_264] {strides = array<i32>} : memref<16x32xi32, #tpu.memory_space<vmem>>, vector<1x16xi32>,
    %swap3A_266 = vector.shape_cast %swap3A_265 : vector<1x16xi32> to vector<16xi32>
    %swap3A_267 = vector.shape_cast %add3A_261 : vector<16xi32> to vector<1x16xi32>
    tpu.vector_store %arg12[%swap3A_263, %swap3A_264], %swap3A_267 {strides = array<i32>} : memref<16x32xi32, #tpu.memory_space<vmem>>, vector<1x16xi32>,
    %add3A_268 = arith.constant 432 : i32
    %add3A_269 = vector.broadcast %add3A_268 : i32 to vector<16xi32>
    %add3A_270 = arith.addi %iota3A, %add3A_269 : vector<16xi32>
    %swap3A_271 = arith.constant 13 : i32
    %swap3A_272 = arith.index_cast %swap3A_271 : i32 to index
    %swap3A_273 = arith.constant 16 : index
    %swap3A_274 = tpu.vector_load %arg12[%swap3A_272, %swap3A_273] {strides = array<i32>} : memref<16x32xi32, #tpu.memory_space<vmem>>, vector<1x16xi32>,
    %swap3A_275 = vector.shape_cast %swap3A_274 : vector<1x16xi32> to vector<16xi32>
    %swap3A_276 = vector.shape_cast %add3A_270 : vector<16xi32> to vector<1x16xi32>
    tpu.vector_store %arg12[%swap3A_272, %swap3A_273], %swap3A_276 {strides = array<i32>} : memref<16x32xi32, #tpu.memory_space<vmem>>, vector<1x16xi32>,
    %add3A_277 = arith.constant 448 : i32
    %add3A_278 = vector.broadcast %add3A_277 : i32 to vector<16xi32>
    %add3A_279 = arith.addi %iota3A, %add3A_278 : vector<16xi32>
    %swap3A_280 = arith.constant 14 : i32
    %swap3A_281 = arith.index_cast %swap3A_280 : i32 to index
    %swap3A_282 = arith.constant 0 : index
    %swap3A_283 = tpu.vector_load %arg12[%swap3A_281, %swap3A_282] {strides = array<i32>} : memref<16x32xi32, #tpu.memory_space<vmem>>, vector<1x16xi32>,
    %swap3A_284 = vector.shape_cast %swap3A_283 : vector<1x16xi32> to vector<16xi32>
    %swap3A_285 = vector.shape_cast %add3A_279 : vector<16xi32> to vector<1x16xi32>
    tpu.vector_store %arg12[%swap3A_281, %swap3A_282], %swap3A_285 {strides = array<i32>} : memref<16x32xi32, #tpu.memory_space<vmem>>, vector<1x16xi32>,
    %add3A_286 = arith.constant 464 : i32
    %add3A_287 = vector.broadcast %add3A_286 : i32 to vector<16xi32>
    %add3A_288 = arith.addi %iota3A, %add3A_287 : vector<16xi32>
    %swap3A_289 = arith.constant 14 : i32
    %swap3A_290 = arith.index_cast %swap3A_289 : i32 to index
    %swap3A_291 = arith.constant 16 : index
    %swap3A_292 = tpu.vector_load %arg12[%swap3A_290, %swap3A_291] {strides = array<i32>} : memref<16x32xi32, #tpu.memory_space<vmem>>, vector<1x16xi32>,
    %swap3A_293 = vector.shape_cast %swap3A_292 : vector<1x16xi32> to vector<16xi32>
    %swap3A_294 = vector.shape_cast %add3A_288 : vector<16xi32> to vector<1x16xi32>
    tpu.vector_store %arg12[%swap3A_290, %swap3A_291], %swap3A_294 {strides = array<i32>} : memref<16x32xi32, #tpu.memory_space<vmem>>, vector<1x16xi32>,
    %add3A_295 = arith.constant 480 : i32
    %add3A_296 = vector.broadcast %add3A_295 : i32 to vector<16xi32>
    %add3A_297 = arith.addi %iota3A, %add3A_296 : vector<16xi32>
    %swap3A_298 = arith.constant 15 : i32
    %swap3A_299 = arith.index_cast %swap3A_298 : i32 to index
    %swap3A_300 = arith.constant 0 : index
    %swap3A_301 = tpu.vector_load %arg12[%swap3A_299, %swap3A_300] {strides = array<i32>} : memref<16x32xi32, #tpu.memory_space<vmem>>, vector<1x16xi32>,
    %swap3A_302 = vector.shape_cast %swap3A_301 : vector<1x16xi32> to vector<16xi32>
    %swap3A_303 = vector.shape_cast %add3A_297 : vector<16xi32> to vector<1x16xi32>
    tpu.vector_store %arg12[%swap3A_299, %swap3A_300], %swap3A_303 {strides = array<i32>} : memref<16x32xi32, #tpu.memory_space<vmem>>, vector<1x16xi32>,
    %add3A_304 = arith.constant 496 : i32
    %add3A_305 = vector.broadcast %add3A_304 : i32 to vector<16xi32>
    %add3A_306 = arith.addi %iota3A, %add3A_305 : vector<16xi32>
    %swap3A_307 = arith.constant 15 : i32
    %swap3A_308 = arith.index_cast %swap3A_307 : i32 to index
    %swap3A_309 = arith.constant 16 : index
    %swap3A_310 = tpu.vector_load %arg12[%swap3A_308, %swap3A_309] {strides = array<i32>} : memref<16x32xi32, #tpu.memory_space<vmem>>, vector<1x16xi32>,
    %swap3A_311 = vector.shape_cast %swap3A_310 : vector<1x16xi32> to vector<16xi32>
    %swap3A_312 = vector.shape_cast %add3A_306 : vector<16xi32> to vector<1x16xi32>
    tpu.vector_store %arg12[%swap3A_308, %swap3A_309], %swap3A_312 {strides = array<i32>} : memref<16x32xi32, #tpu.memory_space<vmem>>, vector<1x16xi32>,
    %get3A = arith.constant 0 : i32
    %get3A_313 = arith.index_cast %get3A : i32 to index
    %get3A_314 = arith.constant 0 : index
    %get3A_315 = tpu.vector_load %arg10[%get3A_313, %get3A_314] {strides = array<i32>} : memref<1x128xf32, #tpu.memory_space<vmem>>, vector<1x16xf32>,
    %get3A_316 = vector.shape_cast %get3A_315 : vector<1x16xf32> to vector<16xf32>
    %get3A_317 = arith.constant 0 : i32
    %get3A_318 = arith.index_cast %get3A_317 : i32 to index
    %get3A_319 = arith.constant 16 : index
    %get3A_320 = tpu.vector_load %arg10[%get3A_318, %get3A_319] {strides = array<i32>} : memref<1x128xf32, #tpu.memory_space<vmem>>, vector<1x16xf32>,
    %get3A_321 = vector.shape_cast %get3A_320 : vector<1x16xf32> to vector<16xf32>
    %get3A_322 = arith.constant 0 : i32
    %get3A_323 = arith.index_cast %get3A_322 : i32 to index
    %get3A_324 = arith.constant 32 : index
    %get3A_325 = tpu.vector_load %arg10[%get3A_323, %get3A_324] {strides = array<i32>} : memref<1x128xf32, #tpu.memory_space<vmem>>, vector<1x16xf32>,
    %get3A_326 = vector.shape_cast %get3A_325 : vector<1x16xf32> to vector<16xf32>
    %get3A_327 = arith.constant 0 : i32
    %get3A_328 = arith.index_cast %get3A_327 : i32 to index
    %get3A_329 = arith.constant 48 : index
    %get3A_330 = tpu.vector_load %arg10[%get3A_328, %get3A_329] {strides = array<i32>} : memref<1x128xf32, #tpu.memory_space<vmem>>, vector<1x16xf32>,
    %get3A_331 = vector.shape_cast %get3A_330 : vector<1x16xf32> to vector<16xf32>
    %get3A_332 = arith.constant 0 : i32
    %get3A_333 = arith.index_cast %get3A_332 : i32 to index
    %get3A_334 = arith.constant 64 : index
    %get3A_335 = tpu.vector_load %arg10[%get3A_333, %get3A_334] {strides = array<i32>} : memref<1x128xf32, #tpu.memory_space<vmem>>, vector<1x16xf32>,
    %get3A_336 = vector.shape_cast %get3A_335 : vector<1x16xf32> to vector<16xf32>
    %get3A_337 = arith.constant 0 : i32
    %get3A_338 = arith.index_cast %get3A_337 : i32 to index
    %get3A_339 = arith.constant 80 : index
    %get3A_340 = tpu.vector_load %arg10[%get3A_338, %get3A_339] {strides = array<i32>} : memref<1x128xf32, #tpu.memory_space<vmem>>, vector<1x16xf32>,
    %get3A_341 = vector.shape_cast %get3A_340 : vector<1x16xf32> to vector<16xf32>
    %get3A_342 = arith.constant 0 : i32
    %get3A_343 = arith.index_cast %get3A_342 : i32 to index
    %get3A_344 = arith.constant 96 : index
    %get3A_345 = tpu.vector_load %arg10[%get3A_343, %get3A_344] {strides = array<i32>} : memref<1x128xf32, #tpu.memory_space<vmem>>, vector<1x16xf32>,
    %get3A_346 = vector.shape_cast %get3A_345 : vector<1x16xf32> to vector<16xf32>
    %get3A_347 = arith.constant 0 : i32
    %get3A_348 = arith.index_cast %get3A_347 : i32 to index
    %get3A_349 = arith.constant 112 : index
    %get3A_350 = tpu.vector_load %arg10[%get3A_348, %get3A_349] {strides = array<i32>} : memref<1x128xf32, #tpu.memory_space<vmem>>, vector<1x16xf32>,
    %get3A_351 = vector.shape_cast %get3A_350 : vector<1x16xf32> to vector<16xf32>
    %iota3A_352 = tpu.iota {dimensions = array<i32: 0>} : vector<16xi32>
    %mul3A_353 = arith.constant 0 : i32
    %mul3A_354 = vector.broadcast %mul3A_353 : i32 to vector<16xi32>
    %mul3A_355 = arith.muli %iota3A_352, %mul3A_354 : vector<16xi32>
    %get3A_356 = arith.constant 0 : index
    %get3A_357 = tpu.vector_load %arg11[%get3A_356] {strides = array<i32>} : memref<16xf32, #tpu.memory_space<vmem>>, vector<16xf32>,
    %get3A_358 = vector.shape_cast %get3A_357 : vector<16xf32> to vector<16xf32>
    %lt3A = arith.constant 0 : i32
    %lt3A_359 = vector.broadcast %lt3A : i32 to vector<16xi32>
    %lt3A_360 = arith.cmpi slt, %mul3A_355, %lt3A_359 : vector<16xi32>
    %add3A_361 = arith.constant 16 : i32
    %add3A_362 = vector.broadcast %add3A_361 : i32 to vector<16xi32>
    %add3A_363 = arith.addi %mul3A_355, %add3A_362 : vector<16xi32>
    %select_n3A_364 = arith.select %lt3A_360, %add3A_363, %mul3A_355 : vector<16xi1>, vector<16xi32>
    %broadcast_in_dim3A_365 = vector.shape_cast %select_n3A_364 : vector<16xi32> to vector<16x1xi32>
    %gather3A = vector.shape_cast %broadcast_in_dim3A_365 : vector<16x1xi32> to vector<16xi32>
    %gather3A_366 = tpu.dynamic_gather %get3A_358[%gather3A] in [0] : vector<16xf32>, vector<16xi32> -> vector<16xf32>
    %iota3A_367 = tpu.iota {dimensions = array<i32: 0>} : vector<16xi32>
    %xor3A = arith.constant 8 : i32
    %xor3A_368 = vector.broadcast %xor3A : i32 to vector<16xi32>
    %xor3A_369 = arith.xori %iota3A_367, %xor3A_368 : vector<16xi32>
    %iota3A_370 = tpu.iota {dimensions = array<i32: 0>} : vector<16xi32>
    %xor3A_371 = arith.constant 4 : i32
    %xor3A_372 = vector.broadcast %xor3A_371 : i32 to vector<16xi32>
    %xor3A_373 = arith.xori %iota3A_370, %xor3A_372 : vector<16xi32>
    %iota3A_374 = tpu.iota {dimensions = array<i32: 0>} : vector<16xi32>
    %xor3A_375 = arith.constant 2 : i32
    %xor3A_376 = vector.broadcast %xor3A_375 : i32 to vector<16xi32>
    %xor3A_377 = arith.xori %iota3A_374, %xor3A_376 : vector<16xi32>
    %iota3A_378 = tpu.iota {dimensions = array<i32: 0>} : vector<16xi32>
    %xor3A_379 = arith.constant 1 : i32
    %xor3A_380 = vector.broadcast %xor3A_379 : i32 to vector<16xi32>
    %xor3A_381 = arith.xori %iota3A_378, %xor3A_380 : vector<16xi32>
    %eq3A = arith.constant 0 : i32
    %eq3A_382 = arith.cmpi eq, %arg1, %eq3A : i32
    %convert_element_type3A = arith.extui %eq3A_382 : i1 to i32
    %cond3A = arith.constant 0 : i32
    %cond3A_383 = arith.cmpi ne, %convert_element_type3A, %cond3A : i32
    scf.if %cond3A_383 {
      "tpu.region"() ({
        %run_scoped3A = tpu.sem_alloc : memref<!tpu.dma_semaphore, #tpu.memory_space<semaphore_mem>>
        tpu.enqueue_dma source(%arg9 : memref<512x128xf32, #tpu.memory_space<vmem>>) target(%arg13 : memref<512x128xf32, #tpu.memory_space<vmem_shared>>) target_semaphore(%run_scoped3A : memref<!tpu.dma_semaphore, #tpu.memory_space<semaphore_mem>>)
        tpu.wait_dma2 semaphore(%run_scoped3A : memref<!tpu.dma_semaphore, #tpu.memory_space<semaphore_mem>>) src(%arg9 : memref<512x128xf32, #tpu.memory_space<vmem>>) dst(%arg13 : memref<512x128xf32, #tpu.memory_space<vmem_shared>>)
        tpu.yield
      }) : () -> ()
    } else {
    }
    %barrier3A = arith.constant 0 : index
    tpu.barrier barrier_id(%barrier3A)
    %add3A_384 = arith.constant 0 : i32
    %add3A_385 = arith.addi %mul3A_2, %add3A_384 : i32
    %mul3A_386 = arith.constant 128 : i32
    %mul3A_387 = arith.muli %add3A_385, %mul3A_386 : i32
    %dma_start3A = arith.constant 0 : i32
    %dma_start3A_388 = tpu.memref_slice %arg8[%dma_start3A] : memref<48000xf32, #tpu.memory_space<vmem>> -> memref<16000xf32, #tpu.memory_space<vmem>>
    %dma_start3A_389 = tpu.memref_slice %arg2[%mul3A_387] : memref<12800000xf32, #tpu.memory_space<hbm>> -> memref<16000xf32, #tpu.memory_space<hbm>>
    %dma_start3A_390 = arith.constant 0 : i32
    %dma_start3A_391 = tpu.memref_slice %arg8[%dma_start3A_390] : memref<48000xf32, #tpu.memory_space<vmem>> -> memref<16000xf32, #tpu.memory_space<vmem>>
    %dma_start3A_392 = tpu.memref_slice %arg2[%mul3A_387] : memref<12800000xf32, #tpu.memory_space<hbm>> -> memref<16000xf32, #tpu.memory_space<hbm>>
    tpu.enqueue_dma source(%dma_start3A_392 : memref<16000xf32, #tpu.memory_space<hbm>>) target(%dma_start3A_391 : memref<16000xf32, #tpu.memory_space<vmem>>) target_semaphore(%arg14 : memref<!tpu.dma_semaphore, #tpu.memory_space<semaphore_mem>>)
    %add3A_393 = arith.constant 125 : i32
    %add3A_394 = arith.addi %mul3A_2, %add3A_393 : i32
    %mul3A_395 = arith.constant 128 : i32
    %mul3A_396 = arith.muli %add3A_394, %mul3A_395 : i32
    %dma_start3A_397 = arith.constant 16000 : i32
    %dma_start3A_398 = tpu.memref_slice %arg8[%dma_start3A_397] : memref<48000xf32, #tpu.memory_space<vmem>> -> memref<16000xf32, #tpu.memory_space<vmem>>
    %dma_start3A_399 = tpu.memref_slice %arg2[%mul3A_396] : memref<12800000xf32, #tpu.memory_space<hbm>> -> memref<16000xf32, #tpu.memory_space<hbm>>
    %dma_start3A_400 = arith.constant 16000 : i32
    %dma_start3A_401 = tpu.memref_slice %arg8[%dma_start3A_400] : memref<48000xf32, #tpu.memory_space<vmem>> -> memref<16000xf32, #tpu.memory_space<vmem>>
    %dma_start3A_402 = tpu.memref_slice %arg2[%mul3A_396] : memref<12800000xf32, #tpu.memory_space<hbm>> -> memref<16000xf32, #tpu.memory_space<hbm>>
    tpu.enqueue_dma source(%dma_start3A_402 : memref<16000xf32, #tpu.memory_space<hbm>>) target(%dma_start3A_401 : memref<16000xf32, #tpu.memory_space<vmem>>) target_semaphore(%arg15 : memref<!tpu.dma_semaphore, #tpu.memory_space<semaphore_mem>>)
    %scan3A = arith.constant 0 : i32
    %scan3A_403 = arith.constant 0 : i32
    %scan3A_404 = arith.constant 13 : i32
    %scan3A_405 = arith.addi %scan3A_403, %scan3A_404 : i32
    %scan3A_406 = arith.constant 1 : i32
    scf.for %scan3A_484 = %scan3A_403 to %scan3A_405 step %scan3A_406  : i32 {
      %jit3A_485 = arith.constant 3 : i32
      %eq3A_486 = arith.constant 0 : i32
      %eq3A_487 = arith.cmpi eq, %jit3A_485, %eq3A_486 : i32
      %jit3A_488 = arith.constant 1 : i32
      %select_n3A_489 = arith.select %eq3A_487, %jit3A_488, %jit3A_485 : i32
      %rem3A_490 = arith.remsi %scan3A_484, %select_n3A_489 : i32
      %ne3A_491 = arith.constant 0 : i32
      %ne3A_492 = arith.cmpi ne, %rem3A_490, %ne3A_491 : i32
      %lt3A_493 = arith.constant 0 : i32
      %lt3A_494 = arith.cmpi slt, %rem3A_490, %lt3A_493 : i32
      %lt3A_495 = arith.constant 0 : i32
      %lt3A_496 = arith.cmpi slt, %select_n3A_489, %lt3A_495 : i32
      %ne3A_497 = arith.xori %lt3A_494, %lt3A_496 : i1
      %and3A_498 = arith.andi %ne3A_497, %ne3A_492 : i1
      %add3A_499 = arith.addi %rem3A_490, %select_n3A_489 : i32
      %select_n3A_500 = arith.select %and3A_498, %add3A_499, %rem3A_490 : i32
      %eq3A_501 = arith.constant 0 : i32
      %eq3A_502 = arith.cmpi eq, %select_n3A_500, %eq3A_501 : i32
      %convert_element_type3A_503 = arith.extui %eq3A_502 : i1 to i32
      %cond3A_504 = arith.constant 0 : i32
      %cond3A_505 = arith.cmpi ne, %convert_element_type3A_503, %cond3A_504 : i32
      scf.if %cond3A_505 {
        %dma_wait3A = arith.constant 0 : i32
        %dma_wait3A_531 = tpu.memref_slice %arg8[%dma_wait3A] : memref<48000xf32, #tpu.memory_space<vmem>> -> memref<16000xf32, #tpu.memory_space<vmem>>
        %dma_wait3A_532 = arith.constant 0 : i32
        %dma_wait3A_533 = tpu.memref_slice %arg2[%dma_wait3A_532] : memref<12800000xf32, #tpu.memory_space<hbm>> -> memref<16000xf32, #tpu.memory_space<hbm>>
        %dma_wait3A_534 = arith.constant 0 : i32
        %dma_wait3A_535 = tpu.memref_slice %arg8[%dma_wait3A_534] : memref<48000xf32, #tpu.memory_space<vmem>> -> memref<16000xf32, #tpu.memory_space<vmem>>
        %dma_wait3A_536 = arith.constant 0 : i32
        %dma_wait3A_537 = tpu.memref_slice %arg2[%dma_wait3A_536] : memref<12800000xf32, #tpu.memory_space<hbm>> -> memref<16000xf32, #tpu.memory_space<hbm>>
        tpu.wait_dma2 semaphore(%arg14 : memref<!tpu.dma_semaphore, #tpu.memory_space<semaphore_mem>>) src(%dma_wait3A_537 : memref<16000xf32, #tpu.memory_space<hbm>>) dst(%dma_wait3A_535 : memref<16000xf32, #tpu.memory_space<vmem>>)
      } else {
      }
      %eq3A_506 = arith.constant 1 : i32
      %eq3A_507 = arith.cmpi eq, %select_n3A_500, %eq3A_506 : i32
      %convert_element_type3A_508 = arith.extui %eq3A_507 : i1 to i32
      %cond3A_509 = arith.constant 0 : i32
      %cond3A_510 = arith.cmpi ne, %convert_element_type3A_508, %cond3A_509 : i32
      scf.if %cond3A_510 {
        %dma_wait3A = arith.constant 0 : i32
        %dma_wait3A_531 = tpu.memref_slice %arg8[%dma_wait3A] : memref<48000xf32, #tpu.memory_space<vmem>> -> memref<16000xf32, #tpu.memory_space<vmem>>
        %dma_wait3A_532 = arith.constant 0 : i32
        %dma_wait3A_533 = tpu.memref_slice %arg2[%dma_wait3A_532] : memref<12800000xf32, #tpu.memory_space<hbm>> -> memref<16000xf32, #tpu.memory_space<hbm>>
        %dma_wait3A_534 = arith.constant 0 : i32
        %dma_wait3A_535 = tpu.memref_slice %arg8[%dma_wait3A_534] : memref<48000xf32, #tpu.memory_space<vmem>> -> memref<16000xf32, #tpu.memory_space<vmem>>
        %dma_wait3A_536 = arith.constant 0 : i32
        %dma_wait3A_537 = tpu.memref_slice %arg2[%dma_wait3A_536] : memref<12800000xf32, #tpu.memory_space<hbm>> -> memref<16000xf32, #tpu.memory_space<hbm>>
        tpu.wait_dma2 semaphore(%arg15 : memref<!tpu.dma_semaphore, #tpu.memory_space<semaphore_mem>>) src(%dma_wait3A_537 : memref<16000xf32, #tpu.memory_space<hbm>>) dst(%dma_wait3A_535 : memref<16000xf32, #tpu.memory_space<vmem>>)
      } else {
      }
      %eq3A_511 = arith.constant 2 : i32
      %eq3A_512 = arith.cmpi eq, %select_n3A_500, %eq3A_511 : i32
      %convert_element_type3A_513 = arith.extui %eq3A_512 : i1 to i32
      %cond3A_514 = arith.constant 0 : i32
      %cond3A_515 = arith.cmpi ne, %convert_element_type3A_513, %cond3A_514 : i32
      scf.if %cond3A_515 {
        %dma_wait3A = arith.constant 0 : i32
        %dma_wait3A_531 = tpu.memref_slice %arg8[%dma_wait3A] : memref<48000xf32, #tpu.memory_space<vmem>> -> memref<16000xf32, #tpu.memory_space<vmem>>
        %dma_wait3A_532 = arith.constant 0 : i32
        %dma_wait3A_533 = tpu.memref_slice %arg2[%dma_wait3A_532] : memref<12800000xf32, #tpu.memory_space<hbm>> -> memref<16000xf32, #tpu.memory_space<hbm>>
        %dma_wait3A_534 = arith.constant 0 : i32
        %dma_wait3A_535 = tpu.memref_slice %arg8[%dma_wait3A_534] : memref<48000xf32, #tpu.memory_space<vmem>> -> memref<16000xf32, #tpu.memory_space<vmem>>
        %dma_wait3A_536 = arith.constant 0 : i32
        %dma_wait3A_537 = tpu.memref_slice %arg2[%dma_wait3A_536] : memref<12800000xf32, #tpu.memory_space<hbm>> -> memref<16000xf32, #tpu.memory_space<hbm>>
        tpu.wait_dma2 semaphore(%arg16 : memref<!tpu.dma_semaphore, #tpu.memory_space<semaphore_mem>>) src(%dma_wait3A_537 : memref<16000xf32, #tpu.memory_space<hbm>>) dst(%dma_wait3A_535 : memref<16000xf32, #tpu.memory_space<vmem>>)
      } else {
      }
      %add3A_516 = arith.constant 2 : i32
      %add3A_517 = arith.addi %scan3A_484, %add3A_516 : i32
      %lt3A_518 = arith.constant 13 : i32
      %lt3A_519 = arith.cmpi slt, %add3A_517, %lt3A_518 : i32
      %convert_element_type3A_520 = arith.extui %lt3A_519 : i1 to i32
      %cond3A_521 = arith.constant 0 : i32
      %cond3A_522 = arith.cmpi ne, %convert_element_type3A_520, %cond3A_521 : i32
      scf.if %cond3A_522 {
        %add3A_531 = arith.constant 2 : i32
        %add3A_532 = arith.addi %scan3A_484, %add3A_531 : i32
        %jit3A_533 = arith.constant 3 : i32
        %eq3A_534 = arith.constant 0 : i32
        %eq3A_535 = arith.cmpi eq, %jit3A_533, %eq3A_534 : i32
        %jit3A_536 = arith.constant 1 : i32
        %select_n3A_537 = arith.select %eq3A_535, %jit3A_536, %jit3A_533 : i32
        %rem3A_538 = arith.remsi %add3A_532, %select_n3A_537 : i32
        %ne3A_539 = arith.constant 0 : i32
        %ne3A_540 = arith.cmpi ne, %rem3A_538, %ne3A_539 : i32
        %lt3A_541 = arith.constant 0 : i32
        %lt3A_542 = arith.cmpi slt, %rem3A_538, %lt3A_541 : i32
        %lt3A_543 = arith.constant 0 : i32
        %lt3A_544 = arith.cmpi slt, %select_n3A_537, %lt3A_543 : i32
        %ne3A_545 = arith.xori %lt3A_542, %lt3A_544 : i1
        %and3A_546 = arith.andi %ne3A_545, %ne3A_540 : i1
        %add3A_547 = arith.addi %rem3A_538, %select_n3A_537 : i32
        %select_n3A_548 = arith.select %and3A_546, %add3A_547, %rem3A_538 : i32
        %eq3A_549 = arith.constant 0 : i32
        %eq3A_550 = arith.cmpi eq, %select_n3A_548, %eq3A_549 : i32
        %convert_element_type3A_551 = arith.extui %eq3A_550 : i1 to i32
        %cond3A_552 = arith.constant 0 : i32
        %cond3A_553 = arith.cmpi ne, %convert_element_type3A_551, %cond3A_552 : i32
        scf.if %cond3A_553 {
          %add3A_564 = arith.constant 2 : i32
          %add3A_565 = arith.addi %scan3A_484, %add3A_564 : i32
          %jit3A_566 = arith.constant 3 : i32
          %eq3A_567 = arith.constant 0 : i32
          %eq3A_568 = arith.cmpi eq, %jit3A_566, %eq3A_567 : i32
          %jit3A_569 = arith.constant 1 : i32
          %select_n3A_570 = arith.select %eq3A_568, %jit3A_569, %jit3A_566 : i32
          %rem3A_571 = arith.remsi %add3A_565, %select_n3A_570 : i32
          %ne3A_572 = arith.constant 0 : i32
          %ne3A_573 = arith.cmpi ne, %rem3A_571, %ne3A_572 : i32
          %lt3A_574 = arith.constant 0 : i32
          %lt3A_575 = arith.cmpi slt, %rem3A_571, %lt3A_574 : i32
          %lt3A_576 = arith.constant 0 : i32
          %lt3A_577 = arith.cmpi slt, %select_n3A_570, %lt3A_576 : i32
          %ne3A_578 = arith.xori %lt3A_575, %lt3A_577 : i1
          %and3A_579 = arith.andi %ne3A_578, %ne3A_573 : i1
          %add3A_580 = arith.addi %rem3A_571, %select_n3A_570 : i32
          %select_n3A_581 = arith.select %and3A_579, %add3A_580, %rem3A_571 : i32
          %mul3A_582 = arith.constant 16000 : i32
          %mul3A_583 = arith.muli %select_n3A_581, %mul3A_582 : i32
          %mul3A_584 = arith.constant 125 : i32
          %mul3A_585 = arith.muli %add3A_565, %mul3A_584 : i32
          %add3A_586 = arith.addi %mul3A_2, %mul3A_585 : i32
          %mul3A_587 = arith.constant 128 : i32
          %mul3A_588 = arith.muli %add3A_586, %mul3A_587 : i32
          %dma_start3A_589 = tpu.memref_slice %arg8[%mul3A_583] : memref<48000xf32, #tpu.memory_space<vmem>> -> memref<16000xf32, #tpu.memory_space<vmem>>
          %dma_start3A_590 = tpu.memref_slice %arg2[%mul3A_588] : memref<12800000xf32, #tpu.memory_space<hbm>> -> memref<16000xf32, #tpu.memory_space<hbm>>
          %dma_start3A_591 = tpu.memref_slice %arg8[%mul3A_583] : memref<48000xf32, #tpu.memory_space<vmem>> -> memref<16000xf32, #tpu.memory_space<vmem>>
          %dma_start3A_592 = tpu.memref_slice %arg2[%mul3A_588] : memref<12800000xf32, #tpu.memory_space<hbm>> -> memref<16000xf32, #tpu.memory_space<hbm>>
          tpu.enqueue_dma source(%dma_start3A_592 : memref<16000xf32, #tpu.memory_space<hbm>>) target(%dma_start3A_591 : memref<16000xf32, #tpu.memory_space<vmem>>) target_semaphore(%arg14 : memref<!tpu.dma_semaphore, #tpu.memory_space<semaphore_mem>>)
        } else {
        }
        %eq3A_554 = arith.constant 1 : i32
        %eq3A_555 = arith.cmpi eq, %select_n3A_548, %eq3A_554 : i32
        %convert_element_type3A_556 = arith.extui %eq3A_555 : i1 to i32
        %cond3A_557 = arith.constant 0 : i32
        %cond3A_558 = arith.cmpi ne, %convert_element_type3A_556, %cond3A_557 : i32
        scf.if %cond3A_558 {
          %add3A_564 = arith.constant 2 : i32
          %add3A_565 = arith.addi %scan3A_484, %add3A_564 : i32
          %jit3A_566 = arith.constant 3 : i32
          %eq3A_567 = arith.constant 0 : i32
          %eq3A_568 = arith.cmpi eq, %jit3A_566, %eq3A_567 : i32
          %jit3A_569 = arith.constant 1 : i32
          %select_n3A_570 = arith.select %eq3A_568, %jit3A_569, %jit3A_566 : i32
          %rem3A_571 = arith.remsi %add3A_565, %select_n3A_570 : i32
          %ne3A_572 = arith.constant 0 : i32
          %ne3A_573 = arith.cmpi ne, %rem3A_571, %ne3A_572 : i32
          %lt3A_574 = arith.constant 0 : i32
          %lt3A_575 = arith.cmpi slt, %rem3A_571, %lt3A_574 : i32
          %lt3A_576 = arith.constant 0 : i32
          %lt3A_577 = arith.cmpi slt, %select_n3A_570, %lt3A_576 : i32
          %ne3A_578 = arith.xori %lt3A_575, %lt3A_577 : i1
          %and3A_579 = arith.andi %ne3A_578, %ne3A_573 : i1
          %add3A_580 = arith.addi %rem3A_571, %select_n3A_570 : i32
          %select_n3A_581 = arith.select %and3A_579, %add3A_580, %rem3A_571 : i32
          %mul3A_582 = arith.constant 16000 : i32
          %mul3A_583 = arith.muli %select_n3A_581, %mul3A_582 : i32
          %mul3A_584 = arith.constant 125 : i32
          %mul3A_585 = arith.muli %add3A_565, %mul3A_584 : i32
          %add3A_586 = arith.addi %mul3A_2, %mul3A_585 : i32
          %mul3A_587 = arith.constant 128 : i32
          %mul3A_588 = arith.muli %add3A_586, %mul3A_587 : i32
          %dma_start3A_589 = tpu.memref_slice %arg8[%mul3A_583] : memref<48000xf32, #tpu.memory_space<vmem>> -> memref<16000xf32, #tpu.memory_space<vmem>>
          %dma_start3A_590 = tpu.memref_slice %arg2[%mul3A_588] : memref<12800000xf32, #tpu.memory_space<hbm>> -> memref<16000xf32, #tpu.memory_space<hbm>>
          %dma_start3A_591 = tpu.memref_slice %arg8[%mul3A_583] : memref<48000xf32, #tpu.memory_space<vmem>> -> memref<16000xf32, #tpu.memory_space<vmem>>
          %dma_start3A_592 = tpu.memref_slice %arg2[%mul3A_588] : memref<12800000xf32, #tpu.memory_space<hbm>> -> memref<16000xf32, #tpu.memory_space<hbm>>
          tpu.enqueue_dma source(%dma_start3A_592 : memref<16000xf32, #tpu.memory_space<hbm>>) target(%dma_start3A_591 : memref<16000xf32, #tpu.memory_space<vmem>>) target_semaphore(%arg15 : memref<!tpu.dma_semaphore, #tpu.memory_space<semaphore_mem>>)
        } else {
        }
        %eq3A_559 = arith.constant 2 : i32
        %eq3A_560 = arith.cmpi eq, %select_n3A_548, %eq3A_559 : i32
        %convert_element_type3A_561 = arith.extui %eq3A_560 : i1 to i32
        %cond3A_562 = arith.constant 0 : i32
        %cond3A_563 = arith.cmpi ne, %convert_element_type3A_561, %cond3A_562 : i32
        scf.if %cond3A_563 {
          %add3A_564 = arith.constant 2 : i32
          %add3A_565 = arith.addi %scan3A_484, %add3A_564 : i32
          %jit3A_566 = arith.constant 3 : i32
          %eq3A_567 = arith.constant 0 : i32
          %eq3A_568 = arith.cmpi eq, %jit3A_566, %eq3A_567 : i32
          %jit3A_569 = arith.constant 1 : i32
          %select_n3A_570 = arith.select %eq3A_568, %jit3A_569, %jit3A_566 : i32
          %rem3A_571 = arith.remsi %add3A_565, %select_n3A_570 : i32
          %ne3A_572 = arith.constant 0 : i32
          %ne3A_573 = arith.cmpi ne, %rem3A_571, %ne3A_572 : i32
          %lt3A_574 = arith.constant 0 : i32
          %lt3A_575 = arith.cmpi slt, %rem3A_571, %lt3A_574 : i32
          %lt3A_576 = arith.constant 0 : i32
          %lt3A_577 = arith.cmpi slt, %select_n3A_570, %lt3A_576 : i32
          %ne3A_578 = arith.xori %lt3A_575, %lt3A_577 : i1
          %and3A_579 = arith.andi %ne3A_578, %ne3A_573 : i1
          %add3A_580 = arith.addi %rem3A_571, %select_n3A_570 : i32
          %select_n3A_581 = arith.select %and3A_579, %add3A_580, %rem3A_571 : i32
          %mul3A_582 = arith.constant 16000 : i32
          %mul3A_583 = arith.muli %select_n3A_581, %mul3A_582 : i32
          %mul3A_584 = arith.constant 125 : i32
          %mul3A_585 = arith.muli %add3A_565, %mul3A_584 : i32
          %add3A_586 = arith.addi %mul3A_2, %mul3A_585 : i32
          %mul3A_587 = arith.constant 128 : i32
          %mul3A_588 = arith.muli %add3A_586, %mul3A_587 : i32
          %dma_start3A_589 = tpu.memref_slice %arg8[%mul3A_583] : memref<48000xf32, #tpu.memory_space<vmem>> -> memref<16000xf32, #tpu.memory_space<vmem>>
          %dma_start3A_590 = tpu.memref_slice %arg2[%mul3A_588] : memref<12800000xf32, #tpu.memory_space<hbm>> -> memref<16000xf32, #tpu.memory_space<hbm>>
          %dma_start3A_591 = tpu.memref_slice %arg8[%mul3A_583] : memref<48000xf32, #tpu.memory_space<vmem>> -> memref<16000xf32, #tpu.memory_space<vmem>>
          %dma_start3A_592 = tpu.memref_slice %arg2[%mul3A_588] : memref<12800000xf32, #tpu.memory_space<hbm>> -> memref<16000xf32, #tpu.memory_space<hbm>>
          tpu.enqueue_dma source(%dma_start3A_592 : memref<16000xf32, #tpu.memory_space<hbm>>) target(%dma_start3A_591 : memref<16000xf32, #tpu.memory_space<vmem>>) target_semaphore(%arg16 : memref<!tpu.dma_semaphore, #tpu.memory_space<semaphore_mem>>)
        } else {
        }
      } else {
      }
      %mul3A_523 = arith.constant 16000 : i32
      %mul3A_524 = arith.muli %select_n3A_500, %mul3A_523 : i32
      %mul3A_525 = arith.constant 125 : i32
      %mul3A_526 = arith.muli %scan3A_484, %mul3A_525 : i32
      %add3A_527 = arith.addi %sub3A_22, %mul3A_526 : i32
      %parallel_loop3A_528 = arith.constant 0 : i32
      %parallel_loop3A_529 = arith.constant 125 : i32
      %parallel_loop3A_530 = arith.constant 1 : i32
      scf.for %parallel_loop3A_531 = %parallel_loop3A_528 to %parallel_loop3A_529 step %parallel_loop3A_530  : i32 {
        %parallel_loop3A_532 = arith.constant 128 : i32
        %parallel_loop3A_533 = arith.muli %parallel_loop3A_531, %parallel_loop3A_532 : i32
        %parallel_loop3A_534 = arith.addi %mul3A_524, %parallel_loop3A_533 : i32
        %parallel_loop3A_535 = arith.constant 0 : i32
        %parallel_loop3A_536 = arith.addi %parallel_loop3A_534, %parallel_loop3A_535 : i32
        %parallel_loop3A_537 = arith.index_cast %parallel_loop3A_536 : i32 to index
        %parallel_loop3A_538 = tpu.vector_load %arg8[%parallel_loop3A_537] {strides = array<i32>} : memref<48000xf32, #tpu.memory_space<vmem>>, vector<16xf32>,
        %parallel_loop3A_539 = vector.shape_cast %parallel_loop3A_538 : vector<16xf32> to vector<16xf32>
        %parallel_loop3A_540 = arith.constant 16 : i32
        %parallel_loop3A_541 = arith.addi %parallel_loop3A_534, %parallel_loop3A_540 : i32
        %parallel_loop3A_542 = arith.index_cast %parallel_loop3A_541 : i32 to index
        %parallel_loop3A_543 = tpu.vector_load %arg8[%parallel_loop3A_542] {strides = array<i32>} : memref<48000xf32, #tpu.memory_space<vmem>>, vector<16xf32>,
        %parallel_loop3A_544 = vector.shape_cast %parallel_loop3A_543 : vector<16xf32> to vector<16xf32>
        %parallel_loop3A_545 = arith.constant 32 : i32
        %parallel_loop3A_546 = arith.addi %parallel_loop3A_534, %parallel_loop3A_545 : i32
        %parallel_loop3A_547 = arith.index_cast %parallel_loop3A_546 : i32 to index
        %parallel_loop3A_548 = tpu.vector_load %arg8[%parallel_loop3A_547] {strides = array<i32>} : memref<48000xf32, #tpu.memory_space<vmem>>, vector<16xf32>,
        %parallel_loop3A_549 = vector.shape_cast %parallel_loop3A_548 : vector<16xf32> to vector<16xf32>
        %parallel_loop3A_550 = arith.constant 48 : i32
        %parallel_loop3A_551 = arith.addi %parallel_loop3A_534, %parallel_loop3A_550 : i32
        %parallel_loop3A_552 = arith.index_cast %parallel_loop3A_551 : i32 to index
        %parallel_loop3A_553 = tpu.vector_load %arg8[%parallel_loop3A_552] {strides = array<i32>} : memref<48000xf32, #tpu.memory_space<vmem>>, vector<16xf32>,
        %parallel_loop3A_554 = vector.shape_cast %parallel_loop3A_553 : vector<16xf32> to vector<16xf32>
        %parallel_loop3A_555 = arith.constant 64 : i32
        %parallel_loop3A_556 = arith.addi %parallel_loop3A_534, %parallel_loop3A_555 : i32
        %parallel_loop3A_557 = arith.index_cast %parallel_loop3A_556 : i32 to index
        %parallel_loop3A_558 = tpu.vector_load %arg8[%parallel_loop3A_557] {strides = array<i32>} : memref<48000xf32, #tpu.memory_space<vmem>>, vector<16xf32>,
        %parallel_loop3A_559 = vector.shape_cast %parallel_loop3A_558 : vector<16xf32> to vector<16xf32>
        %parallel_loop3A_560 = arith.constant 80 : i32
        %parallel_loop3A_561 = arith.addi %parallel_loop3A_534, %parallel_loop3A_560 : i32
        %parallel_loop3A_562 = arith.index_cast %parallel_loop3A_561 : i32 to index
        %parallel_loop3A_563 = tpu.vector_load %arg8[%parallel_loop3A_562] {strides = array<i32>} : memref<48000xf32, #tpu.memory_space<vmem>>, vector<16xf32>,
        %parallel_loop3A_564 = vector.shape_cast %parallel_loop3A_563 : vector<16xf32> to vector<16xf32>
        %parallel_loop3A_565 = arith.constant 96 : i32
        %parallel_loop3A_566 = arith.addi %parallel_loop3A_534, %parallel_loop3A_565 : i32
        %parallel_loop3A_567 = arith.index_cast %parallel_loop3A_566 : i32 to index
        %parallel_loop3A_568 = tpu.vector_load %arg8[%parallel_loop3A_567] {strides = array<i32>} : memref<48000xf32, #tpu.memory_space<vmem>>, vector<16xf32>,
        %parallel_loop3A_569 = vector.shape_cast %parallel_loop3A_568 : vector<16xf32> to vector<16xf32>
        %parallel_loop3A_570 = arith.constant 112 : i32
        %parallel_loop3A_571 = arith.addi %parallel_loop3A_534, %parallel_loop3A_570 : i32
        %parallel_loop3A_572 = arith.index_cast %parallel_loop3A_571 : i32 to index
        %parallel_loop3A_573 = tpu.vector_load %arg8[%parallel_loop3A_572] {strides = array<i32>} : memref<48000xf32, #tpu.memory_space<vmem>>, vector<16xf32>,
        %parallel_loop3A_574 = vector.shape_cast %parallel_loop3A_573 : vector<16xf32> to vector<16xf32>
        %parallel_loop3A_575 = arith.mulf %parallel_loop3A_539, %get3A_316 : vector<16xf32>
        %parallel_loop3A_576 = arith.mulf %parallel_loop3A_544, %get3A_321 : vector<16xf32>
        %parallel_loop3A_577 = arith.addf %parallel_loop3A_575, %parallel_loop3A_576 : vector<16xf32>
        %parallel_loop3A_578 = arith.mulf %parallel_loop3A_549, %get3A_326 : vector<16xf32>
        %parallel_loop3A_579 = arith.addf %parallel_loop3A_577, %parallel_loop3A_578 : vector<16xf32>
        %parallel_loop3A_580 = arith.mulf %parallel_loop3A_554, %get3A_331 : vector<16xf32>
        %parallel_loop3A_581 = arith.addf %parallel_loop3A_579, %parallel_loop3A_580 : vector<16xf32>
        %parallel_loop3A_582 = arith.mulf %parallel_loop3A_559, %get3A_336 : vector<16xf32>
        %parallel_loop3A_583 = arith.addf %parallel_loop3A_581, %parallel_loop3A_582 : vector<16xf32>
        %parallel_loop3A_584 = arith.mulf %parallel_loop3A_564, %get3A_341 : vector<16xf32>
        %parallel_loop3A_585 = arith.addf %parallel_loop3A_583, %parallel_loop3A_584 : vector<16xf32>
        %parallel_loop3A_586 = arith.mulf %parallel_loop3A_569, %get3A_346 : vector<16xf32>
        %parallel_loop3A_587 = arith.addf %parallel_loop3A_585, %parallel_loop3A_586 : vector<16xf32>
        %parallel_loop3A_588 = arith.mulf %parallel_loop3A_574, %get3A_351 : vector<16xf32>
        %parallel_loop3A_589 = arith.addf %parallel_loop3A_587, %parallel_loop3A_588 : vector<16xf32>
        %parallel_loop3A_590 = arith.constant 0 : i32
        %parallel_loop3A_591 = vector.broadcast %parallel_loop3A_590 : i32 to vector<16xi32>
        %parallel_loop3A_592 = arith.cmpi slt, %xor3A_369, %parallel_loop3A_591 : vector<16xi32>
        %parallel_loop3A_593 = arith.constant 16 : i32
        %parallel_loop3A_594 = vector.broadcast %parallel_loop3A_593 : i32 to vector<16xi32>
        %parallel_loop3A_595 = arith.addi %xor3A_369, %parallel_loop3A_594 : vector<16xi32>
        %parallel_loop3A_596 = arith.select %parallel_loop3A_592, %parallel_loop3A_595, %xor3A_369 : vector<16xi1>, vector<16xi32>
        %parallel_loop3A_597 = vector.shape_cast %parallel_loop3A_596 : vector<16xi32> to vector<16x1xi32>
        %parallel_loop3A_598 = vector.shape_cast %parallel_loop3A_597 : vector<16x1xi32> to vector<16xi32>
        %parallel_loop3A_599 = tpu.dynamic_gather %parallel_loop3A_589[%parallel_loop3A_598] in [0] : vector<16xf32>, vector<16xi32> -> vector<16xf32>
        %parallel_loop3A_600 = arith.addf %parallel_loop3A_589, %parallel_loop3A_599 : vector<16xf32>
        %parallel_loop3A_601 = arith.constant 0 : i32
        %parallel_loop3A_602 = vector.broadcast %parallel_loop3A_601 : i32 to vector<16xi32>
        %parallel_loop3A_603 = arith.cmpi slt, %xor3A_373, %parallel_loop3A_602 : vector<16xi32>
        %parallel_loop3A_604 = arith.constant 16 : i32
        %parallel_loop3A_605 = vector.broadcast %parallel_loop3A_604 : i32 to vector<16xi32>
        %parallel_loop3A_606 = arith.addi %xor3A_373, %parallel_loop3A_605 : vector<16xi32>
        %parallel_loop3A_607 = arith.select %parallel_loop3A_603, %parallel_loop3A_606, %xor3A_373 : vector<16xi1>, vector<16xi32>
        %parallel_loop3A_608 = vector.shape_cast %parallel_loop3A_607 : vector<16xi32> to vector<16x1xi32>
        %parallel_loop3A_609 = vector.shape_cast %parallel_loop3A_608 : vector<16x1xi32> to vector<16xi32>
        %parallel_loop3A_610 = tpu.dynamic_gather %parallel_loop3A_600[%parallel_loop3A_609] in [0] : vector<16xf32>, vector<16xi32> -> vector<16xf32>
        %parallel_loop3A_611 = arith.addf %parallel_loop3A_600, %parallel_loop3A_610 : vector<16xf32>
        %parallel_loop3A_612 = arith.constant 0 : i32
        %parallel_loop3A_613 = vector.broadcast %parallel_loop3A_612 : i32 to vector<16xi32>
        %parallel_loop3A_614 = arith.cmpi slt, %xor3A_377, %parallel_loop3A_613 : vector<16xi32>
        %parallel_loop3A_615 = arith.constant 16 : i32
        %parallel_loop3A_616 = vector.broadcast %parallel_loop3A_615 : i32 to vector<16xi32>
        %parallel_loop3A_617 = arith.addi %xor3A_377, %parallel_loop3A_616 : vector<16xi32>
        %parallel_loop3A_618 = arith.select %parallel_loop3A_614, %parallel_loop3A_617, %xor3A_377 : vector<16xi1>, vector<16xi32>
        %parallel_loop3A_619 = vector.shape_cast %parallel_loop3A_618 : vector<16xi32> to vector<16x1xi32>
        %parallel_loop3A_620 = vector.shape_cast %parallel_loop3A_619 : vector<16x1xi32> to vector<16xi32>
        %parallel_loop3A_621 = tpu.dynamic_gather %parallel_loop3A_611[%parallel_loop3A_620] in [0] : vector<16xf32>, vector<16xi32> -> vector<16xf32>
        %parallel_loop3A_622 = arith.addf %parallel_loop3A_611, %parallel_loop3A_621 : vector<16xf32>
        %parallel_loop3A_623 = arith.constant 0 : i32
        %parallel_loop3A_624 = vector.broadcast %parallel_loop3A_623 : i32 to vector<16xi32>
        %parallel_loop3A_625 = arith.cmpi slt, %xor3A_381, %parallel_loop3A_624 : vector<16xi32>
        %parallel_loop3A_626 = arith.constant 16 : i32
        %parallel_loop3A_627 = vector.broadcast %parallel_loop3A_626 : i32 to vector<16xi32>
        %parallel_loop3A_628 = arith.addi %xor3A_381, %parallel_loop3A_627 : vector<16xi32>
        %parallel_loop3A_629 = arith.select %parallel_loop3A_625, %parallel_loop3A_628, %xor3A_381 : vector<16xi1>, vector<16xi32>
        %parallel_loop3A_630 = vector.shape_cast %parallel_loop3A_629 : vector<16xi32> to vector<16x1xi32>
        %parallel_loop3A_631 = vector.shape_cast %parallel_loop3A_630 : vector<16x1xi32> to vector<16xi32>
        %parallel_loop3A_632 = tpu.dynamic_gather %parallel_loop3A_622[%parallel_loop3A_631] in [0] : vector<16xf32>, vector<16xi32> -> vector<16xf32>
        %parallel_loop3A_633 = arith.addf %parallel_loop3A_622, %parallel_loop3A_632 : vector<16xf32>
        %parallel_loop3A_634 = arith.addf %parallel_loop3A_633, %gather3A_366 : vector<16xf32>
        %parallel_loop3A_635 = arith.addi %add3A_527, %parallel_loop3A_531 : i32
        %parallel_loop3A_636 = arith.index_cast %parallel_loop3A_635 : i32 to index
        %parallel_loop3A_637 = tpu.vector_load %arg7[%parallel_loop3A_636] {strides = array<i32>} : memref<1680xi32, #tpu.memory_space<vmem>>, vector<16xi32>,
        %parallel_loop3A_638 = vector.shape_cast %parallel_loop3A_637 : vector<16xi32> to vector<16xi32>
        %parallel_loop3A_639 = vector.extract_strided_slice %parallel_loop3A_638 {offsets = [0], sizes = [1], strides = [1]} : vector<16xi32> to vector<1xi32>
        %parallel_loop3A_640 = vector.extract %parallel_loop3A_639[0] : i32 from vector<1xi32>
        %parallel_loop3A_641 = arith.mulf %parallel_loop3A_634, %parallel_loop3A_539 : vector<16xf32>
        %parallel_loop3A_642 = arith.index_cast %parallel_loop3A_640 : i32 to index
        %parallel_loop3A_643 = arith.constant 0 : index
        %parallel_loop3A_644 = tpu.vector_load %arg9[%parallel_loop3A_642, %parallel_loop3A_643] {strides = array<i32>} : memref<512x128xf32, #tpu.memory_space<vmem>>, vector<1x16xf32>,
        %parallel_loop3A_645 = vector.shape_cast %parallel_loop3A_644 : vector<1x16xf32> to vector<16xf32>
        %parallel_loop3A_646 = vector.shape_cast %parallel_loop3A_641 : vector<16xf32> to vector<1x16xf32>
        tpu.vector_store %arg9[%parallel_loop3A_642, %parallel_loop3A_643], %parallel_loop3A_646 {add = true, strides = array<i32>} : memref<512x128xf32, #tpu.memory_space<vmem>>, vector<1x16xf32>,
        %parallel_loop3A_647 = arith.mulf %parallel_loop3A_634, %parallel_loop3A_544 : vector<16xf32>
        %parallel_loop3A_648 = arith.index_cast %parallel_loop3A_640 : i32 to index
        %parallel_loop3A_649 = arith.constant 16 : index
        %parallel_loop3A_650 = tpu.vector_load %arg9[%parallel_loop3A_648, %parallel_loop3A_649] {strides = array<i32>} : memref<512x128xf32, #tpu.memory_space<vmem>>, vector<1x16xf32>,
        %parallel_loop3A_651 = vector.shape_cast %parallel_loop3A_650 : vector<1x16xf32> to vector<16xf32>
        %parallel_loop3A_652 = vector.shape_cast %parallel_loop3A_647 : vector<16xf32> to vector<1x16xf32>
        tpu.vector_store %arg9[%parallel_loop3A_648, %parallel_loop3A_649], %parallel_loop3A_652 {add = true, strides = array<i32>} : memref<512x128xf32, #tpu.memory_space<vmem>>, vector<1x16xf32>,
        %parallel_loop3A_653 = arith.mulf %parallel_loop3A_634, %parallel_loop3A_549 : vector<16xf32>
        %parallel_loop3A_654 = arith.index_cast %parallel_loop3A_640 : i32 to index
        %parallel_loop3A_655 = arith.constant 32 : index
        %parallel_loop3A_656 = tpu.vector_load %arg9[%parallel_loop3A_654, %parallel_loop3A_655] {strides = array<i32>} : memref<512x128xf32, #tpu.memory_space<vmem>>, vector<1x16xf32>,
        %parallel_loop3A_657 = vector.shape_cast %parallel_loop3A_656 : vector<1x16xf32> to vector<16xf32>
        %parallel_loop3A_658 = vector.shape_cast %parallel_loop3A_653 : vector<16xf32> to vector<1x16xf32>
        tpu.vector_store %arg9[%parallel_loop3A_654, %parallel_loop3A_655], %parallel_loop3A_658 {add = true, strides = array<i32>} : memref<512x128xf32, #tpu.memory_space<vmem>>, vector<1x16xf32>,
        %parallel_loop3A_659 = arith.mulf %parallel_loop3A_634, %parallel_loop3A_554 : vector<16xf32>
        %parallel_loop3A_660 = arith.index_cast %parallel_loop3A_640 : i32 to index
        %parallel_loop3A_661 = arith.constant 48 : index
        %parallel_loop3A_662 = tpu.vector_load %arg9[%parallel_loop3A_660, %parallel_loop3A_661] {strides = array<i32>} : memref<512x128xf32, #tpu.memory_space<vmem>>, vector<1x16xf32>,
        %parallel_loop3A_663 = vector.shape_cast %parallel_loop3A_662 : vector<1x16xf32> to vector<16xf32>
        %parallel_loop3A_664 = vector.shape_cast %parallel_loop3A_659 : vector<16xf32> to vector<1x16xf32>
        tpu.vector_store %arg9[%parallel_loop3A_660, %parallel_loop3A_661], %parallel_loop3A_664 {add = true, strides = array<i32>} : memref<512x128xf32, #tpu.memory_space<vmem>>, vector<1x16xf32>,
        %parallel_loop3A_665 = arith.mulf %parallel_loop3A_634, %parallel_loop3A_559 : vector<16xf32>
        %parallel_loop3A_666 = arith.index_cast %parallel_loop3A_640 : i32 to index
        %parallel_loop3A_667 = arith.constant 64 : index
        %parallel_loop3A_668 = tpu.vector_load %arg9[%parallel_loop3A_666, %parallel_loop3A_667] {strides = array<i32>} : memref<512x128xf32, #tpu.memory_space<vmem>>, vector<1x16xf32>,
        %parallel_loop3A_669 = vector.shape_cast %parallel_loop3A_668 : vector<1x16xf32> to vector<16xf32>
        %parallel_loop3A_670 = vector.shape_cast %parallel_loop3A_665 : vector<16xf32> to vector<1x16xf32>
        tpu.vector_store %arg9[%parallel_loop3A_666, %parallel_loop3A_667], %parallel_loop3A_670 {add = true, strides = array<i32>} : memref<512x128xf32, #tpu.memory_space<vmem>>, vector<1x16xf32>,
        %parallel_loop3A_671 = arith.mulf %parallel_loop3A_634, %parallel_loop3A_564 : vector<16xf32>
        %parallel_loop3A_672 = arith.index_cast %parallel_loop3A_640 : i32 to index
        %parallel_loop3A_673 = arith.constant 80 : index
        %parallel_loop3A_674 = tpu.vector_load %arg9[%parallel_loop3A_672, %parallel_loop3A_673] {strides = array<i32>} : memref<512x128xf32, #tpu.memory_space<vmem>>, vector<1x16xf32>,
        %parallel_loop3A_675 = vector.shape_cast %parallel_loop3A_674 : vector<1x16xf32> to vector<16xf32>
        %parallel_loop3A_676 = vector.shape_cast %parallel_loop3A_671 : vector<16xf32> to vector<1x16xf32>
        tpu.vector_store %arg9[%parallel_loop3A_672, %parallel_loop3A_673], %parallel_loop3A_676 {add = true, strides = array<i32>} : memref<512x128xf32, #tpu.memory_space<vmem>>, vector<1x16xf32>,
        %parallel_loop3A_677 = arith.mulf %parallel_loop3A_634, %parallel_loop3A_569 : vector<16xf32>
        %parallel_loop3A_678 = arith.index_cast %parallel_loop3A_640 : i32 to index
        %parallel_loop3A_679 = arith.constant 96 : index
        %parallel_loop3A_680 = tpu.vector_load %arg9[%parallel_loop3A_678, %parallel_loop3A_679] {strides = array<i32>} : memref<512x128xf32, #tpu.memory_space<vmem>>, vector<1x16xf32>,
        %parallel_loop3A_681 = vector.shape_cast %parallel_loop3A_680 : vector<1x16xf32> to vector<16xf32>
        %parallel_loop3A_682 = vector.shape_cast %parallel_loop3A_677 : vector<16xf32> to vector<1x16xf32>
        tpu.vector_store %arg9[%parallel_loop3A_678, %parallel_loop3A_679], %parallel_loop3A_682 {add = true, strides = array<i32>} : memref<512x128xf32, #tpu.memory_space<vmem>>, vector<1x16xf32>,
        %parallel_loop3A_683 = arith.mulf %parallel_loop3A_634, %parallel_loop3A_574 : vector<16xf32>
        %parallel_loop3A_684 = arith.index_cast %parallel_loop3A_640 : i32 to index
        %parallel_loop3A_685 = arith.constant 112 : index
        %parallel_loop3A_686 = tpu.vector_load %arg9[%parallel_loop3A_684, %parallel_loop3A_685] {strides = array<i32>} : memref<512x128xf32, #tpu.memory_space<vmem>>, vector<1x16xf32>,
        %parallel_loop3A_687 = vector.shape_cast %parallel_loop3A_686 : vector<1x16xf32> to vector<16xf32>
        %parallel_loop3A_688 = vector.shape_cast %parallel_loop3A_683 : vector<16xf32> to vector<1x16xf32>
        tpu.vector_store %arg9[%parallel_loop3A_684, %parallel_loop3A_685], %parallel_loop3A_688 {add = true, strides = array<i32>} : memref<512x128xf32, #tpu.memory_space<vmem>>, vector<1x16xf32>,
      } {sc.loop_unroll_factor = 25 : i64, sc.parallel_access}
    }
    %scan3A_407 = arith.constant 13 : i32
    %get3A_408 = arith.index_cast %sub3A_22 : i32 to index
    %get3A_409 = tpu.vector_load %arg7[%get3A_408] {strides = array<i32>} : memref<1680xi32, #tpu.memory_space<vmem>>, vector<16xi32>,
    %get3A_410 = vector.shape_cast %get3A_409 : vector<16xi32> to vector<16xi32>
    %slice3A = vector.extract_strided_slice %get3A_410 {offsets = [0], sizes = [1], strides = [1]} : vector<16xi32> to vector<1xi32>
    %squeeze3A = vector.extract %slice3A[0] : i32 from vector<1xi32>
    %add3A_411 = arith.constant 1625 : i32
    %add3A_412 = arith.addi %sub3A_22, %add3A_411 : i32
    %sub3A_413 = arith.constant 1 : i32
    %sub3A_414 = arith.subi %add3A_412, %sub3A_413 : i32
    %get3A_415 = arith.index_cast %sub3A_414 : i32 to index
    %get3A_416 = tpu.vector_load %arg7[%get3A_415] {strides = array<i32>} : memref<1680xi32, #tpu.memory_space<vmem>>, vector<16xi32>,
    %get3A_417 = vector.shape_cast %get3A_416 : vector<16xi32> to vector<16xi32>
    %slice3A_418 = vector.extract_strided_slice %get3A_417 {offsets = [0], sizes = [1], strides = [1]} : vector<16xi32> to vector<1xi32>
    %squeeze3A_419 = vector.extract %slice3A_418[0] : i32 from vector<1xi32>
    %jit3A_420 = arith.constant 32 : i32
    %div3A_421 = arith.divsi %squeeze3A, %jit3A_420 : i32
    %sign3A_422 = arith.constant 0 : i32
    %sign3A_423 = arith.cmpi sgt, %squeeze3A, %sign3A_422 : i32
    %sign3A_424 = arith.extui %sign3A_423 : i1 to i32
    %sign3A_425 = arith.constant 0 : i32
    %sign3A_426 = arith.cmpi slt, %squeeze3A, %sign3A_425 : i32
    %sign3A_427 = arith.extui %sign3A_426 : i1 to i32
    %sign3A_428 = arith.subi %sign3A_424, %sign3A_427 : i32
    %sign3A_429 = arith.constant 0 : i32
    %sign3A_430 = arith.cmpi sgt, %jit3A_420, %sign3A_429 : i32
    %sign3A_431 = arith.extui %sign3A_430 : i1 to i32
    %sign3A_432 = arith.constant 0 : i32
    %sign3A_433 = arith.cmpi slt, %jit3A_420, %sign3A_432 : i32
    %sign3A_434 = arith.extui %sign3A_433 : i1 to i32
    %sign3A_435 = arith.subi %sign3A_431, %sign3A_434 : i32
    %ne3A_436 = arith.cmpi ne, %sign3A_428, %sign3A_435 : i32
    %rem3A_437 = arith.remsi %squeeze3A, %jit3A_420 : i32
    %ne3A_438 = arith.constant 0 : i32
    %ne3A_439 = arith.cmpi ne, %rem3A_437, %ne3A_438 : i32
    %and3A_440 = arith.andi %ne3A_436, %ne3A_439 : i1
    %sub3A_441 = arith.constant 1 : i32
    %sub3A_442 = arith.subi %div3A_421, %sub3A_441 : i32
    %select_n3A_443 = arith.select %and3A_440, %sub3A_442, %div3A_421 : i32
    %jit3A_444 = arith.constant 32 : i32
    %div3A_445 = arith.divsi %squeeze3A_419, %jit3A_444 : i32
    %sign3A_446 = arith.constant 0 : i32
    %sign3A_447 = arith.cmpi sgt, %squeeze3A_419, %sign3A_446 : i32
    %sign3A_448 = arith.extui %sign3A_447 : i1 to i32
    %sign3A_449 = arith.constant 0 : i32
    %sign3A_450 = arith.cmpi slt, %squeeze3A_419, %sign3A_449 : i32
    %sign3A_451 = arith.extui %sign3A_450 : i1 to i32
    %sign3A_452 = arith.subi %sign3A_448, %sign3A_451 : i32
    %sign3A_453 = arith.constant 0 : i32
    %sign3A_454 = arith.cmpi sgt, %jit3A_444, %sign3A_453 : i32
    %sign3A_455 = arith.extui %sign3A_454 : i1 to i32
    %sign3A_456 = arith.constant 0 : i32
    %sign3A_457 = arith.cmpi slt, %jit3A_444, %sign3A_456 : i32
    %sign3A_458 = arith.extui %sign3A_457 : i1 to i32
    %sign3A_459 = arith.subi %sign3A_455, %sign3A_458 : i32
    %ne3A_460 = arith.cmpi ne, %sign3A_452, %sign3A_459 : i32
    %rem3A_461 = arith.remsi %squeeze3A_419, %jit3A_444 : i32
    %ne3A_462 = arith.constant 0 : i32
    %ne3A_463 = arith.cmpi ne, %rem3A_461, %ne3A_462 : i32
    %and3A_464 = arith.andi %ne3A_460, %ne3A_463 : i1
    %sub3A_465 = arith.constant 1 : i32
    %sub3A_466 = arith.subi %div3A_445, %sub3A_465 : i32
    %select_n3A_467 = arith.select %and3A_464, %sub3A_466, %div3A_445 : i32
    %add3A_468 = arith.constant 1 : i32
    %add3A_469 = arith.addi %select_n3A_467, %add3A_468 : i32
    %while3A = arith.constant 0 : i32
    %while3A_470 = arith.subi %add3A_469, %select_n3A_443 : i32
    %while3A_471 = arith.addi %select_n3A_443, %while3A_470 : i32
    %while3A_472 = arith.constant 1 : i32
    %while3A_473 = arith.divsi %while3A_470, %while3A_472 : i32
    %while3A_474 = arith.muli %while3A_473, %while3A_472 : i32
    %while3A_475 = arith.addi %select_n3A_443, %while3A_474 : i32
    %while3A_476 = arith.constant 1 : i32
    scf.for %while3A_484 = %select_n3A_443 to %while3A_475 step %while3A_476  : i32 {
      %mul3A_485 = arith.constant 32 : i32
      %mul3A_486 = arith.muli %while3A_484, %mul3A_485 : i32
      "tpu.region"() ({
        %run_scoped3A = tpu.sem_alloc : memref<!tpu.dma_semaphore, #tpu.memory_space<semaphore_mem>>
        %dma_start3A_487 = arith.constant 0 : i32
        %dma_start3A_488 = tpu.memref_slice %arg9[%mul3A_486, %dma_start3A_487] : memref<512x128xf32, #tpu.memory_space<vmem>> -> memref<32x128xf32, #tpu.memory_space<vmem>>
        %dma_start3A_489 = arith.constant 0 : i32
        %dma_start3A_490 = tpu.memref_slice %arg12[%while3A_484, %dma_start3A_489] : memref<16x32xi32, #tpu.memory_space<vmem>> -> memref<1x32xi32, #tpu.memory_space<vmem>>
        %dma_start3A_491 = tpu.memref_squeeze %dma_start3A_490 : memref<1x32xi32, #tpu.memory_space<vmem>> -> memref<32xi32, #tpu.memory_space<vmem>>
        %dma_start3A_492 = arith.constant 0 : i32
        %dma_start3A_493 = arith.constant 0 : i32
        %dma_start3A_494 = tpu.memref_slice %arg13[%dma_start3A_492, %dma_start3A_493] : memref<512x128xf32, #tpu.memory_space<vmem_shared>> -> memref<512x128xf32, #tpu.memory_space<vmem_shared>>
        tpu.enqueue_indirect_dma source(%dma_start3A_488 : memref<32x128xf32, #tpu.memory_space<vmem>>) target(%dma_start3A_494 : memref<512x128xf32, #tpu.memory_space<vmem_shared>>) offsets(%dma_start3A_491 : memref<32xi32, #tpu.memory_space<vmem>>) semaphore(%run_scoped3A : memref<!tpu.dma_semaphore, #tpu.memory_space<semaphore_mem>>) {add = true}
        %dma_wait3A = arith.constant 0 : i32
        %dma_wait3A_495 = tpu.memref_slice %arg9[%mul3A_486, %dma_wait3A] : memref<512x128xf32, #tpu.memory_space<vmem>> -> memref<32x128xf32, #tpu.memory_space<vmem>>
        %dma_wait3A_496 = arith.constant 0 : i32
        %dma_wait3A_497 = tpu.memref_slice %arg12[%while3A_484, %dma_wait3A_496] : memref<16x32xi32, #tpu.memory_space<vmem>> -> memref<1x32xi32, #tpu.memory_space<vmem>>
        %dma_wait3A_498 = tpu.memref_squeeze %dma_wait3A_497 : memref<1x32xi32, #tpu.memory_space<vmem>> -> memref<32xi32, #tpu.memory_space<vmem>>
        %dma_wait3A_499 = arith.constant 0 : i32
        %dma_wait3A_500 = arith.constant 0 : i32
        %dma_wait3A_501 = tpu.memref_slice %arg13[%dma_wait3A_499, %dma_wait3A_500] : memref<512x128xf32, #tpu.memory_space<vmem_shared>> -> memref<512x128xf32, #tpu.memory_space<vmem_shared>>
        tpu.wait_indirect_dma semaphore(%run_scoped3A : memref<!tpu.dma_semaphore, #tpu.memory_space<semaphore_mem>>) src(%dma_wait3A_495 : memref<32x128xf32, #tpu.memory_space<vmem>>) dst(%dma_wait3A_501 : memref<512x128xf32, #tpu.memory_space<vmem_shared>>)
        tpu.yield
      }) : () -> ()
    }
    %while3A_477 = arith.constant 1 : i32
    scf.for %while3A_484 = %while3A_475 to %while3A_471 step %while3A_477  : i32 {
      %mul3A_485 = arith.constant 32 : i32
      %mul3A_486 = arith.muli %while3A_484, %mul3A_485 : i32
      "tpu.region"() ({
        %run_scoped3A = tpu.sem_alloc : memref<!tpu.dma_semaphore, #tpu.memory_space<semaphore_mem>>
        %dma_start3A_487 = arith.constant 0 : i32
        %dma_start3A_488 = tpu.memref_slice %arg9[%mul3A_486, %dma_start3A_487] : memref<512x128xf32, #tpu.memory_space<vmem>> -> memref<32x128xf32, #tpu.memory_space<vmem>>
        %dma_start3A_489 = arith.constant 0 : i32
        %dma_start3A_490 = tpu.memref_slice %arg12[%while3A_484, %dma_start3A_489] : memref<16x32xi32, #tpu.memory_space<vmem>> -> memref<1x32xi32, #tpu.memory_space<vmem>>
        %dma_start3A_491 = tpu.memref_squeeze %dma_start3A_490 : memref<1x32xi32, #tpu.memory_space<vmem>> -> memref<32xi32, #tpu.memory_space<vmem>>
        %dma_start3A_492 = arith.constant 0 : i32
        %dma_start3A_493 = arith.constant 0 : i32
        %dma_start3A_494 = tpu.memref_slice %arg13[%dma_start3A_492, %dma_start3A_493] : memref<512x128xf32, #tpu.memory_space<vmem_shared>> -> memref<512x128xf32, #tpu.memory_space<vmem_shared>>
        tpu.enqueue_indirect_dma source(%dma_start3A_488 : memref<32x128xf32, #tpu.memory_space<vmem>>) target(%dma_start3A_494 : memref<512x128xf32, #tpu.memory_space<vmem_shared>>) offsets(%dma_start3A_491 : memref<32xi32, #tpu.memory_space<vmem>>) semaphore(%run_scoped3A : memref<!tpu.dma_semaphore, #tpu.memory_space<semaphore_mem>>) {add = true}
        %dma_wait3A = arith.constant 0 : i32
        %dma_wait3A_495 = tpu.memref_slice %arg9[%mul3A_486, %dma_wait3A] : memref<512x128xf32, #tpu.memory_space<vmem>> -> memref<32x128xf32, #tpu.memory_space<vmem>>
        %dma_wait3A_496 = arith.constant 0 : i32
        %dma_wait3A_497 = tpu.memref_slice %arg12[%while3A_484, %dma_wait3A_496] : memref<16x32xi32, #tpu.memory_space<vmem>> -> memref<1x32xi32, #tpu.memory_space<vmem>>
        %dma_wait3A_498 = tpu.memref_squeeze %dma_wait3A_497 : memref<1x32xi32, #tpu.memory_space<vmem>> -> memref<32xi32, #tpu.memory_space<vmem>>
        %dma_wait3A_499 = arith.constant 0 : i32
        %dma_wait3A_500 = arith.constant 0 : i32
        %dma_wait3A_501 = tpu.memref_slice %arg13[%dma_wait3A_499, %dma_wait3A_500] : memref<512x128xf32, #tpu.memory_space<vmem_shared>> -> memref<512x128xf32, #tpu.memory_space<vmem_shared>>
        tpu.wait_indirect_dma semaphore(%run_scoped3A : memref<!tpu.dma_semaphore, #tpu.memory_space<semaphore_mem>>) src(%dma_wait3A_495 : memref<32x128xf32, #tpu.memory_space<vmem>>) dst(%dma_wait3A_501 : memref<512x128xf32, #tpu.memory_space<vmem_shared>>)
        tpu.yield
      }) : () -> ()
    }
    %barrier3A_478 = arith.constant 0 : index
    tpu.barrier barrier_id(%barrier3A_478)
    %eq3A_479 = arith.constant 0 : i32
    %eq3A_480 = arith.cmpi eq, %arg1, %eq3A_479 : i32
    %convert_element_type3A_481 = arith.extui %eq3A_480 : i1 to i32
    %cond3A_482 = arith.constant 0 : i32
    %cond3A_483 = arith.cmpi ne, %convert_element_type3A_481, %cond3A_482 : i32
    scf.if %cond3A_483 {
      "tpu.region"() ({
        %run_scoped3A = tpu.sem_alloc : memref<!tpu.dma_semaphore, #tpu.memory_space<semaphore_mem>>
        %dma_start3A_484 = arith.constant 0 : i32
        %dma_start3A_485 = arith.constant 0 : i32
        %dma_start3A_486 = tpu.memref_slice %arg6[%arg0, %dma_start3A_484, %dma_start3A_485] : memref<2x512x128xf32, #tpu.memory_space<hbm>> -> memref<1x512x128xf32, #tpu.memory_space<hbm>>
        %dma_start3A_487 = tpu.memref_squeeze %dma_start3A_486 : memref<1x512x128xf32, #tpu.memory_space<hbm>> -> memref<512x128xf32, #tpu.memory_space<hbm>>
        tpu.enqueue_dma source(%arg13 : memref<512x128xf32, #tpu.memory_space<vmem_shared>>) target(%dma_start3A_487 : memref<512x128xf32, #tpu.memory_space<hbm>>) target_semaphore(%run_scoped3A : memref<!tpu.dma_semaphore, #tpu.memory_space<semaphore_mem>>)
        %dma_wait3A = arith.constant 0 : i32
        %dma_wait3A_488 = arith.constant 0 : i32
        %dma_wait3A_489 = tpu.memref_slice %arg6[%arg0, %dma_wait3A, %dma_wait3A_488] : memref<2x512x128xf32, #tpu.memory_space<hbm>> -> memref<1x512x128xf32, #tpu.memory_space<hbm>>
        %dma_wait3A_490 = tpu.memref_squeeze %dma_wait3A_489 : memref<1x512x128xf32, #tpu.memory_space<hbm>> -> memref<512x128xf32, #tpu.memory_space<hbm>>
        tpu.wait_dma2 semaphore(%run_scoped3A : memref<!tpu.dma_semaphore, #tpu.memory_space<semaphore_mem>>) src(%arg13 : memref<512x128xf32, #tpu.memory_space<vmem_shared>>) dst(%dma_wait3A_490 : memref<512x128xf32, #tpu.memory_space<hbm>>)
        tpu.yield
      }) : () -> ()
    } else {
    }
    return
  }
}

module attributes {stable_mosaic.version = 14 : i64} {
  func.func @body(%arg0: i32, %arg1: memref<4000x128xf32, #tpu.memory_space<vmem>>, %arg2: memref<1x1x4000xi32, #tpu.memory_space<vmem>>, %arg3: memref<1x128xf32, #tpu.memory_space<vmem>>, %arg4: memref<1x1xf32, #tpu.memory_space<vmem>>, %arg5: memref<512x128xf32, #tpu.memory_space<vmem>>, %arg6: memref<512x128xf32, #tpu.memory_space<vmem>>) attributes {dimension_semantics = [#tpu.dimension_semantics<arbitrary>], iteration_bounds = array<i64: 12>, scalar_prefetch = 0 : i64, scratch_operands = 1 : i64, tpu.core_type = #tpu.core_type<tc>, window_params = [{transform_indices = @transform_0, window_bounds = array<i64: 4000, 128>}, {transform_indices = @transform_1, window_bounds = array<i64: 1, 1, 4000>}, {pipeline_mode = #tpu.pipeline_mode<synchronous>, transform_indices = @transform_2, window_bounds = array<i64: 1, 128>}, {pipeline_mode = #tpu.pipeline_mode<synchronous>, transform_indices = @transform_3, window_bounds = array<i64: 1, 1>}, {pipeline_mode = #tpu.pipeline_mode<synchronous>, transform_indices = @transform_4, window_bounds = array<i64: 512, 128>}]} {
    %eq3A = arith.constant 0 : i32
    %eq3A_0 = arith.cmpi eq, %arg0, %eq3A : i32
    %convert_element_type3A = arith.extui %eq3A_0 : i1 to i32
    %cond3A = arith.constant 0 : i32
    %cond3A_1 = arith.cmpi ne, %convert_element_type3A, %cond3A : i32
    scf.if %cond3A_1 {
      %broadcast_in_dim3A_40 = arith.constant 0.000000e+00 : f32
      %broadcast_in_dim3A_41 = vector.broadcast %broadcast_in_dim3A_40 : f32 to vector<512x128xf32>
      %swap3A_42 = arith.constant 0 : index
      %swap3A_43 = arith.constant 0 : index
      %swap3A_44 = vector.load %arg6[%swap3A_42, %swap3A_43] : memref<512x128xf32, #tpu.memory_space<vmem>>, vector<512x128xf32>
      tpu.vector_store %arg6[%swap3A_42, %swap3A_43], %broadcast_in_dim3A_41 {strides = array<i32>} : memref<512x128xf32, #tpu.memory_space<vmem>>, vector<512x128xf32>,
    } else {
    }
    %get3A = arith.constant 0 : index
    %get3A_2 = arith.constant 0 : index
    %get3A_3 = vector.load %arg1[%get3A, %get3A_2] : memref<4000x128xf32, #tpu.memory_space<vmem>>, vector<4000x128xf32>
    %get3A_4 = arith.constant 0 : index
    %get3A_5 = arith.constant 0 : index
    %get3A_6 = vector.load %arg3[%get3A_4, %get3A_5] : memref<1x128xf32, #tpu.memory_space<vmem>>, vector<1x128xf32>
    %mul3A = vector.broadcast %get3A_6 : vector<1x128xf32> to vector<4000x128xf32>
    %mul3A_7 = arith.mulf %get3A_3, %mul3A : vector<4000x128xf32>
    %reduce_sum3A = arith.constant dense<0.000000e+00> : vector<4000xf32>
    %reduce_sum3A_8 = vector.multi_reduction <add>, %mul3A_7, %reduce_sum3A [1] : vector<4000x128xf32> to vector<4000xf32>
    %broadcast_in_dim3A = vector.shape_cast %reduce_sum3A_8 : vector<4000xf32> to vector<4000x1xf32>
    %get3A_9 = arith.constant 0 : index
    %get3A_10 = arith.constant 0 : index
    %get3A_11 = vector.load %arg4[%get3A_9, %get3A_10] : memref<1x1xf32, #tpu.memory_space<vmem>>, vector<1x1xf32>
    %add3A = vector.broadcast %get3A_11 : vector<1x1xf32> to vector<4000x1xf32>
    %add3A_12 = arith.addf %broadcast_in_dim3A, %add3A : vector<4000x1xf32>
    %mul3A_13 = vector.broadcast %add3A_12 : vector<4000x1xf32> to vector<4000x128xf32>
    %mul3A_14 = arith.mulf %mul3A_13, %get3A_3 : vector<4000x128xf32>
    %convert_element_type3A_15 = arith.truncf %mul3A_14 : vector<4000x128xf32> to vector<4000x128xbf16>
    %get3A_16 = arith.constant 0 : index
    %get3A_17 = arith.constant 0 : index
    %get3A_18 = arith.constant 0 : index
    %get3A_19 = vector.load %arg2[%get3A_16, %get3A_17, %get3A_18] : memref<1x1x4000xi32, #tpu.memory_space<vmem>>, vector<1x1x4000xi32>
    %get3A_20 = vector.shape_cast %get3A_19 : vector<1x1x4000xi32> to vector<4000xi32>
    %convert_element_type3A_21 = arith.trunci %get3A_20 : vector<4000xi32> to vector<4000xi16>
    %broadcast_in_dim3A_22 = vector.shape_cast %convert_element_type3A_21 : vector<4000xi16> to vector<1x4000xi16>
    %iota3A = tpu.iota {dimensions = array<i32: 0>} : vector<512x4000xi16>
    %eq3A_23 = vector.broadcast %broadcast_in_dim3A_22 : vector<1x4000xi16> to vector<512x4000xi16>
    %eq3A_24 = arith.cmpi eq, %eq3A_23, %iota3A : vector<512x4000xi16>
    %convert_element_type3A_25 = arith.extui %eq3A_24 : vector<512x4000xi1> to vector<512x4000xi32>
    %convert_element_type3A_26 = arith.sitofp %convert_element_type3A_25 : vector<512x4000xi32> to vector<512x4000xf32>
    %convert_element_type3A_27 = arith.truncf %convert_element_type3A_26 : vector<512x4000xf32> to vector<512x4000xbf16>
    %get3A_28 = arith.constant 0 : index
    %get3A_29 = arith.constant 0 : index
    %get3A_30 = vector.load %arg6[%get3A_28, %get3A_29] : memref<512x128xf32, #tpu.memory_space<vmem>>, vector<512x128xf32>
    %dot_general3A = arith.constant dense<0.000000e+00> : vector<512x128xf32>
    %dot_general3A_31 = tpu.matmul %convert_element_type3A_27, %convert_element_type3A_15, %dot_general3A {dimension_numbers = #tpu.dot_dimension_numbers<[1], [0], [0], [1], [0, 0, 1, 1], [], []>, transpose_lhs_hint = false} : vector<512x4000xbf16>, vector<4000x128xbf16>, vector<512x128xf32> -> vector<512x128xf32>
    %add3A_32 = arith.addf %get3A_30, %dot_general3A_31 : vector<512x128xf32>
    %swap3A = arith.constant 0 : index
    %swap3A_33 = arith.constant 0 : index
    %swap3A_34 = vector.load %arg6[%swap3A, %swap3A_33] : memref<512x128xf32, #tpu.memory_space<vmem>>, vector<512x128xf32>
    tpu.vector_store %arg6[%swap3A, %swap3A_33], %add3A_32 {strides = array<i32>} : memref<512x128xf32, #tpu.memory_space<vmem>>, vector<512x128xf32>,
    %eq3A_35 = arith.constant 11 : i32
    %eq3A_36 = arith.cmpi eq, %arg0, %eq3A_35 : i32
    %convert_element_type3A_37 = arith.extui %eq3A_36 : i1 to i32
    %cond3A_38 = arith.constant 0 : i32
    %cond3A_39 = arith.cmpi ne, %convert_element_type3A_37, %cond3A_38 : i32
    scf.if %cond3A_39 {
      %get3A_40 = arith.constant 0 : index
      %get3A_41 = arith.constant 0 : index
      %get3A_42 = vector.load %arg6[%get3A_40, %get3A_41] : memref<512x128xf32, #tpu.memory_space<vmem>>, vector<512x128xf32>
      %swap3A_43 = arith.constant 0 : index
      %swap3A_44 = arith.constant 0 : index
      %swap3A_45 = vector.load %arg5[%swap3A_43, %swap3A_44] : memref<512x128xf32, #tpu.memory_space<vmem>>, vector<512x128xf32>
      tpu.vector_store %arg5[%swap3A_43, %swap3A_44], %get3A_42 {strides = array<i32>} : memref<512x128xf32, #tpu.memory_space<vmem>>, vector<512x128xf32>,
    } else {
    }
    return
  }
  func.func @transform_0(%arg0: i32) -> (i32, i32) {
    %add3A = arith.constant 13 : i32
    %add3A_0 = arith.addi %add3A, %arg0 : i32
    %c0_i32 = arith.constant 0 : i32
    %c0_i32_1 = arith.constant 0 : i32
    return %add3A_0, %c0_i32 : i32, i32
  }
  func.func @transform_1(%arg0: i32) -> (i32, i32, i32) {
    %add3A = arith.constant 13 : i32
    %add3A_0 = arith.addi %add3A, %arg0 : i32
    %c0_i32 = arith.constant 0 : i32
    %c0_i32_1 = arith.constant 0 : i32
    %c0_i32_2 = arith.constant 0 : i32
    return %add3A_0, %c0_i32, %c0_i32_1 : i32, i32, i32
  }
  func.func @transform_2(%arg0: i32) -> (i32, i32) {
    %c0_i32 = arith.constant 0 : i32
    %c0_i32_0 = arith.constant 0 : i32
    %c0_i32_1 = arith.constant 0 : i32
    return %c0_i32, %c0_i32_0 : i32, i32
  }
  func.func @transform_3(%arg0: i32) -> (i32, i32) {
    %c0_i32 = arith.constant 0 : i32
    %c0_i32_0 = arith.constant 0 : i32
    %c0_i32_1 = arith.constant 0 : i32
    return %c0_i32, %c0_i32_0 : i32, i32
  }
  func.func @transform_4(%arg0: i32) -> (i32, i32) {
    %c0_i32 = arith.constant 0 : i32
    %c0_i32_0 = arith.constant 0 : i32
    %c0_i32_1 = arith.constant 0 : i32
    return %c0_i32, %c0_i32_0 : i32, i32
  }
}

module attributes {stable_mosaic.version = 14 : i64} {
  func.func @body(%arg0: memref<2x512x128xf32, #tpu.memory_space<vmem>>, %arg1: memref<512x128xf32, #tpu.memory_space<vmem>>, %arg2: memref<128x128xf32, #tpu.memory_space<vmem>>, %arg3: memref<1x128xf32, #tpu.memory_space<vmem>>, %arg4: memref<512x128xf32, #tpu.memory_space<vmem>>) attributes {dimension_semantics = [], scalar_prefetch = 0 : i64, scratch_operands = 0 : i64, tpu.core_type = #tpu.core_type<tc>} {
    %get3A = arith.constant 0 : index
    %get3A_0 = arith.constant 0 : index
    %get3A_1 = arith.constant 0 : index
    %get3A_2 = vector.load %arg0[%get3A, %get3A_0, %get3A_1] : memref<2x512x128xf32, #tpu.memory_space<vmem>>, vector<1x512x128xf32>
    %get3A_3 = vector.shape_cast %get3A_2 : vector<1x512x128xf32> to vector<512x128xf32>
    %get3A_4 = arith.constant 1 : index
    %get3A_5 = arith.constant 0 : index
    %get3A_6 = arith.constant 0 : index
    %get3A_7 = vector.load %arg0[%get3A_4, %get3A_5, %get3A_6] : memref<2x512x128xf32, #tpu.memory_space<vmem>>, vector<1x512x128xf32>
    %get3A_8 = vector.shape_cast %get3A_7 : vector<1x512x128xf32> to vector<512x128xf32>
    %add3A = arith.addf %get3A_3, %get3A_8 : vector<512x128xf32>
    %get3A_9 = arith.constant 0 : index
    %get3A_10 = arith.constant 0 : index
    %get3A_11 = vector.load %arg1[%get3A_9, %get3A_10] : memref<512x128xf32, #tpu.memory_space<vmem>>, vector<512x128xf32>
    %add3A_12 = arith.addf %add3A, %get3A_11 : vector<512x128xf32>
    %get3A_13 = arith.constant 0 : index
    %get3A_14 = arith.constant 0 : index
    %get3A_15 = vector.load %arg2[%get3A_13, %get3A_14] : memref<128x128xf32, #tpu.memory_space<vmem>>, vector<128x128xf32>
    %dot_general3A = arith.constant dense<0.000000e+00> : vector<512x128xf32>
    %dot_general3A_16 = tpu.matmul %add3A_12, %get3A_15, %dot_general3A {dimension_numbers = #tpu.dot_dimension_numbers<[1], [1], [0], [0], [0, 0, 1, 0], [], []>, transpose_lhs_hint = false} : vector<512x128xf32>, vector<128x128xf32>, vector<512x128xf32> -> vector<512x128xf32>
    %get3A_17 = arith.constant 0 : index
    %get3A_18 = arith.constant 0 : index
    %get3A_19 = vector.load %arg3[%get3A_17, %get3A_18] : memref<1x128xf32, #tpu.memory_space<vmem>>, vector<1x128xf32>
    %add3A_20 = vector.broadcast %get3A_19 : vector<1x128xf32> to vector<512x128xf32>
    %add3A_21 = arith.addf %dot_general3A_16, %add3A_20 : vector<512x128xf32>
    %swap3A = arith.constant 0 : index
    %swap3A_22 = arith.constant 0 : index
    %swap3A_23 = vector.load %arg4[%swap3A, %swap3A_22] : memref<512x128xf32, #tpu.memory_space<vmem>>, vector<512x128xf32>
    tpu.vector_store %arg4[%swap3A, %swap3A_22], %add3A_21 {strides = array<i32>} : memref<512x128xf32, #tpu.memory_space<vmem>>, vector<512x128xf32>,
    return
  }
}

</mosaic_0001>

<sc_bundles>
// kernel: kernel.5.cloned.1.call-start
scs
__scs_entry_jumppad:
0x0: {  	(pc) =	sbr.rel $0x88, $3  }
0x1: {  	(tag) =	ssettag $0x0;
	lr =	simm.s32 $0x1  }
0x2: {  	[smem:$0x3F9B] =	sst lr;
	_ =	strace $0xD0000000  }
0x3: {  	_ = 	snop  }
0x4: {  	_ = 	snop  }
0x5: {  	_ = 	snop  }
0x6: {  	_ = 	snop  }
0x7: {  	_ = 	snop  }
__scs_overlays_trampoline_lowered:
0x8: {  	[smem:$0x3FAA] =	sst s0  }
0x9: {  	[smem:$0x3FAB] =	sst s1  }
0xa: {  	[smem:$0x3FAC] =	sst s2  }
0xb: {  	[smem:$0x3FAD] =	sst s3  }
0xc: {  	[smem:$0x3FAE] =	sst s4  }
0xd: {  	[smem:$0x3FAF] =	sst s5  }
0xe: {  	[smem:$0x3FB0] =	sst s6  }
0xf: {  	[smem:$0x3FB1] =	sst s7  }
0x10: {  	[smem:$0x3FB2] =	sst s8  }
0x11: {  	[smem:$0x3FB3] =	sst s9;
	s0 =	simm.s32 @!p0 $0x0  }
0x12: {  	s1 =	sld [smem:$0x3F99];
	s0 =	simm.s32 @p0 $0x1  }
0x13: {  	[smem:$0x3FB4] =	sst s0;
	s0 =	simm.s32 @!p1 $0x0  }
0x14: {  	s2 =	sld [smem:$0x3F98];
	s0 =	simm.s32 @p1 $0x1  }
0x15: {  	[smem:$0x3FB5] =	sst s0;
	s0 =	simm.s32 @!p2 $0x0  }
0x16: {  	s3 =	sld [smem:$0x3FDB];
	s0 =	simm.s32 @p2 $0x1  }
0x17: {  	s4 =	simm.s32 $0x1BF5;
	[smem:$0x3FB7] =	sst s0  }
0x18: {  	s0 =	sld [smem:$0x3F9A];
	_ =	swait.ge [sflag:s4], $0x0  }
0x19: {  	s7 =	sld [smem:$0x3F9B]  }
0x1a: {  	s8 =	sadd.s32 $0xFFFFE003, lr  }
0x1b: {  	s9 =	sadd.s32 $0xFFFFFEF7, lr;
	s5 =	simm.s32 $0xFFFFFFFF;
	p2 =	slt.u32 s8, $0xFFFFF086  }
0x1c: {  	p1 =	slt.u32 s9, $0xF7A;
	s5 =	simm.s32 @!p2 $0x0  }
0x1d: {  	s5 =	simm.s32 @p1 $0x1;
	p0 =	seq.s32 s7, s2  }
0x1e: {  	s7 =	smul.u32 @!p0 $0xF7A, s2;
	p2 =	seq.s32 @!p0 s5, $0x0  }
0x1f: {  	s9 =	smul.u32 $0xF7A, s1;
	s8 =	simm.s32 @!p0 $0x1BF5;
	p2 =	por !p2, p0  }
0x20: {  	[sflag:s8] =	ssyncset.s32 @!p0 $0xFFFFF086;
	s6 =	sadd.s32 @!p0 s3, s7;
	s7 =	simm.s32 @!p0 $0x108  }
0x21: {  	s3 =	sadd.s32 s3, s9;
	s6 =	sadd.s32 @!p0 $0x88, s6;
	s7 =	simm.s32 @p2 $0x1082  }
0x22: {  	[simem:s7], [sflag:s8] =	dma.local @!p0 [hbm:s6], $0xF7A  }
0x23: {  	s9 =	sor.u32 $0xD0000000, s2;
	s6 =	simm.s32 $0x108;
	_ =	swait.ge @!p0 [sflag:s8], $0x0  }
0x24: {  	s3 =	sadd.s32 $0x88, s3;
	s6 =	simm.s32 @!p1 $0x1082;
	[sflag:s4] =	ssyncset.s32 $0xFFFFF086  }
0x25: {  	[simem:s6], [sflag:s4] =	dma.local [hbm:s3], $0xF7A  }
0x26: {  	[smem:$0x3F9B] =	sst s1;
	(tag) =	ssettag s2;
	_ =	strace s9  }
0x27: {  	s1 =	sld [smem:$0x3FAB]  }
0x28: {  	s2 =	sld [smem:$0x3FAC]  }
0x29: {  	s4 =	sld [smem:$0x3FAE]  }
0x2a: {  	p0 =	seq.s32 s5, $0x0;
	s5 =	sld [smem:$0x3FAF]  }
0x2b: {  	s6 =	sld [smem:$0x3FB0]  }
0x2c: {  	s7 =	sld [smem:$0x3FB1]  }
0x2d: {  	s3 =	simm.s32 $0x108;
	s8 =	sld [smem:$0x3FB2]  }
0x2e: {  	s3 =	simm.s32 @!p0 $0x1082;
	s9 =	sld [smem:$0x3FB3]  }
0x2f: {  	lr =	sadd.s32 s0, s3;
	s0 =	sld [smem:$0x3FAA]  }
0x30: {  	s3 =	sld [smem:$0x3FAD]  }
0x31: {  	[smem:$0x3FB6] =	sst s10  }
0x32: {  	s10 =	sld [smem:$0x3FB4];
	_ =	sdelay $0x3  }
0x33: {  	p0 =	seq.s32 s10, $0x1;
	s10 =	sld [smem:$0x3FB6];
	_ =	sdelay $0x3  }
0x34: {  	[smem:$0x3FB6] =	sst s10  }
0x35: {  	s10 =	sld [smem:$0x3FB5];
	_ =	sdelay $0x3  }
0x36: {  	p1 =	seq.s32 s10, $0x1;
	s10 =	sld [smem:$0x3FB6];
	_ =	sdelay $0x3  }
0x37: {  	[smem:$0x3FB6] =	sst s10  }
0x38: {  	s10 =	sld [smem:$0x3FB7]  }
0x39: {  	_ = 	snop;
	(pc) =	sbr.ind lr, $3  }
0x3a: {  	_ = 	snop  }
0x3b: {  	_ = 	snop  }
0x3c: {  	p2 =	seq.s32 s10, $0x1;
	s10 =	sld [smem:$0x3FB6]  }
0x3d: {  	_ =	shalt  }
0x3e: {  	_ =	shalt  }
0x3f: {  	_ =	shalt  }
0x40: {  	_ =	shalt  }
0x41: {  	_ =	shalt  }
0x42: {  	_ =	shalt  }
0x43: {  	_ =	shalt  }
0x44: {  	_ =	shalt  }
0x45: {  	_ =	shalt  }
0x46: {  	_ =	shalt  }
0x47: {  	_ =	shalt  }
0x48: {  	_ =	shalt  }
0x49: {  	_ =	shalt  }
0x4a: {  	_ =	shalt  }
0x4b: {  	_ =	shalt  }
0x4c: {  	_ =	shalt  }
0x4d: {  	_ =	shalt  }
0x4e: {  	_ =	shalt  }
0x4f: {  	_ =	shalt  }
0x50: {  	_ =	shalt  }
0x51: {  	_ =	shalt  }
0x52: {  	_ =	shalt  }
0x53: {  	_ =	shalt  }
0x54: {  	_ =	shalt  }
0x55: {  	_ =	shalt  }
0x56: {  	_ =	shalt  }
0x57: {  	_ =	shalt  }
0x58: {  	_ =	shalt  }
0x59: {  	_ =	shalt  }
0x5a: {  	_ =	shalt  }
0x5b: {  	_ =	shalt  }
0x5c: {  	_ =	shalt  }
0x5d: {  	_ =	shalt  }
0x5e: {  	_ =	shalt  }
0x5f: {  	_ =	shalt  }
0x60: {  	_ =	shalt  }
0x61: {  	_ =	shalt  }
0x62: {  	_ =	shalt  }
0x63: {  	_ =	shalt  }
0x64: {  	_ =	shalt  }
0x65: {  	_ =	shalt  }
0x66: {  	_ =	shalt  }
0x67: {  	_ =	shalt  }
0x68: {  	_ =	shalt  }
0x69: {  	_ =	shalt  }
0x6a: {  	_ =	shalt  }
0x6b: {  	_ =	shalt  }
0x6c: {  	_ =	shalt  }
0x6d: {  	_ =	shalt  }
0x6e: {  	_ =	shalt  }
0x6f: {  	_ =	shalt  }
0x70: {  	_ =	shalt  }
0x71: {  	_ =	shalt  }
0x72: {  	_ =	shalt  }
0x73: {  	_ =	shalt  }
0x74: {  	_ =	shalt  }
0x75: {  	_ =	shalt  }
0x76: {  	_ =	shalt  }
0x77: {  	_ =	shalt  }
0x78: {  	_ =	shalt  }
0x79: {  	_ =	shalt  }
0x7a: {  	_ =	shalt  }
0x7b: {  	_ =	shalt  }
0x7c: {  	_ =	shalt  }
0x7d: {  	_ =	shalt  }
0x7e: {  	_ =	shalt  }
0x7f: {  	_ =	shalt  }
0x80: {  	_ =	shalt  }
0x81: {  	_ =	shalt  }
0x82: {  	_ =	shalt  }
0x83: {  	_ =	shalt  }
0x84: {  	_ =	shalt  }
0x85: {  	_ =	shalt  }
0x86: {  	_ =	shalt  }
0x87: {  	_ =	shalt  }
.Lfunc_end0:
.L_simem_size_0:
called_computation_lowered:
.L_overlay_start_0:
0x88: {  	s2 =	sld [smem:$0x3FD9]  }
0x89: {  	s3 =	sld [smem:$0x3FFE];
	_ =	sdelay $0x1  }
0x8a: {  	s1 =	srdreg.scid  }
0x8b: {  	s0 =	sand.u32 $0x1, s1  }
0x8c: {  	s17 =	sshll.u32 s0, $0xA;
	s2 =	sadd.s32 s3, s2  }
0x8d: {  	s2 =	sadd.s32 s2, s17  }
0x8e: {  	[smem:$0x3FC2] =	sst s2  }
0x8f: {  	_ = 	snop  }
0x90: {  	s2 =	sld [smem:$0x3FC9]  }
0x91: {  	s18 =	sld [smem:$0x3FC8]  }
0x92: {  	s4 =	sld [smem:$0x3FC7]  }
0x93: {  	s5 =	sld [smem:$0x3FC6];
	(tm) =	ssettm $0x1  }
0x94: {  	s6 =	sld [smem:$0x3FFB];
	_ =	sdelay $0x3  }
0x95: {  	_ =	strace s6  }
0x96: {  	s6 =	sld [smem:$0x3FFC];
	_ =	sdelay $0x3  }
0x97: {  	_ =	strace s6  }
0x98: {  	s6 =	sld [smem:$0x3FFD];
	_ =	sdelay $0x3  }
0x99: {  	_ =	strace s6  }
0x9a: {  	_ =	strace $0x8FFFFFFF  }
0x9b: {  	s19 =	sld [smem:$0x3FDB];
	_ =	sdelay $0x1  }
0x9c: {  	s7 =	simm.s32 $_scs_section_size  }
0x9d: {  	s8 =	simm.s32 $_size__tile_overlayer_lowered;
	s9 =	simm.s32 $_tile_overlayer_lowered  }
0x9e: {  	s22 =	simm.s32 $0x1BFF;
	s21 =	sshll.u32 s9, $0x1;
	s6 =	sadd.s32 s7, s19  }
0x9f: {  	s10 =	simm.s32 $0x0;
	s20 =	sshll.u32 s8, $0x1;
	s8 =	sadd.s32 s21, s6  }
0xa0: {  	[timem:s10], [sflag:s22] =	dma.local [hbm:s8], s20  }
0xa1: {  	_ =	swait.ge [sflag:s22], s20  }
0xa2: {  	s7 =	ssub.s32 $0x0, s20;
	[sflag:s22] =	ssyncset.done $0x0  }
0xa3: {  	[sflag:s22] =	ssyncadd.s32 s7;
	_ =	sdelay $0x1  }
0xa4: {  	s23 =	simm.s32 $0x1B8B  }
0xa5: {  	_ =	swait.ge [sflag:s23], $0x1  }
0xa6: {  	[sflag:s23] =	ssyncset.done $0x0  }
0xa7: {  	s25 =	simm.s32 $0x1B8E;
	s24 =	sld [smem:$0x3FFE];
	[sflag:s23] =	ssyncadd.s32 $0xFFFFFFFF  }
0xa8: {  	s26 =	simm.s32 $execute0_lowered;
	[smem:$0x3FD2] =	sst s25  }
0xa9: {  	s8 =	sshll.u32 s26, $0x1;
	_ =	strace $0x80000046;
	[dreg:$0x1] =	wrdreg $0xFFFFFFFF  }
0xaa: {  	s28 =	simm.s32 $_size_execute0_lowered;
	s6 =	sadd.s32 s6, s8;
	[dreg:$0x0] =	wrdreg $0x0  }
0xab: {  	s8 =	sshll.u32 s28, $0x1;
	[dreg:$0x2] =	wrdreg s6  }
0xac: {  	[dreg:$0x3] =	wrdreg s8  }
0xad: {  	[dreg:$0x4] =	wrdreg $0xC0  }
0xae: {  	_ =	task [dreg:s10], $0x5FFFF  }
0xaf: {  	[dreg:$0x1] =	wrdreg $0xFFFFFFFF  }
0xb0: {  	[dreg:$0x0] =	wrdreg $0x60  }
0xb1: {  	[dreg:$0x2] =	wrdreg s2  }
0xb2: {  	[dreg:$0x3] =	wrdreg s18  }
0xb3: {  	[dreg:$0x4] =	wrdreg s4  }
0xb4: {  	[dreg:$0x5] =	wrdreg s5  }
0xb5: {  	[dreg:$0x6] =	wrdreg s24  }
0xb6: {  	[dreg:$0x7] =	wrdreg $0x1CB800  }
0xb7: {  	[dreg:$0x8] =	wrdreg $0x9  }
0xb8: {  	_ =	task.clear_ibuf [dreg:s10], $0x9FFFF;
	_ =	strace $0x90000046  }
0xb9: {  	s29 =	simm.s32 $0x9;
	_ =	strace $0x80000048  }
0xba: {  	_ =	swait.ge [sflag:s29], $0x1  }
0xbb: {  	[sflag:s29] =	ssyncadd.s32 $0xFFFFFFFF  }
0xbc: {  	_ =	strace $0x90000048  }
0xbd: {  	_ =	sfence  }
0xbe: {  	s30 =	sld [smem:$0x0];
	_ =	sdelay $0x2  }
0xbf: {  	s31 =	sshll.u32 s1, $0xD;
	s1 =	sshrl.u32 s1, $0x2  }
0xc0: {  	s3 =	sand.u32 $0x4000, s31;
	s1 =	sadd.s32 s1, s30  }
0xc1: {  	s0 =	sor.u32 s3, s0;
	s1 =	sshll.u32 s1, $0x11  }
0xc2: {  	s0 =	sor.u32 s1, s0  }
0xc3: {  	s0 =	sadd.s32 $0x8F2B, s0  }
0xc4: {  	[sflag:s0] =	ssyncadd.remote.s32 $0x1  }
0xc5: {  	_ =	sfence.sel $0xFFFF  }
0xc6: {  	[dreg:$0x0] =	wrdreg $0xFFFFFFFF;
	(pc) =	sbr.abs _section_cstart, $3  }
0xc7: {  	[dreg:$0x1] =	wrdreg $0xFFFFFFFF  }
0xc8: {  	_ =	task.clear_ibuf [dreg:s10], $0x2FFFF;
	_ =	strace $0x9FFFFFFF  }
0xc9: {  	(tm) =	ssettm $0x7FFFFFFF  }
tec
execute0_lowered:
.L_overlay_start_1:
0x0: {  	(tag) =	ssettag $0x1  }
0x1: {  	v9 =	vlaneseq.u32  }
0x2: {  	v0 =	vor.u32 $0x10, v9  }
0x3: {  	v2 =	vor.u32 $0x190, v9;
	[tilespmem:$0x1FE50] =	vst v0  }
0x4: {  	v0 =	vor.u32 $0x20, v9;
	[tilespmem:$0x1FFD0] =	vst v2  }
0x5: {  	v2 =	vor.u32 $0x1A0, v9;
	[tilespmem:$0x1FE60] =	vst v0  }
0x6: {  	v0 =	vor.u32 $0x30, v9;
	[tilespmem:$0x1FFE0] =	vst v2  }
0x7: {  	[tilespmem:$0x1FE70] =	vst v0;
	v0 =	vor.u32 $0x40, v9  }
0x8: {  	[tilespmem:$0x1FE80] =	vst v0;
	v0 =	vor.u32 $0x50, v9  }
0x9: {  	[tilespmem:$0x1FE90] =	vst v0;
	v0 =	vor.u32 $0x60, v9  }
0xa: {  	[tilespmem:$0x1FEA0] =	vst v0;
	v0 =	vor.u32 $0x70, v9  }
0xb: {  	[tilespmem:$0x1FEB0] =	vst v0;
	v0 =	vor.u32 $0x80, v9  }
0xc: {  	[tilespmem:$0x1FEC0] =	vst v0;
	v0 =	vor.u32 $0x90, v9  }
0xd: {  	[tilespmem:$0x1FED0] =	vst v0;
	v0 =	vor.u32 $0xA0, v9  }
0xe: {  	[tilespmem:$0x1FEE0] =	vst v0;
	v0 =	vor.u32 $0xB0, v9  }
0xf: {  	[tilespmem:$0x1FEF0] =	vst v0;
	v0 =	vor.u32 $0xC0, v9  }
0x10: {  	s0 =	rddreg [dreg:$0x0];
	[tilespmem:$0x1FF00] =	vst v0;
	v0 =	vor.u32 $0xD0, v9  }
0x11: {  	s8 =	rddreg [dreg:$0x1];
	[tilespmem:$0x1FF10] =	vst v0;
	v0 =	vor.u32 $0xE0, v9  }
0x12: {  	s1 =	rddreg [dreg:$0x2];
	[tilespmem:$0x1FF20] =	vst v0;
	v0 =	vor.u32 $0xF0, v9  }
0x13: {  	v1 =	vimm.f32 $0.0e+00;
	s2 =	rddreg [dreg:$0x3];
	[tilespmem:$0x1FF30] =	vst v0;
	v0 =	vor.u32 $0x100, v9  }
0x14: {  	s7 =	rddreg [dreg:$0x4];
	v3 =	vimm.s32 $0xBA98FEDC;
	v4 =	vimm.s32 $0x32107654;
	[tilespmem:$0x1FF40] =	vst v0;
	v0 =	vor.u32 $0x110, v9  }
0x15: {  	s4 =	rddreg [dreg:$0x5];
	v5 =	vimm.s32 $0xDCFE98BA;
	v6 =	vimm.s32 $0x54761032;
	[tilespmem:$0x1FF50] =	vst v0;
	v0 =	vor.u32 $0x120, v9  }
0x16: {  	s3 =	rddreg [dreg:$0x6];
	v7 =	vimm.s32 $0xEFCDAB89;
	v8 =	vimm.s32 $0x67452301;
	[tilespmem:$0x1FF60] =	vst v0;
	v0 =	vor.u32 $0x130, v9  }
0x17: {  	s6 =	srdreg.scid;
	s16 =	stileid.u32;
	v29 =	vor.u32 $0x1C0, v9;
	v30 =	vor.u32 $0x1D0, v9;
	[tilespmem:$0x1FF70] =	vst v0;
	v0 =	vor.u32 $0x140, v9  }
0x18: {  	s5 =	simm.s32 $0x0;
	s14 =	simm.s32 $0x4;
	s15 =	simm.s32 $0x1C300;
	v3 =	vunpack.c.l.s4.s8 v3;
	v4 =	vunpack.c.l.s4.s8 v4;
	[tilespmem:$0x1FF80] =	vst v0;
	v0 =	vor.u32 $0x150, v9  }
0x19: {  	s17 =	simm.s32 $0x4580;
	s9 =	sand.u32 $0x1, s6;
	s29 =	sshll.u32 s16, $0x1;
	v5 =	vunpack.c.l.s4.s8 v5;
	v6 =	vunpack.c.l.s4.s8 v6;
	[tilespmem:$0x1FF90] =	vst v0;
	v0 =	vor.u32 $0x160, v9  }
0x1a: {  	s18 =	simm.s32 $0x20;
	s19 =	simm.s32 $0x0;
	v7 =	vunpack.c.l.s4.s8 v7;
	v8 =	vunpack.c.l.s4.s8 v8;
	s10 =	sor.u32 s9, s29;
	[tilespmem:$0x1FFA0] =	vst v0;
	v0 =	vor.u32 $0x170, v9  }
0x1b: {  	[smem:$0x7FF] =	sst s5;
	p0 =	sne.s32 s16, $0x0;
	v2 =	vor.u32 $0x1B0, v9;
	s6 =	smul.u32 $0x659, s10;
	v3 =	vunpack.c.0.s8.s32 v3;
	[tilespmem:$0x1FFB0] =	vst v0;
	v0 =	vor.u32 $0x180, v9  }
0x1c: {  	s11 =	sshll.u32 s9, $0xD;
	s9 =	ssub.s32 $0x2, s9;
	s12 =	smul.u32 $0x32C80, s10;
	v4 =	vunpack.c.0.s8.s32 v4;
	v5 =	vunpack.c.0.s8.s32 v5;
	[tilespmem:$0x1FFC0] =	vst v0;
	v0 =	vimm.s32 $0xFEDCBA98  }
0x1d: {  	s16 =	simm.s32 $0x700;
	s13 =	sshrl.u32 s9, $0x1;
	s10 =	smul.u32 $0x6590, s10;
	v6 =	vunpack.c.0.s8.s32 v6;
	[tilespmem:$0x1FFF0] =	vst v2;
	v2 =	vimm.s32 $0x76543210;
	v0 =	vunpack.c.l.s4.s8 v0  }
.Ltmp0:
0x1e: {  	s11 =	sadd.s32 s11, s7;
	v7 =	vunpack.c.0.s8.s32 v7;
	v8 =	vunpack.c.0.s8.s32 v8;
	s13 =	ssub.s32 s9, s13;
	v2 =	vunpack.c.l.s4.s8 v2;
	(pc) =	sbr.rel .LBB2_1-.Ltmp0, $4  }
0x1f: {  	v31 =	vor.u32 $0x1E0, v9;
	s11 =	sadd.s32 $0xE00, s11;
	s30 =	sshrl.u32 s6, $0x3;
	s12 =	sshrl.u32 s12, $0x3;
	v3 =	vcombine.low v4, v3;
	v0 =	vunpack.c.0.s8.s32 v0  }
0x20: {  	s7 =	sand.u32 $0xF, s6;
	v62 =	vcombine.low v6, v5;
	v63 =	vcombine.low v8, v7;
	s31 =	sand.u32 $0x1FFE, s30;
	s12 =	sadd.s32 s0, s12;
	v2 =	vunpack.c.0.s8.s32 v2  }
0x21: {  	v32 =	vor.u32 $0x1F0, v9;
	s9 =	sadd.s32 s0, s10;
	s8 =	sadd.s32 s8, s31;
	s10 =	sadd.s32 $0x7D0, s12;
	v35 =	vand.u32 $0xF, v3;
	v0 =	vand.u32 $0xF, v0  }
0x22: {  	s12 =	smax.u32 s13, $0x1;
	s13 =	simm.s32 $0x1C280;
	v36 =	vand.u32 $0xF, v62;
	v37 =	vand.u32 $0xF, v63;
	_ =	strace $0x80000047;
	v34 =	vcombine.low v0, v2  }
.LBB2_14:
0x23: {  	[sflag:s14] =	ssyncadd.s32 $0xFFFFF000  }
.LBB2_15:
0x24: {  	[bflag:$0x0] =	sbarrier.arrive $0xFFFF  }
0x25: {  	s20 =	sshrl.u32 @!p0 s4, $0x3;
	s21 =	simm.s32 @!p0 $0x1C04;
	s19 =	sadd.s32 $0x1, s19  }
0x26: {  	[hbm:s11], [sflag:s21] =	dma.local @!p0 [spmem:s20], $0x2000  }
0x27: {  	p1 =	sne.s32 s19, s12  }
.Ltmp1:
0x28: {  	_ = 	snop;
	(pc) =	sbr.rel @!p1 .LBB2_16-.Ltmp1, $4  }
0x29: {  	s20 =	simm.s32 @!p0 $0x4  }
0x2a: {  	_ =	swait.ge @!p0 [sflag:s20], $0x2000  }
0x2b: {  	[sflag:s20] =	ssyncset.done @!p0 $0x0  }
0x2c: {  	[sflag:s20] =	ssyncadd.s32 @!p0 $0xFFFFE000  }
.LBB2_1:
0x2d: {  	[tilespmem:s13], [sflag:$0x4] =	stream.linear.gather [hbm4b:s1+s5], $0x80, $0x38;
	[tilespmem:$0x1DB80] =	vst v63  }
0x2e: {  	_ =	swait.ge [sflag:s14], $0x80  }
0x2f: {  	[sflag:s14] =	ssyncset.done $0x0  }
0x30: {  	[sflag:s14] =	ssyncadd.s32 $0xFFFFFF80  }
0x31: {  	[tilespmem:s15], [sflag:$0x4] =	stream.linear.gather [hbm4b:s2+s5], $0x1, $0x38;
	[tilespmem:$0x1DB80] =	vst v63  }
0x32: {  	_ =	swait.ge [sflag:s14], $0x1  }
0x33: {  	[sflag:s14] =	ssyncset.done $0x0  }
0x34: {  	[sflag:s14] =	ssyncadd.s32 $0xFFFFFFFF  }
0x35: {  	[tilespmem:s5], [sflag:$0x4] =	stream.linear.gather [hbm4b:s8+s5], $0x680, $0x38;
	[tilespmem:$0x1DB80] =	vst v63  }
0x36: {  	_ =	swait.ge [sflag:s14], $0x680  }
0x37: {  	[sflag:s14] =	ssyncset.done $0x0  }
0x38: {  	s20 =	simm.s32 $0xC480;
	[sflag:s14] =	ssyncadd.s32 $0xFFFFF980  }
0x39: {  	[tilespmem:s20+$0xFFFFFE00] =	vst v1  }
0x3a: {  	[tilespmem:s20+$0x1F0] =	vst v1  }
0x3b: {  	[tilespmem:s20+$0x1E0] =	vst v1  }
0x3c: {  	[tilespmem:s20+$0x1D0] =	vst v1  }
0x3d: {  	[tilespmem:s20+$0x1C0] =	vst v1  }
0x3e: {  	[tilespmem:s20+$0x1B0] =	vst v1  }
0x3f: {  	[tilespmem:s20+$0x1A0] =	vst v1  }
0x40: {  	[tilespmem:s20+$0x190] =	vst v1  }
0x41: {  	[tilespmem:s20+$0x180] =	vst v1  }
0x42: {  	[tilespmem:s20+$0x170] =	vst v1  }
0x43: {  	[tilespmem:s20+$0x160] =	vst v1  }
0x44: {  	[tilespmem:s20+$0x150] =	vst v1  }
0x45: {  	[tilespmem:s20+$0x140] =	vst v1  }
0x46: {  	[tilespmem:s20+$0x130] =	vst v1  }
0x47: {  	[tilespmem:s20+$0x120] =	vst v1  }
0x48: {  	[tilespmem:s20+$0x110] =	vst v1  }
0x49: {  	[tilespmem:s20+$0x100] =	vst v1  }
0x4a: {  	[tilespmem:s20+$0xF0] =	vst v1  }
0x4b: {  	[tilespmem:s20+$0xE0] =	vst v1  }
0x4c: {  	[tilespmem:s20+$0xD0] =	vst v1  }
0x4d: {  	[tilespmem:s20+$0xC0] =	vst v1  }
0x4e: {  	[tilespmem:s20+$0xB0] =	vst v1  }
0x4f: {  	[tilespmem:s20+$0xA0] =	vst v1  }
0x50: {  	[tilespmem:s20+$0x90] =	vst v1  }
0x51: {  	[tilespmem:s20+$0x80] =	vst v1  }
0x52: {  	[tilespmem:s20+$0x70] =	vst v1  }
0x53: {  	[tilespmem:s20+$0x60] =	vst v1  }
0x54: {  	[tilespmem:s20+$0x50] =	vst v1  }
0x55: {  	[tilespmem:s20+$0x40] =	vst v1  }
0x56: {  	[tilespmem:s20+$0x30] =	vst v1  }
0x57: {  	[tilespmem:s20+$0x20] =	vst v1  }
0x58: {  	[tilespmem:s20+$0x10] =	vst v1  }
0x59: {  	[tilespmem:s20+$0x0] =	vst v1  }
0x5a: {  	[tilespmem:s20+$0xFFFFFFF0] =	vst v1  }
0x5b: {  	[tilespmem:s20+$0xFFFFFFE0] =	vst v1  }
0x5c: {  	[tilespmem:s20+$0xFFFFFFD0] =	vst v1  }
0x5d: {  	[tilespmem:s20+$0xFFFFFFC0] =	vst v1  }
0x5e: {  	[tilespmem:s20+$0xFFFFFFB0] =	vst v1  }
0x5f: {  	[tilespmem:s20+$0xFFFFFFA0] =	vst v1  }
0x60: {  	[tilespmem:s20+$0xFFFFFF90] =	vst v1  }
0x61: {  	[tilespmem:s20+$0xFFFFFF80] =	vst v1  }
0x62: {  	[tilespmem:s20+$0xFFFFFF70] =	vst v1  }
0x63: {  	[tilespmem:s20+$0xFFFFFF60] =	vst v1  }
0x64: {  	[tilespmem:s20+$0xFFFFFF50] =	vst v1  }
0x65: {  	[tilespmem:s20+$0xFFFFFF40] =	vst v1  }
0x66: {  	[tilespmem:s20+$0xFFFFFF30] =	vst v1  }
0x67: {  	[tilespmem:s20+$0xFFFFFF20] =	vst v1  }
0x68: {  	[tilespmem:s20+$0xFFFFFF10] =	vst v1  }
0x69: {  	[tilespmem:s20+$0xFFFFFF00] =	vst v1  }
0x6a: {  	[tilespmem:s20+$0xFFFFFEF0] =	vst v1  }
0x6b: {  	[tilespmem:s20+$0xFFFFFEE0] =	vst v1  }
0x6c: {  	[tilespmem:s20+$0xFFFFFED0] =	vst v1  }
0x6d: {  	[tilespmem:s20+$0xFFFFFEC0] =	vst v1  }
0x6e: {  	[tilespmem:s20+$0xFFFFFEB0] =	vst v1  }
0x6f: {  	[tilespmem:s20+$0xFFFFFEA0] =	vst v1  }
0x70: {  	[tilespmem:s20+$0xFFFFFE90] =	vst v1  }
0x71: {  	[tilespmem:s20+$0xFFFFFE80] =	vst v1  }
0x72: {  	[tilespmem:s20+$0xFFFFFE70] =	vst v1  }
0x73: {  	[tilespmem:s20+$0xFFFFFE60] =	vst v1  }
0x74: {  	[tilespmem:s20+$0xFFFFFE50] =	vst v1  }
0x75: {  	[tilespmem:s20+$0xFFFFFE40] =	vst v1  }
0x76: {  	[tilespmem:s20+$0xFFFFFE30] =	vst v1  }
0x77: {  	s21 =	simm.s32 $0x0;
	[tilespmem:s20+$0xFFFFFE20] =	vst v1  }
.LBB2_2:
0x78: {  	s21 =	sadd.s32 $0x8, s21;
	[tilespmem:s20+$0xFFFFFE10] =	vst v1;
	s20 =	sadd.s32 $0x400, s20  }
0x79: {  	[tilespmem:s20+$0xFFFFFE00] =	vst v1;
	p1 =	slt.u32 s21, $0x1F8  }
0x7a: {  	[tilespmem:s20+$0x1F0] =	vst v1  }
0x7b: {  	[tilespmem:s20+$0x1E0] =	vst v1  }
0x7c: {  	[tilespmem:s20+$0x1D0] =	vst v1  }
0x7d: {  	[tilespmem:s20+$0x1C0] =	vst v1  }
0x7e: {  	[tilespmem:s20+$0x1B0] =	vst v1  }
0x7f: {  	[tilespmem:s20+$0x1A0] =	vst v1  }
0x80: {  	[tilespmem:s20+$0x190] =	vst v1  }
0x81: {  	[tilespmem:s20+$0x180] =	vst v1  }
0x82: {  	[tilespmem:s20+$0x170] =	vst v1  }
0x83: {  	[tilespmem:s20+$0x160] =	vst v1  }
0x84: {  	[tilespmem:s20+$0x150] =	vst v1  }
0x85: {  	[tilespmem:s20+$0x140] =	vst v1  }
0x86: {  	[tilespmem:s20+$0x130] =	vst v1  }
0x87: {  	[tilespmem:s20+$0x120] =	vst v1  }
0x88: {  	[tilespmem:s20+$0x110] =	vst v1  }
0x89: {  	[tilespmem:s20+$0x100] =	vst v1  }
0x8a: {  	[tilespmem:s20+$0xF0] =	vst v1  }
0x8b: {  	[tilespmem:s20+$0xE0] =	vst v1  }
0x8c: {  	[tilespmem:s20+$0xD0] =	vst v1  }
0x8d: {  	[tilespmem:s20+$0xC0] =	vst v1  }
0x8e: {  	[tilespmem:s20+$0xB0] =	vst v1  }
0x8f: {  	[tilespmem:s20+$0xA0] =	vst v1  }
0x90: {  	[tilespmem:s20+$0x90] =	vst v1  }
0x91: {  	[tilespmem:s20+$0x80] =	vst v1  }
0x92: {  	[tilespmem:s20+$0x70] =	vst v1  }
0x93: {  	[tilespmem:s20+$0x60] =	vst v1  }
0x94: {  	[tilespmem:s20+$0x50] =	vst v1  }
0x95: {  	[tilespmem:s20+$0x40] =	vst v1  }
0x96: {  	[tilespmem:s20+$0x30] =	vst v1  }
0x97: {  	[tilespmem:s20+$0x20] =	vst v1  }
0x98: {  	[tilespmem:s20+$0x10] =	vst v1  }
0x99: {  	[tilespmem:s20+$0x0] =	vst v1  }
0x9a: {  	[tilespmem:s20+$0xFFFFFFF0] =	vst v1  }
0x9b: {  	[tilespmem:s20+$0xFFFFFFE0] =	vst v1  }
0x9c: {  	[tilespmem:s20+$0xFFFFFFD0] =	vst v1  }
0x9d: {  	[tilespmem:s20+$0xFFFFFFC0] =	vst v1  }
0x9e: {  	[tilespmem:s20+$0xFFFFFFB0] =	vst v1  }
0x9f: {  	[tilespmem:s20+$0xFFFFFFA0] =	vst v1  }
0xa0: {  	[tilespmem:s20+$0xFFFFFF90] =	vst v1  }
0xa1: {  	[tilespmem:s20+$0xFFFFFF80] =	vst v1  }
0xa2: {  	[tilespmem:s20+$0xFFFFFF70] =	vst v1  }
0xa3: {  	[tilespmem:s20+$0xFFFFFF60] =	vst v1  }
0xa4: {  	[tilespmem:s20+$0xFFFFFF50] =	vst v1  }
0xa5: {  	[tilespmem:s20+$0xFFFFFF40] =	vst v1  }
0xa6: {  	[tilespmem:s20+$0xFFFFFF30] =	vst v1  }
0xa7: {  	[tilespmem:s20+$0xFFFFFF20] =	vst v1  }
0xa8: {  	[tilespmem:s20+$0xFFFFFF10] =	vst v1  }
0xa9: {  	[tilespmem:s20+$0xFFFFFF00] =	vst v1  }
0xaa: {  	[tilespmem:s20+$0xFFFFFEF0] =	vst v1  }
0xab: {  	[tilespmem:s20+$0xFFFFFEE0] =	vst v1  }
0xac: {  	[tilespmem:s20+$0xFFFFFED0] =	vst v1  }
0xad: {  	[tilespmem:s20+$0xFFFFFEC0] =	vst v1  }
0xae: {  	[tilespmem:s20+$0xFFFFFEB0] =	vst v1  }
0xaf: {  	[tilespmem:s20+$0xFFFFFEA0] =	vst v1  }
0xb0: {  	[tilespmem:s20+$0xFFFFFE90] =	vst v1  }
0xb1: {  	[tilespmem:s20+$0xFFFFFE80] =	vst v1  }
0xb2: {  	[tilespmem:s20+$0xFFFFFE70] =	vst v1  }
.Ltmp2:
0xb3: {  	[tilespmem:s20+$0xFFFFFE60] =	vst v1;
	(pc) =	sbr.rel @p1 .LBB2_2-.Ltmp2, $4  }
0xb4: {  	[tilespmem:s20+$0xFFFFFE50] =	vst v1  }
0xb5: {  	[tilespmem:s20+$0xFFFFFE40] =	vst v1  }
0xb6: {  	[tilespmem:s20+$0xFFFFFE30] =	vst v1  }
0xb7: {  	[tilespmem:s20+$0xFFFFFE20] =	vst v1  }
0xb8: {  	[tilespmem:s20+$0xFFFFFE10] =	vst v1;
	v0 =	vlaneseq.u32  }
0xb9: {  	[tilespmem:$0x1C380] =	vst v0;
	v0 =	vld [tilespmem:$0x1FE50];
	_ =	sdelay $0x4  }
0xba: {  	[tilespmem:$0x1C390] =	vst v0;
	v0 =	vld [tilespmem:$0x1FE60];
	_ =	sdelay $0x4  }
0xbb: {  	[tilespmem:$0x1C400] =	vst v0;
	v0 =	vld [tilespmem:$0x1FE70];
	_ =	sdelay $0x4  }
0xbc: {  	[tilespmem:$0x1C410] =	vst v0;
	v0 =	vld [tilespmem:$0x1FE80];
	_ =	sdelay $0x4  }
0xbd: {  	[tilespmem:$0x1C480] =	vst v0;
	v0 =	vld [tilespmem:$0x1FE90];
	_ =	sdelay $0x4  }
0xbe: {  	[tilespmem:$0x1C490] =	vst v0;
	v0 =	vld [tilespmem:$0x1FEA0];
	_ =	sdelay $0x4  }
0xbf: {  	[tilespmem:$0x1C500] =	vst v0;
	v0 =	vld [tilespmem:$0x1FEB0];
	_ =	sdelay $0x4  }
0xc0: {  	[tilespmem:$0x1C510] =	vst v0;
	v0 =	vld [tilespmem:$0x1FEC0];
	_ =	sdelay $0x4  }
0xc1: {  	[tilespmem:$0x1C580] =	vst v0;
	v0 =	vld [tilespmem:$0x1FED0];
	_ =	sdelay $0x4  }
0xc2: {  	[tilespmem:$0x1C590] =	vst v0;
	v0 =	vld [tilespmem:$0x1FEE0];
	_ =	sdelay $0x4  }
0xc3: {  	[tilespmem:$0x1C600] =	vst v0;
	v0 =	vld [tilespmem:$0x1FEF0];
	_ =	sdelay $0x4  }
0xc4: {  	[tilespmem:$0x1C610] =	vst v0;
	v0 =	vld [tilespmem:$0x1FF00];
	_ =	sdelay $0x4  }
0xc5: {  	[tilespmem:$0x1C680] =	vst v0;
	v0 =	vld [tilespmem:$0x1FF10];
	_ =	sdelay $0x4  }
0xc6: {  	[tilespmem:$0x1C690] =	vst v0;
	v0 =	vld [tilespmem:$0x1FF20];
	_ =	sdelay $0x4  }
0xc7: {  	[tilespmem:$0x1C700] =	vst v0;
	v0 =	vld [tilespmem:$0x1FF30];
	_ =	sdelay $0x4  }
0xc8: {  	[tilespmem:$0x1C710] =	vst v0;
	v0 =	vld [tilespmem:$0x1FF40];
	_ =	sdelay $0x4  }
0xc9: {  	[tilespmem:$0x1C780] =	vst v0;
	v0 =	vld [tilespmem:$0x1FF50];
	_ =	sdelay $0x4  }
0xca: {  	[tilespmem:$0x1C790] =	vst v0;
	v0 =	vld [tilespmem:$0x1FF60];
	_ =	sdelay $0x4  }
0xcb: {  	[tilespmem:$0x1C800] =	vst v0;
	v0 =	vld [tilespmem:$0x1FF70];
	_ =	sdelay $0x4  }
0xcc: {  	[tilespmem:$0x1C810] =	vst v0;
	v0 =	vld [tilespmem:$0x1FF80];
	_ =	sdelay $0x4  }
0xcd: {  	[tilespmem:$0x1C880] =	vst v0;
	v0 =	vld [tilespmem:$0x1FF90];
	_ =	sdelay $0x4  }
0xce: {  	[tilespmem:$0x1C890] =	vst v0;
	v0 =	vld [tilespmem:$0x1FFA0];
	_ =	sdelay $0x4  }
0xcf: {  	[tilespmem:$0x1C900] =	vst v0;
	v0 =	vld [tilespmem:$0x1FFB0];
	_ =	sdelay $0x4  }
0xd0: {  	[tilespmem:$0x1C910] =	vst v0;
	v0 =	vld [tilespmem:$0x1FFC0];
	_ =	sdelay $0x4  }
0xd1: {  	[tilespmem:$0x1C980] =	vst v0;
	v0 =	vld [tilespmem:$0x1FFD0];
	_ =	sdelay $0x4  }
0xd2: {  	[tilespmem:$0x1C990] =	vst v0;
	v0 =	vld [tilespmem:$0x1FFE0];
	_ =	sdelay $0x1  }
0xd3: {  	v38 =	vld [tilespmem:$0x1C280]  }
0xd4: {  	v39 =	vld [tilespmem:$0x1C290]  }
0xd5: {  	v40 =	vld [tilespmem:$0x1C2A0]  }
0xd6: {  	[tilespmem:$0x1CA00] =	vst v0;
	v0 =	vld [tilespmem:$0x1FFF0]  }
0xd7: {  	v41 =	vld [tilespmem:$0x1C2B0];
	[tilespmem:$0x1CA80] =	vst v29  }
0xd8: {  	v42 =	vld [tilespmem:$0x1C2C0];
	[tilespmem:$0x1CA90] =	vst v30  }
0xd9: {  	v43 =	vld [tilespmem:$0x1C2D0];
	[tilespmem:$0x1CB00] =	vst v31  }
0xda: {  	v44 =	vld [tilespmem:$0x1C2E0];
	[tilespmem:$0x1CB10] =	vst v32  }
0xdb: {  	s20 =	simm.s32 @!p0 $0xC280;
	v45 =	vld [tilespmem:$0x1C2F0];
	[tilespmem:$0x1CA10] =	vst v0  }
0xdc: {  	v0 =	vld [tilespmem:$0x1C300];
	[spmem:s4] =	stream.linear.scatter @!p0 [tilespmem:s20], [sflag:$0x4], $0x10000, $0x38  }
0xdd: {  	s20 =	simm.s32 @!p0 $0x4  }
0xde: {  	_ =	swait.ge @!p0 [sflag:s20], $0x10000  }
0xdf: {  	[sflag:s20] =	ssyncset.done @!p0 $0x0  }
0xe0: {  	[sflag:s20] =	ssyncadd.s32 @!p0 $0xFFFF0000  }
0xe1: {  	s20 =	simm.s32 $0x0;
	[bflag:$0x0] =	sbarrier.arrive $0xFFFF  }
0xe2: {  	[tilespmem:s16], [sflag:$0x1] =	stream.linear.gather [hbm4b:s9+s20], $0x3E80, $0x38;
	[tilespmem:$0x1DB80] =	vst v63  }
0xe3: {  	v2 =	vimm.s32 $0x0  }
0xe4: {  	v46 =	vperm.xlane v0, v2;
	[tilespmem:s17], [sflag:$0x2] =	stream.linear.gather [hbm4b:s10+s20], $0x3E80, $0x38;
	[tilespmem:$0x1DB80] =	vst v63  }
.LBB2_4:
0xe5: {  	s21 =	smul.u32 $0xAB, s20;
	_ =	sdelay $0x1  }
0xe6: {  	s21 =	sshrl.u32 s21, $0x9  }
0xe7: {  	s21 =	sand.u32 $0x7F, s21  }
0xe8: {  	s21 =	smul.u32 $0x3, s21;
	_ =	sdelay $0x1  }
0xe9: {  	s21 =	ssub.s32 s20, s21  }
0xea: {  	s21 =	sand.u32 $0xFF, s21  }
0xeb: {  	p1 =	seq.s32 s21, $0x0  }
0xec: {  	p2 =	seq.s32 @!p1 s21, $0x2  }
0xed: {  	p2 =	por !p2, p1  }
0xee: {  	s22 =	simm.s32 @!p2 $0x3  }
0xef: {  	s22 =	simm.s32 @p2 $0x2  }
0xf0: {  	s22 =	simm.s32 @p1 $0x1;
	p1 =	sgt.u32 s20, $0xA  }
.Ltmp3:
0xf1: {  	_ = 	snop;
	(pc) =	sbr.rel @p1 .LBB2_8-.Ltmp3, $4  }
0xf2: {  	_ = 	snop  }
0xf3: {  	_ =	swait.ge [sflag:s22], $0x3E80  }
0xf4: {  	[sflag:s22] =	ssyncset.done $0x0  }
0xf5: {  	[sflag:s22] =	ssyncadd.s32 $0xFFFFC180  }
0xf6: {  	s22 =	sadd.s32 $0x2, s20  }
0xf7: {  	s23 =	smul.u32 $0xAB, s22;
	_ =	sdelay $0x1  }
0xf8: {  	s23 =	sshrl.u32 s23, $0x9  }
0xf9: {  	s23 =	sand.u32 $0x7F, s23  }
0xfa: {  	s23 =	smul.u32 $0x3, s23;
	_ =	sdelay $0x1  }
0xfb: {  	s23 =	ssub.s32 s22, s23  }
0xfc: {  	s23 =	sand.u32 $0xFF, s23  }
0xfd: {  	p1 =	seq.s32 s23, $0x2  }
.Ltmp4:
0xfe: {  	_ = 	snop;
	(pc) =	sbr.rel @p1 .LBB2_7-.Ltmp4, $2  }
0xff: {  	_ =	sdelay $0x2  }
0x100: {  	s22 =	smul.u32 $0x7D, s22  }
0x101: {  	p1 =	seq.s32 s23, $0x1  }
0x102: {  	s22 =	sadd.s32 @!p1 s6, s22  }
0x103: {  	s22 =	sshll.u32 @!p1 s22, $0x4  }
0x104: {  	s22 =	sand.u32 @!p1 $0x1FFFFFF0, s22  }
0x105: {  	s23 =	smul.u32 @p1 $0xFA00, s23;
	s22 =	sadd.s32 @!p1 s0, s22  }
0x106: {  	[tilespmem:s16], [sflag:$0x1] =	stream.linear.gather @!p1 [hbm4b:s22+s5], $0x3E80, $0x38;
	[tilespmem:$0x1DB80] =	vst v63  }
.Ltmp5:
0x107: {  	s22 =	sadd.s32 @p1 s6, s22;
	(pc) =	sbr.rel .LBB2_8-.Ltmp5, $4  }
0x108: {  	s22 =	sshll.u32 @p1 s22, $0x4  }
0x109: {  	s23 =	sshrl.u32 @p1 s23, $0x2;
	s22 =	sand.u32 @p1 $0x1FFFFFF0, s22  }
0x10a: {  	s23 =	sadd.s32 @p1 $0x700, s23;
	s22 =	sadd.s32 @p1 s0, s22  }
0x10b: {  	[tilespmem:s23], [sflag:$0x2] =	stream.linear.gather @p1 [hbm4b:s22+s5], $0x3E80, $0x38;
	[tilespmem:$0x1DB80] =	vst v63  }
.LBB2_7:
0x10c: {  	_ = 	snop  }
0x10d: {  	s23 =	smul.u32 $0xFA00, s23;
	s22 =	sadd.s32 s6, s22  }
0x10e: {  	s22 =	sshll.u32 s22, $0x4  }
0x10f: {  	s23 =	sshrl.u32 s23, $0x2;
	s22 =	sand.u32 $0x1FFFFFF0, s22  }
0x110: {  	s23 =	sadd.s32 $0x700, s23;
	s22 =	sadd.s32 s0, s22  }
0x111: {  	[tilespmem:s23], [sflag:$0x3] =	stream.linear.gather [hbm4b:s22+s5], $0x3E80, $0x38;
	[tilespmem:$0x1DB80] =	vst v63  }
.LBB2_8:
0x112: {  	s21 =	smul.u32 $0xFA00, s21;
	_ =	sdelay $0x1  }
0x113: {  	s22 =	smul.u32 $0x1F4, s20;
	s21 =	sshrl.u32 s21, $0x2  }
0x114: {  	s23 =	sadd.s32 $0x700, s21  }
0x115: {  	s22 =	sshra.s32 s22, $0x2;
	v47 =	vmov s23  }
0x116: {  	s22 =	sadd.s32 s22, s7  }
0x117: {  	s21 =	simm.s32 $0x0;
	v48 =	vmov s22  }
.LBB2_9:
0x118: {  	s22 =	sshll.u32 s21, $0x7  }
0x119: {  	s22 =	sand.u32 $0x3FFFFF80, s22  }
0x11a: {  	v0 =	vld.idx.msk [tilespmem:v47+s22+$0x0 ss:$0x1], $0xffff  }
0x11b: {  	v3 =	vld.idx.msk [tilespmem:v47+s22+$0x10 ss:$0x1], $0xffff;
	_ =	sdelay $0x1  }
0x11c: {  	v4 =	vld.idx.msk [tilespmem:v47+s22+$0x20 ss:$0x1], $0xffff;
	_ =	sdelay $0x1  }
0x11d: {  	v5 =	vld.idx.msk [tilespmem:v47+s22+$0x30 ss:$0x1], $0xffff  }
0x11e: {  	v2 =	vmul.f32 v0, v38;
	v6 =	vmul.f32 v3, v39  }
0x11f: {  	v7 =	vld.idx.msk [tilespmem:v47+s22+$0x40 ss:$0x1], $0xffff  }
0x120: {  	v54 =	vmul.f32 v4, v40;
	v2 =	vadd.f32 v6, v2  }
0x121: {  	v8 =	vld.idx.msk [tilespmem:v47+s22+$0x50 ss:$0x1], $0xffff  }
0x122: {  	v55 =	vmul.f32 v5, v41;
	v2 =	vadd.f32 v54, v2  }
0x123: {  	v10 =	vld.idx.msk [tilespmem:v47+s22+$0x60 ss:$0x1], $0xffff  }
0x124: {  	v56 =	vmul.f32 v7, v42;
	v2 =	vadd.f32 v55, v2  }
0x125: {  	v11 =	vld.idx.msk [tilespmem:v47+s22+$0x70 ss:$0x1], $0xffff  }
0x126: {  	v57 =	vmul.f32 v8, v43;
	v2 =	vadd.f32 v56, v2;
	_ =	sdelay $0x1  }
0x127: {  	v58 =	vmul.f32 v10, v44;
	v2 =	vadd.f32 v57, v2;
	_ =	sdelay $0x1  }
0x128: {  	v59 =	vmul.f32 v11, v45;
	v2 =	vadd.f32 v58, v2  }
0x129: {  	v9 =	vld.idx.msk [tilespmem:v48+s21+$0x0 ss:$0x1], $0xffff  }
0x12a: {  	v2 =	vadd.f32 v59, v2;
	_ =	sdelay $0x1  }
0x12b: {  	s23 =	sadd.s32 $0x1, s21;
	v6 =	vperm.xlane v2, v34  }
0x12c: {  	s29 =	sshll.u32 s23, $0x7  }
0x12d: {  	s24 =	sand.u32 $0x3FFFFF80, s29;
	(v2sf) =	vpush v9, $0x0;
	v2 =	vadd.f32 v2, v6  }
0x12e: {  	v14 =	vld.idx.msk [tilespmem:v47+s24+$0x0 ss:$0x1], $0xffff  }
0x12f: {  	v15 =	vld.idx.msk [tilespmem:v47+s24+$0x10 ss:$0x1], $0xffff;
	v6 =	vperm.xlane v2, v35;
	_ =	sdelay $0x1  }
0x130: {  	v33 =	vld.idx.msk [tilespmem:v47+s24+$0x20 ss:$0x1], $0xffff;
	v2 =	vadd.f32 v2, v6;
	_ =	sdelay $0x1  }
0x131: {  	v56 =	vld.idx.msk [tilespmem:v47+s24+$0x30 ss:$0x1], $0xffff;
	v6 =	vperm.xlane v2, v36  }
0x132: {  	v60 =	vmul.f32 v14, v38;
	v12 =	vmul.f32 v15, v39  }
0x133: {  	v57 =	vld.idx.msk [tilespmem:v47+s24+$0x40 ss:$0x1], $0xffff;
	v2 =	vadd.f32 v2, v6  }
0x134: {  	v52 =	vld.idx.msk [tilespmem:v48+s23+$0x0 ss:$0x1], $0xffff;
	v62 =	vmul.f32 v33, v40;
	v61 =	vadd.f32 v12, v60  }
0x135: {  	s30 =	sadd.s32 $0x2, s21;
	v49 =	vld.idx.msk [tilespmem:v47+s24+$0x50 ss:$0x1], $0xffff;
	v63 =	vperm.xlane v2, v37  }
0x136: {  	s31 =	sshll.u32 s30, $0x7;
	v50 =	vld.idx.msk [tilespmem:v47+s24+$0x60 ss:$0x1], $0xffff;
	v16 =	vmul.f32 v56, v41;
	v6 =	vadd.f32 v62, v61  }
0x137: {  	v55 =	vld.idx.msk [tilespmem:v47+s24+$0x70 ss:$0x1], $0xffff;
	s24 =	sand.u32 $0x3FFFFF80, s31;
	v2 =	vadd.f32 v2, v63  }
0x138: {  	v60 =	vld.idx.msk [tilespmem:v47+s24+$0x0 ss:$0x1], $0xffff;
	v17 =	vmul.f32 v57, v42;
	v6 =	vadd.f32 v16, v6  }
0x139: {  	v13 =	vld.idx.msk [tilespmem:v47+s24+$0x40 ss:$0x1], $0xffff;
	v51 =	vadd.f32 v2, v46  }
0x13a: {  	v18 =	vmul.f32 v49, v43;
	v12 =	vld.idx.msk [tilespmem:v47+s24+$0x50 ss:$0x1], $0xffff;
	s25 =	spop (v2sf);
	v2 =	vadd.f32 v17, v6  }
0x13b: {  	v9 =	vld.idx.msk [tilespmem:v47+s24+$0x60 ss:$0x1], $0xffff;
	s25 =	sshll.u32 s25, $0x9;
	v0 =	vmul.f32 v51, v0  }
0x13c: {  	v19 =	vmul.f32 v50, v44;
	s25 =	sshra.s32 s25, $0x2;
	v6 =	vadd.f32 v18, v2;
	v2 =	vld.idx.msk [tilespmem:v47+s24+$0x10 ss:$0x1], $0xffff  }
0x13d: {  	[tilespmem:s25+$0xC280] =	vst.add.f32.msk $0xffff, v0  }
0x13e: {  	v20 =	vmul.f32 v55, v45;
	v6 =	vadd.f32 v19, v6;
	v0 =	vld.idx.msk [tilespmem:v47+s24+$0x20 ss:$0x1], $0xffff  }
0x13f: {  	v21 =	vmul.f32 v51, v3;
	v3 =	vld.idx.msk [tilespmem:v47+s24+$0x30 ss:$0x1], $0xffff  }
0x140: {  	v22 =	vmul.f32 v60, v38;
	v62 =	vmul.f32 v51, v10;
	v10 =	vld.idx.msk [tilespmem:v47+s24+$0x70 ss:$0x1], $0xffff;
	v6 =	vadd.f32 v20, v6  }
0x141: {  	v4 =	vmul.f32 v51, v4;
	v18 =	vld.idx.msk [tilespmem:v48+s30+$0x0 ss:$0x1], $0xffff;
	v23 =	vmul.f32 v2, v39  }
0x142: {  	v24 =	vmul.f32 v51, v5;
	[tilespmem:s25+$0xC290] =	vst.add.f32.msk $0xffff, v21;
	v53 =	vperm.xlane v6, v34  }
0x143: {  	v7 =	vmul.f32 v51, v7;
	[tilespmem:s25+$0xC2A0] =	vst.add.f32.msk $0xffff, v4;
	v25 =	vadd.f32 v23, v22;
	v26 =	vmul.f32 v0, v40  }
0x144: {  	(v2sf) =	vpush v52, $0x0;
	v8 =	vmul.f32 v51, v8;
	[tilespmem:s25+$0xC2B0] =	vst.add.f32.msk $0xffff, v24;
	v6 =	vadd.f32 v6, v53  }
0x145: {  	s26 =	sadd.s32 $0x3, s21;
	[tilespmem:s25+$0xC2C0] =	vst.add.f32.msk $0xffff, v7;
	v58 =	vmul.f32 v3, v41;
	v54 =	vadd.f32 v26, v25  }
0x146: {  	s28 =	sshll.u32 s26, $0x7;
	[tilespmem:s25+$0xC2D0] =	vst.add.f32.msk $0xffff, v8;
	v59 =	vperm.xlane v6, v35  }
0x147: {  	v61 =	vmul.f32 v13, v42;
	[tilespmem:s25+$0xC2E0] =	vst.add.f32.msk $0xffff, v62;
	s24 =	sand.u32 $0x3FFFFF80, s28;
	v4 =	vadd.f32 v58, v54  }
0x148: {  	v11 =	vmul.f32 v51, v11;
	v51 =	vld.idx.msk [tilespmem:v47+s24+$0x0 ss:$0x1], $0xffff;
	v6 =	vadd.f32 v6, v59  }
0x149: {  	v63 =	vmul.f32 v12, v43;
	v58 =	vld.idx.msk [tilespmem:v47+s24+$0x10 ss:$0x1], $0xffff;
	v4 =	vadd.f32 v61, v4  }
0x14a: {  	[tilespmem:s25+$0xC2F0] =	vst.add.f32.msk $0xffff, v11;
	v7 =	vperm.xlane v6, v36  }
0x14b: {  	v16 =	vmul.f32 v9, v44;
	v53 =	vld.idx.msk [tilespmem:v47+s24+$0x20 ss:$0x1], $0xffff;
	v4 =	vadd.f32 v63, v4  }
0x14c: {  	s22 =	sadd.s32 $0x4, s21;
	v11 =	vld.idx.msk [tilespmem:v47+s24+$0x40 ss:$0x1], $0xffff;
	v6 =	vadd.f32 v6, v7  }
0x14d: {  	s29 =	sshll.u32 s22, $0x7;
	v17 =	vmul.f32 v10, v45;
	v21 =	vmul.f32 v51, v38;
	v54 =	vld.idx.msk [tilespmem:v47+s24+$0x30 ss:$0x1], $0xffff;
	v4 =	vadd.f32 v16, v4  }
0x14e: {  	s25 =	sand.u32 $0x3FFFFF80, s29;
	v8 =	vld.idx.msk [tilespmem:v47+s24+$0x60 ss:$0x1], $0xffff;
	v59 =	vmul.f32 v58, v39;
	v19 =	vperm.xlane v6, v37  }
0x14f: {  	v52 =	vld.idx.msk [tilespmem:v47+s25+$0x0 ss:$0x1], $0xffff;
	v5 =	vadd.f32 v17, v4  }
0x150: {  	v23 =	vmul.f32 v53, v40;
	v22 =	vadd.f32 v59, v21;
	v4 =	vld.idx.msk [tilespmem:v47+s24+$0x50 ss:$0x1], $0xffff;
	v6 =	vadd.f32 v6, v19  }
0x151: {  	v19 =	vld.idx.msk [tilespmem:v48+s26+$0x0 ss:$0x1], $0xffff;
	v20 =	vperm.xlane v5, v34  }
0x152: {  	v63 =	vmul.f32 v54, v41;
	v7 =	vadd.f32 v23, v22;
	v61 =	vadd.f32 v6, v46;
	v6 =	vld.idx.msk [tilespmem:v47+s24+$0x70 ss:$0x1], $0xffff  }
0x153: {  	s30 =	spop (v2sf);
	(v2sf) =	vpush v18, $0x0;
	v62 =	vadd.f32 v5, v20;
	v5 =	vld.idx.msk [tilespmem:v47+s25+$0x10 ss:$0x1], $0xffff  }
0x154: {  	v21 =	vmul.f32 v11, v42;
	v20 =	vadd.f32 v63, v7;
	v7 =	vld.idx.msk [tilespmem:v47+s25+$0x20 ss:$0x1], $0xffff;
	v14 =	vmul.f32 v61, v14  }
0x155: {  	s24 =	sshll.u32 s30, $0x9;
	v22 =	vmul.f32 v61, v33;
	v33 =	vld.idx.msk [tilespmem:v47+s25+$0x30 ss:$0x1], $0xffff;
	v24 =	vperm.xlane v62, v35  }
0x156: {  	s24 =	sshra.s32 s24, $0x2;
	v25 =	vmul.f32 v61, v15;
	v18 =	vmul.f32 v61, v57;
	v57 =	vld.idx.msk [tilespmem:v47+s25+$0x60 ss:$0x1], $0xffff  }
0x157: {  	v59 =	vadd.f32 v21, v20;
	[tilespmem:s24+$0xC280] =	vst.add.f32.msk $0xffff, v14;
	v26 =	vadd.f32 v62, v24;
	v24 =	vmul.f32 v4, v43  }
0x158: {  	[tilespmem:s24+$0xC290] =	vst.add.f32.msk $0xffff, v25  }
0x159: {  	v56 =	vmul.f32 v61, v56;
	[tilespmem:s24+$0xC2A0] =	vst.add.f32.msk $0xffff, v22;
	v25 =	vmul.f32 v8, v44;
	v59 =	vadd.f32 v24, v59  }
0x15a: {  	v16 =	vmul.f32 v52, v38;
	v14 =	vld.idx.msk [tilespmem:v47+s25+$0x40 ss:$0x1], $0xffff;
	v23 =	vperm.xlane v26, v36  }
0x15b: {  	s26 =	sadd.s32 $0x5, s21;
	[tilespmem:s24+$0xC2B0] =	vst.add.f32.msk $0xffff, v56;
	v21 =	vmul.f32 v6, v45;
	v17 =	vmul.f32 v5, v39;
	v59 =	vadd.f32 v25, v59  }
0x15c: {  	s28 =	sshll.u32 s26, $0x7;
	v56 =	vld.idx.msk [tilespmem:v47+s25+$0x50 ss:$0x1], $0xffff;
	v22 =	vmul.f32 v33, v41;
	v15 =	vadd.f32 v26, v23  }
0x15d: {  	s29 =	sand.u32 $0x3FFFFF80, s28;
	[tilespmem:s24+$0xC2C0] =	vst.add.f32.msk $0xffff, v18;
	v16 =	vadd.f32 v17, v16;
	v26 =	vmul.f32 v7, v40;
	v62 =	vadd.f32 v21, v59  }
0x15e: {  	v23 =	vmul.f32 v61, v49;
	v49 =	vld.idx.msk [tilespmem:v47+s29+$0x60 ss:$0x1], $0xffff;
	v63 =	vperm.xlane v15, v37  }
0x15f: {  	v25 =	vmul.f32 v61, v50;
	v16 =	vadd.f32 v26, v16;
	v59 =	vld.idx.msk [tilespmem:v47+s25+$0x70 ss:$0x1], $0xffff;
	v26 =	vperm.xlane v62, v34  }
0x160: {  	(v2sf) =	vpush v19, $0x0;
	v24 =	vmul.f32 v14, v42;
	[tilespmem:s24+$0xC2D0] =	vst.add.f32.msk $0xffff, v23;
	v15 =	vadd.f32 v15, v63  }
0x161: {  	[tilespmem:s24+$0xC2E0] =	vst.add.f32.msk $0xffff, v25;
	v16 =	vadd.f32 v22, v16;
	v63 =	vmul.f32 v61, v55;
	v50 =	vadd.f32 v62, v26  }
0x162: {  	v55 =	vld.idx.msk [tilespmem:v47+s29+$0x10 ss:$0x1], $0xffff;
	v15 =	vadd.f32 v15, v46  }
0x163: {  	s31 =	spop (v2sf);
	v16 =	vadd.f32 v24, v16;
	[tilespmem:s24+$0xC2F0] =	vst.add.f32.msk $0xffff, v63;
	v24 =	vperm.xlane v50, v35  }
0x164: {  	s23 =	sshll.u32 s31, $0x9;
	v26 =	vld.idx.msk [tilespmem:v48+s22+$0x0 ss:$0x1], $0xffff;
	v22 =	vmul.f32 v15, v60  }
0x165: {  	s23 =	sshra.s32 s23, $0x2;
	v21 =	vmul.f32 v56, v43;
	v2 =	vmul.f32 v15, v2;
	v60 =	vld.idx.msk [tilespmem:v47+s29+$0x0 ss:$0x1], $0xffff;
	v18 =	vadd.f32 v50, v24  }
0x166: {  	v23 =	vmul.f32 v57, v44;
	[tilespmem:s23+$0xC280] =	vst.add.f32.msk $0xffff, v22  }
0x167: {  	v16 =	vadd.f32 v21, v16;
	v0 =	vmul.f32 v15, v0;
	[tilespmem:s23+$0xC290] =	vst.add.f32.msk $0xffff, v2;
	v21 =	vperm.xlane v18, v36  }
0x168: {  	v25 =	vmul.f32 v59, v45;
	v2 =	vld.idx.msk [tilespmem:v47+s29+$0x20 ss:$0x1], $0xffff  }
0x169: {  	v3 =	vmul.f32 v15, v3;
	v16 =	vadd.f32 v23, v16;
	[tilespmem:s23+$0xC2A0] =	vst.add.f32.msk $0xffff, v0;
	v17 =	vadd.f32 v18, v21  }
0x16a: {  	v0 =	vld.idx.msk [tilespmem:v47+s29+$0x30 ss:$0x1], $0xffff  }
0x16b: {  	v13 =	vmul.f32 v15, v13;
	[tilespmem:s23+$0xC2B0] =	vst.add.f32.msk $0xffff, v3;
	v16 =	vadd.f32 v25, v16;
	v25 =	vperm.xlane v17, v37  }
0x16c: {  	v3 =	vld.idx.msk [tilespmem:v47+s29+$0x40 ss:$0x1], $0xffff  }
0x16d: {  	v12 =	vmul.f32 v15, v12;
	[tilespmem:s23+$0xC2C0] =	vst.add.f32.msk $0xffff, v13;
	v22 =	vperm.xlane v16, v34;
	v17 =	vadd.f32 v17, v25  }
0x16e: {  	v9 =	vmul.f32 v15, v9;
	v50 =	vld.idx.msk [tilespmem:v47+s29+$0x50 ss:$0x1], $0xffff  }
0x16f: {  	v10 =	vmul.f32 v15, v10;
	[tilespmem:s23+$0xC2D0] =	vst.add.f32.msk $0xffff, v12;
	v16 =	vadd.f32 v16, v22;
	v15 =	vadd.f32 v17, v46  }
0x170: {  	s30 =	spop (v2sf);
	v24 =	vmul.f32 v55, v39;
	[tilespmem:s23+$0xC2E0] =	vst.add.f32.msk $0xffff, v9;
	(v2sf) =	vpush v26, $0x0;
	v23 =	vmul.f32 v60, v38  }
0x171: {  	s25 =	sshll.u32 s30, $0x9;
	[tilespmem:s23+$0xC2F0] =	vst.add.f32.msk $0xffff, v10;
	v26 =	vperm.xlane v16, v35;
	v17 =	vmul.f32 v15, v51  }
0x172: {  	s31 =	sshra.s32 s25, $0x2;
	v18 =	vadd.f32 v24, v23;
	v61 =	vmul.f32 v2, v40;
	v23 =	vmul.f32 v15, v58;
	v51 =	vld.idx.msk [tilespmem:v47+s29+$0x70 ss:$0x1], $0xffff  }
0x173: {  	v62 =	vadd.f32 v16, v26;
	v26 =	vmul.f32 v15, v53;
	[tilespmem:s31+$0xC280] =	vst.add.f32.msk $0xffff, v17  }
0x174: {  	v20 =	vmul.f32 v0, v41;
	v63 =	vadd.f32 v61, v18;
	v53 =	vmul.f32 v15, v54;
	[tilespmem:s31+$0xC290] =	vst.add.f32.msk $0xffff, v23  }
0x175: {  	v21 =	vperm.xlane v62, v36;
	[tilespmem:s31+$0xC2A0] =	vst.add.f32.msk $0xffff, v26  }
0x176: {  	v22 =	vmul.f32 v3, v42;
	v13 =	vadd.f32 v20, v63;
	v11 =	vmul.f32 v15, v11;
	[tilespmem:s31+$0xC2B0] =	vst.add.f32.msk $0xffff, v53  }
0x177: {  	v4 =	vmul.f32 v15, v4;
	v9 =	vadd.f32 v62, v21;
	v62 =	vld.idx.msk [tilespmem:v48+s26+$0x0 ss:$0x1], $0xffff  }
0x178: {  	v25 =	vmul.f32 v50, v43;
	v24 =	vadd.f32 v22, v13;
	v8 =	vmul.f32 v15, v8;
	[tilespmem:s31+$0xC2C0] =	vst.add.f32.msk $0xffff, v11  }
0x179: {  	s24 =	sadd.s32 $0x6, s21;
	[tilespmem:s31+$0xC2D0] =	vst.add.f32.msk $0xffff, v4;
	v17 =	vmul.f32 v15, v6  }
0x17a: {  	v58 =	vmul.f32 v49, v44;
	v10 =	vadd.f32 v25, v24;
	[tilespmem:s31+$0xC2E0] =	vst.add.f32.msk $0xffff, v8;
	s26 =	sshll.u32 s24, $0x7  }
0x17b: {  	s28 =	sand.u32 $0x3FFFFF80, s26;
	[tilespmem:s31+$0xC2F0] =	vst.add.f32.msk $0xffff, v17  }
0x17c: {  	v10 =	vadd.f32 v58, v10;
	v54 =	vperm.xlane v9, v37;
	v15 =	vld.idx.msk [tilespmem:v47+s28+$0x0 ss:$0x1], $0xffff;
	v61 =	vmul.f32 v51, v45  }
0x17d: {  	v53 =	vld.idx.msk [tilespmem:v47+s28+$0x10 ss:$0x1], $0xffff  }
0x17e: {  	s29 =	sadd.s32 $0x7, s21;
	v58 =	vld.idx.msk [tilespmem:v47+s28+$0x20 ss:$0x1], $0xffff;
	v9 =	vadd.f32 v9, v54;
	v16 =	vadd.f32 v61, v10  }
0x17f: {  	s30 =	sshll.u32 s29, $0x7;
	s25 =	spop (v2sf);
	v13 =	vld.idx.msk [tilespmem:v47+s28+$0x40 ss:$0x1], $0xffff  }
0x180: {  	v11 =	vld.idx.msk [tilespmem:v47+s28+$0x70 ss:$0x1], $0xffff;
	s23 =	sshll.u32 s25, $0x9;
	s25 =	sand.u32 $0x3FFFFF80, s30;
	v63 =	vadd.f32 v9, v46;
	v19 =	vperm.xlane v16, v34  }
0x181: {  	v12 =	vld.idx.msk [tilespmem:v47+s25+$0x70 ss:$0x1], $0xffff  }
0x182: {  	(v2sf) =	vpush v62, $0x0;
	v10 =	vld.idx.msk [tilespmem:v47+s25+$0x50 ss:$0x1], $0xffff;
	v18 =	vmul.f32 v63, v52;
	v20 =	vadd.f32 v16, v19  }
0x183: {  	s23 =	sshra.s32 s23, $0x2;
	v9 =	vld.idx.msk [tilespmem:v47+s28+$0x30 ss:$0x1], $0xffff;
	v5 =	vmul.f32 v63, v5  }
0x184: {  	v22 =	vmul.f32 v63, v7;
	[tilespmem:s23+$0xC280] =	vst.add.f32.msk $0xffff, v18;
	v21 =	vperm.xlane v20, v35  }
0x185: {  	v23 =	vmul.f32 v63, v33;
	[tilespmem:s23+$0xC290] =	vst.add.f32.msk $0xffff, v5  }
0x186: {  	v26 =	vmul.f32 v15, v38;
	v24 =	vmul.f32 v63, v14;
	[tilespmem:s23+$0xC2A0] =	vst.add.f32.msk $0xffff, v22;
	v4 =	vadd.f32 v20, v21  }
0x187: {  	v33 =	vmul.f32 v53, v39;
	v52 =	vmul.f32 v63, v56;
	[tilespmem:s23+$0xC2B0] =	vst.add.f32.msk $0xffff, v23  }
0x188: {  	v61 =	vmul.f32 v63, v57;
	[tilespmem:s23+$0xC2C0] =	vst.add.f32.msk $0xffff, v24;
	v25 =	vperm.xlane v4, v36  }
0x189: {  	v54 =	vmul.f32 v58, v40;
	[tilespmem:s23+$0xC2D0] =	vst.add.f32.msk $0xffff, v52  }
0x18a: {  	v63 =	vmul.f32 v63, v59;
	v5 =	vadd.f32 v33, v26;
	[tilespmem:s23+$0xC2E0] =	vst.add.f32.msk $0xffff, v61;
	v7 =	vadd.f32 v4, v25  }
0x18b: {  	v4 =	vld.idx.msk [tilespmem:v47+s28+$0x50 ss:$0x1], $0xffff  }
0x18c: {  	[tilespmem:s23+$0xC2F0] =	vst.add.f32.msk $0xffff, v63;
	v62 =	vmul.f32 v9, v41;
	v8 =	vadd.f32 v54, v5;
	v56 =	vperm.xlane v7, v37  }
0x18d: {  	v5 =	vld.idx.msk [tilespmem:v47+s28+$0x60 ss:$0x1], $0xffff  }
0x18e: {  	v14 =	vmul.f32 v13, v42;
	v33 =	vld.idx.msk [tilespmem:v47+s25+$0x20 ss:$0x1], $0xffff;
	v8 =	vadd.f32 v62, v8;
	v7 =	vadd.f32 v7, v56  }
0x18f: {  	v22 =	vld.idx.msk [tilespmem:v48+s24+$0x0 ss:$0x1], $0xffff  }
0x190: {  	v54 =	vld.idx.msk [tilespmem:v47+s25+$0x10 ss:$0x1], $0xffff;
	v17 =	vadd.f32 v14, v8;
	v18 =	vmul.f32 v4, v43;
	v16 =	vadd.f32 v7, v46  }
0x191: {  	s31 =	spop (v2sf);
	v56 =	vld.idx.msk [tilespmem:v47+s25+$0x0 ss:$0x1], $0xffff  }
0x192: {  	v52 =	vld.idx.msk [tilespmem:v47+s25+$0x30 ss:$0x1], $0xffff;
	v20 =	vmul.f32 v5, v44;
	s23 =	sshll.u32 s31, $0x9;
	v6 =	vadd.f32 v18, v17;
	v19 =	vmul.f32 v16, v60  }
0x193: {  	s23 =	sshra.s32 s23, $0x2;
	v7 =	vld.idx.msk [tilespmem:v47+s25+$0x60 ss:$0x1], $0xffff;
	v55 =	vmul.f32 v16, v55  }
0x194: {  	s26 =	sadd.s32 $0x8, s21;
	v21 =	vmul.f32 v11, v45;
	v6 =	vadd.f32 v20, v6;
	[tilespmem:s23+$0xC280] =	vst.add.f32.msk $0xffff, v19  }
0x195: {  	s28 =	sshll.u32 s26, $0x7;
	[tilespmem:s23+$0xC290] =	vst.add.f32.msk $0xffff, v55  }
0x196: {  	v25 =	vmul.f32 v54, v39;
	v24 =	vmul.f32 v56, v38;
	v23 =	vadd.f32 v21, v6;
	v6 =	vld.idx.msk [tilespmem:v47+s25+$0x40 ss:$0x1], $0xffff;
	s25 =	sand.u32 $0x3FFFFF80, s28  }
0x197: {  	v57 =	vmul.f32 v33, v40;
	v60 =	vmul.f32 v16, v2;
	v8 =	vld.idx.msk [tilespmem:v47+s25+$0x0 ss:$0x1], $0xffff  }
0x198: {  	v63 =	vmul.f32 v16, v0;
	v14 =	vadd.f32 v25, v24;
	v2 =	vld.idx.msk [tilespmem:v47+s25+$0x10 ss:$0x1], $0xffff;
	v26 =	vperm.xlane v23, v34  }
0x199: {  	(v2sf) =	vpush v22, $0x0;
	v22 =	vmul.f32 v16, v3;
	[tilespmem:s23+$0xC2A0] =	vst.add.f32.msk $0xffff, v60  }
0x19a: {  	v59 =	vmul.f32 v52, v41;
	[tilespmem:s23+$0xC2B0] =	vst.add.f32.msk $0xffff, v63;
	v14 =	vadd.f32 v57, v14;
	v18 =	vadd.f32 v23, v26  }
0x19b: {  	[tilespmem:s23+$0xC2C0] =	vst.add.f32.msk $0xffff, v22  }
0x19c: {  	v22 =	vld.idx.msk [tilespmem:v48+s29+$0x0 ss:$0x1], $0xffff;
	v14 =	vadd.f32 v59, v14;
	v62 =	vmul.f32 v6, v42;
	v61 =	vperm.xlane v18, v35  }
0x19d: {  	v0 =	vld.idx.msk [tilespmem:v47+s25+$0x20 ss:$0x1], $0xffff;
	v24 =	vmul.f32 v8, v38;
	v25 =	vmul.f32 v2, v39  }
0x19e: {  	v21 =	vmul.f32 v10, v43;
	v3 =	vld.idx.msk [tilespmem:v47+s25+$0x30 ss:$0x1], $0xffff;
	v14 =	vadd.f32 v62, v14;
	v18 =	vadd.f32 v18, v61  }
0x19f: {  	v23 =	vmul.f32 v7, v44;
	v19 =	vadd.f32 v25, v24;
	v25 =	vmul.f32 v16, v49;
	v49 =	vld.idx.msk [tilespmem:v47+s25+$0x60 ss:$0x1], $0xffff  }
0x1a0: {  	v14 =	vadd.f32 v21, v14;
	v21 =	vmul.f32 v16, v50;
	v50 =	vld.idx.msk [tilespmem:v47+s25+$0x50 ss:$0x1], $0xffff;
	v55 =	vperm.xlane v18, v36  }
0x1a1: {  	v16 =	vmul.f32 v16, v51;
	v51 =	vld.idx.msk [tilespmem:v47+s25+$0x70 ss:$0x1], $0xffff  }
0x1a2: {  	v26 =	vmul.f32 v12, v45;
	[tilespmem:s23+$0xC2E0] =	vst.add.f32.msk $0xffff, v25;
	v17 =	vadd.f32 v23, v14;
	v18 =	vadd.f32 v18, v55  }
0x1a3: {  	s29 =	sadd.s32 $0x9, s21;
	v14 =	vld.idx.msk [tilespmem:v47+s25+$0x40 ss:$0x1], $0xffff;
	v23 =	vmul.f32 v0, v40  }
0x1a4: {  	s30 =	sshll.u32 s29, $0x7;
	[tilespmem:s23+$0xC2D0] =	vst.add.f32.msk $0xffff, v21;
	v17 =	vadd.f32 v26, v17;
	v24 =	vperm.xlane v18, v37  }
0x1a5: {  	[tilespmem:s23+$0xC2F0] =	vst.add.f32.msk $0xffff, v16;
	s25 =	sand.u32 $0x3FFFFF80, s30;
	v19 =	vadd.f32 v23, v19;
	v26 =	vmul.f32 v3, v41  }
0x1a6: {  	v57 =	vld.idx.msk [tilespmem:v47+s25+$0x0 ss:$0x1], $0xffff;
	v62 =	vperm.xlane v17, v34;
	v18 =	vadd.f32 v18, v24  }
0x1a7: {  	(v2sf) =	vpush v22, $0x0;
	v55 =	vld.idx.msk [tilespmem:v48+s26+$0x0 ss:$0x1], $0xffff;
	v19 =	vadd.f32 v26, v19  }
0x1a8: {  	v60 =	vld.idx.msk [tilespmem:v47+s25+$0x50 ss:$0x1], $0xffff;
	v63 =	vmul.f32 v14, v42;
	v17 =	vadd.f32 v17, v62;
	v18 =	vadd.f32 v18, v46  }
0x1a9: {  	v61 =	vld.idx.msk [tilespmem:v47+s25+$0x60 ss:$0x1], $0xffff;
	v22 =	vmul.f32 v50, v43  }
0x1aa: {  	s31 =	spop (v2sf);
	v21 =	vadd.f32 v63, v19;
	v59 =	vperm.xlane v17, v35;
	v23 =	vmul.f32 v18, v15;
	v15 =	vld.idx.msk [tilespmem:v47+s25+$0x10 ss:$0x1], $0xffff  }
0x1ab: {  	s23 =	sshll.u32 s31, $0x9;
	v24 =	vmul.f32 v49, v44;
	v19 =	vld.idx.msk [tilespmem:v47+s25+$0x30 ss:$0x1], $0xffff  }
0x1ac: {  	s23 =	sshra.s32 s23, $0x2;
	v16 =	vadd.f32 v22, v21;
	v53 =	vmul.f32 v18, v53;
	v17 =	vadd.f32 v17, v59;
	v59 =	vld.idx.msk [tilespmem:v47+s25+$0x20 ss:$0x1], $0xffff  }
0x1ad: {  	v25 =	vmul.f32 v51, v45;
	v20 =	vmul.f32 v57, v38;
	[tilespmem:s23+$0xC280] =	vst.add.f32.msk $0xffff, v23  }
0x1ae: {  	v58 =	vmul.f32 v18, v58;
	v16 =	vadd.f32 v24, v16;
	[tilespmem:s23+$0xC290] =	vst.add.f32.msk $0xffff, v53;
	v26 =	vperm.xlane v17, v36  }
0x1af: {  	v9 =	vmul.f32 v18, v9;
	v53 =	vld.idx.msk [tilespmem:v47+s25+$0x40 ss:$0x1], $0xffff;
	v21 =	vmul.f32 v15, v39  }
0x1b0: {  	v13 =	vmul.f32 v18, v13;
	[tilespmem:s23+$0xC2A0] =	vst.add.f32.msk $0xffff, v58;
	v16 =	vadd.f32 v25, v16;
	v17 =	vadd.f32 v17, v26  }
0x1b1: {  	v4 =	vmul.f32 v18, v4;
	[tilespmem:s23+$0xC2B0] =	vst.add.f32.msk $0xffff, v9;
	v24 =	vmul.f32 v59, v40;
	v23 =	vadd.f32 v21, v20  }
0x1b2: {  	[tilespmem:s23+$0xC2C0] =	vst.add.f32.msk $0xffff, v13;
	v22 =	vperm.xlane v16, v34;
	v25 =	vperm.xlane v17, v37  }
0x1b3: {  	v5 =	vmul.f32 v18, v5;
	v58 =	vld.idx.msk [tilespmem:v47+s25+$0x70 ss:$0x1], $0xffff;
	v20 =	vmul.f32 v19, v41;
	v26 =	vadd.f32 v24, v23  }
0x1b4: {  	[tilespmem:s23+$0xC2D0] =	vst.add.f32.msk $0xffff, v4;
	v16 =	vadd.f32 v16, v22;
	v17 =	vadd.f32 v17, v25;
	v23 =	vmul.f32 v18, v11  }
0x1b5: {  	(v2sf) =	vpush v55, $0x0;
	[tilespmem:s23+$0xC2E0] =	vst.add.f32.msk $0xffff, v5;
	v22 =	vmul.f32 v53, v42;
	v9 =	vadd.f32 v20, v26  }
0x1b6: {  	s22 =	sadd.s32 $0xA, s21;
	s26 =	spop (v2sf);
	v21 =	vperm.xlane v16, v35;
	v17 =	vadd.f32 v17, v46;
	[tilespmem:s23+$0xC2F0] =	vst.add.f32.msk $0xffff, v23  }
0x1b7: {  	s24 =	sshll.u32 s26, $0x9;
	v24 =	vmul.f32 v60, v43;
	v23 =	vld.idx.msk [tilespmem:v48+s29+$0x0 ss:$0x1], $0xffff;
	s29 =	sshll.u32 s22, $0x7;
	v9 =	vadd.f32 v22, v9  }
0x1b8: {  	s28 =	sshra.s32 s24, $0x2;
	v20 =	vld.idx.msk [tilespmem:v48+s22+$0x0 ss:$0x1], $0xffff;
	v16 =	vadd.f32 v16, v21;
	s24 =	sand.u32 $0x3FFFFF80, s29;
	v25 =	vmul.f32 v17, v56;
	v55 =	vmul.f32 v17, v54  }
0x1b9: {  	v56 =	vmul.f32 v61, v44;
	v54 =	vmul.f32 v17, v12;
	v12 =	vld.idx.msk [tilespmem:v47+s24+$0x30 ss:$0x1], $0xffff;
	v9 =	vadd.f32 v24, v9  }
0x1ba: {  	v63 =	vmul.f32 v17, v33;
	v26 =	vperm.xlane v16, v36;
	[tilespmem:s28+$0xC280] =	vst.add.f32.msk $0xffff, v25  }
0x1bb: {  	v21 =	vmul.f32 v58, v45;
	v22 =	vmul.f32 v17, v52;
	[tilespmem:s28+$0xC290] =	vst.add.f32.msk $0xffff, v55;
	v9 =	vadd.f32 v56, v9  }
0x1bc: {  	v33 =	vmul.f32 v17, v7;
	[tilespmem:s28+$0xC2A0] =	vst.add.f32.msk $0xffff, v63;
	v62 =	vadd.f32 v16, v26  }
0x1bd: {  	[tilespmem:s28+$0xC2B0] =	vst.add.f32.msk $0xffff, v22;
	v25 =	vadd.f32 v21, v9  }
0x1be: {  	[tilespmem:s28+$0xC2E0] =	vst.add.f32.msk $0xffff, v33;
	v16 =	vperm.xlane v62, v37  }
0x1bf: {  	v24 =	vmul.f32 v17, v6;
	[tilespmem:s28+$0xC2F0] =	vst.add.f32.msk $0xffff, v54;
	v52 =	vperm.xlane v25, v34  }
0x1c0: {  	v26 =	vmul.f32 v17, v10;
	v17 =	vld.idx.msk [tilespmem:v47+s24+$0x40 ss:$0x1], $0xffff;
	v5 =	vadd.f32 v62, v16  }
0x1c1: {  	(v2sf) =	vpush v23, $0x0;
	[tilespmem:s28+$0xC2C0] =	vst.add.f32.msk $0xffff, v24;
	v55 =	vadd.f32 v25, v52  }
0x1c2: {  	[tilespmem:s28+$0xC2D0] =	vst.add.f32.msk $0xffff, v26;
	v5 =	vadd.f32 v5, v46  }
0x1c3: {  	v9 =	vld.idx.msk [tilespmem:v47+s24+$0x10 ss:$0x1], $0xffff;
	v7 =	vperm.xlane v55, v35  }
0x1c4: {  	s30 =	spop (v2sf);
	s29 =	sadd.s32 $0xB, s21;
	v56 =	vmul.f32 v5, v8;
	v8 =	vld.idx.msk [tilespmem:v47+s24+$0x0 ss:$0x1], $0xffff  }
0x1c5: {  	s23 =	sshll.u32 s30, $0x9;
	v26 =	vld.idx.msk [tilespmem:v48+s29+$0x0 ss:$0x1], $0xffff;
	v2 =	vmul.f32 v5, v2;
	v4 =	vadd.f32 v55, v7  }
0x1c6: {  	s23 =	sshra.s32 s23, $0x2;
	v16 =	vld.idx.msk [tilespmem:v47+s24+$0x20 ss:$0x1], $0xffff  }
0x1c7: {  	v0 =	vmul.f32 v5, v0;
	[tilespmem:s23+$0xC290] =	vst.add.f32.msk $0xffff, v2;
	v2 =	vperm.xlane v4, v36  }
0x1c8: {  	v3 =	vmul.f32 v5, v3;
	v62 =	vmul.f32 v9, v39;
	[tilespmem:s23+$0xC280] =	vst.add.f32.msk $0xffff, v56  }
0x1c9: {  	v63 =	vmul.f32 v5, v14;
	[tilespmem:s23+$0xC2A0] =	vst.add.f32.msk $0xffff, v0;
	v0 =	vadd.f32 v4, v2;
	v2 =	vmul.f32 v8, v38  }
0x1ca: {  	[tilespmem:s23+$0xC2B0] =	vst.add.f32.msk $0xffff, v3  }
0x1cb: {  	v10 =	vmul.f32 v16, v40;
	[tilespmem:s23+$0xC2C0] =	vst.add.f32.msk $0xffff, v63;
	v3 =	vperm.xlane v0, v37;
	v2 =	vadd.f32 v62, v2  }
0x1cc: {  	v11 =	vmul.f32 v5, v50;
	v13 =	vmul.f32 v5, v49;
	v55 =	vld.idx.msk [tilespmem:v47+s24+$0x50 ss:$0x1], $0xffff  }
0x1cd: {  	v56 =	vld.idx.msk [tilespmem:v47+s24+$0x60 ss:$0x1], $0xffff;
	v0 =	vadd.f32 v0, v3;
	v2 =	vadd.f32 v10, v2;
	v3 =	vmul.f32 v12, v41  }
0x1ce: {  	[tilespmem:s23+$0xC2D0] =	vst.add.f32.msk $0xffff, v11  }
0x1cf: {  	v5 =	vmul.f32 v5, v51;
	[tilespmem:s23+$0xC2E0] =	vst.add.f32.msk $0xffff, v13;
	v2 =	vadd.f32 v3, v2;
	v3 =	vmul.f32 v17, v42  }
0x1d0: {  	s30 =	sshll.u32 s29, $0x7;
	s31 =	spop (v2sf);
	v10 =	vld.idx.msk [tilespmem:v47+s24+$0x70 ss:$0x1], $0xffff  }
0x1d1: {  	[tilespmem:s23+$0xC2F0] =	vst.add.f32.msk $0xffff, v5;
	s26 =	sshll.u32 s31, $0x9;
	s31 =	sand.u32 $0x3FFFFF80, s30;
	v2 =	vadd.f32 v3, v2;
	v3 =	vmul.f32 v55, v43  }
0x1d2: {  	v54 =	vld.idx.msk [tilespmem:v47+s31+$0x10 ss:$0x1], $0xffff  }
0x1d3: {  	v13 =	vld.idx.msk [tilespmem:v47+s31+$0x40 ss:$0x1], $0xffff;
	v0 =	vadd.f32 v0, v46;
	v2 =	vadd.f32 v3, v2;
	v3 =	vmul.f32 v56, v44  }
0x1d4: {  	v11 =	vld.idx.msk [tilespmem:v47+s31+$0x50 ss:$0x1], $0xffff  }
0x1d5: {  	v49 =	vld.idx.msk [tilespmem:v47+s31+$0x60 ss:$0x1], $0xffff;
	v14 =	vmul.f32 v0, v57;
	v2 =	vadd.f32 v3, v2;
	v3 =	vmul.f32 v10, v45  }
0x1d6: {  	s28 =	sshra.s32 s26, $0x2;
	v15 =	vmul.f32 v0, v15;
	v57 =	vld.idx.msk [tilespmem:v47+s31+$0x0 ss:$0x1], $0xffff  }
0x1d7: {  	v18 =	vmul.f32 v0, v59;
	[tilespmem:s28+$0xC280] =	vst.add.f32.msk $0xffff, v14;
	v2 =	vadd.f32 v3, v2  }
0x1d8: {  	[tilespmem:s28+$0xC290] =	vst.add.f32.msk $0xffff, v15;
	v3 =	vmul.f32 v0, v53  }
0x1d9: {  	[tilespmem:s28+$0xC2A0] =	vst.add.f32.msk $0xffff, v18;
	v21 =	vperm.xlane v2, v34  }
0x1da: {  	[tilespmem:s28+$0xC2C0] =	vst.add.f32.msk $0xffff, v3;
	v3 =	vmul.f32 v0, v60  }
0x1db: {  	(v2sf) =	vpush v20, $0x0;
	v53 =	vld.idx.msk [tilespmem:v47+s31+$0x20 ss:$0x1], $0xffff;
	v2 =	vadd.f32 v2, v21  }
0x1dc: {  	v22 =	vmul.f32 v54, v39;
	[tilespmem:s28+$0xC2D0] =	vst.add.f32.msk $0xffff, v3;
	v3 =	vmul.f32 v0, v61  }
0x1dd: {  	v19 =	vmul.f32 v0, v19;
	v14 =	vld.idx.msk [tilespmem:v47+s31+$0x30 ss:$0x1], $0xffff;
	v4 =	vperm.xlane v2, v35  }
0x1de: {  	v0 =	vmul.f32 v0, v58;
	[tilespmem:s28+$0xC2E0] =	vst.add.f32.msk $0xffff, v3;
	v3 =	vmul.f32 v57, v38  }
0x1df: {  	s22 =	sadd.s32 $0xC, s21;
	[tilespmem:s28+$0xC2B0] =	vst.add.f32.msk $0xffff, v19;
	v2 =	vadd.f32 v2, v4  }
0x1e0: {  	[tilespmem:s28+$0xC2F0] =	vst.add.f32.msk $0xffff, v0;
	s28 =	sshll.u32 s22, $0x7;
	v0 =	vadd.f32 v22, v3;
	v3 =	vmul.f32 v53, v40  }
0x1e1: {  	v52 =	vld.idx.msk [tilespmem:v47+s31+$0x70 ss:$0x1], $0xffff;
	s26 =	sand.u32 $0x3FFFFF80, s28;
	v4 =	vperm.xlane v2, v36  }
0x1e2: {  	v33 =	vld.idx.msk [tilespmem:v47+s26+$0x20 ss:$0x1], $0xffff;
	v0 =	vadd.f32 v3, v0;
	v3 =	vmul.f32 v14, v41  }
0x1e3: {  	v2 =	vadd.f32 v2, v4;
	v4 =	vld.idx.msk [tilespmem:v47+s26+$0x0 ss:$0x1], $0xffff  }
0x1e4: {  	v23 =	vmul.f32 v13, v42;
	s31 =	sadd.s32 $0xD, s21;
	v3 =	vadd.f32 v3, v0;
	v0 =	vld.idx.msk [tilespmem:v47+s26+$0x10 ss:$0x1], $0xffff  }
0x1e5: {  	s28 =	sshll.u32 s31, $0x7;
	v6 =	vld.idx.msk [tilespmem:v47+s26+$0x60 ss:$0x1], $0xffff;
	v24 =	vperm.xlane v2, v37  }
0x1e6: {  	v25 =	vmul.f32 v11, v43;
	v7 =	vld.idx.msk [tilespmem:v47+s26+$0x70 ss:$0x1], $0xffff;
	s25 =	sand.u32 $0x3FFFFF80, s28;
	v3 =	vadd.f32 v23, v3  }
0x1e7: {  	v50 =	vld.idx.msk [tilespmem:v47+s25+$0x0 ss:$0x1], $0xffff;
	v2 =	vadd.f32 v2, v24  }
0x1e8: {  	v59 =	vmul.f32 v49, v44;
	v5 =	vadd.f32 v25, v3;
	v3 =	vld.idx.msk [tilespmem:v47+s26+$0x30 ss:$0x1], $0xffff  }
0x1e9: {  	v60 =	vmul.f32 v4, v38;
	v61 =	vmul.f32 v0, v39;
	v18 =	vadd.f32 v2, v46;
	v2 =	vld.idx.msk [tilespmem:v47+s26+$0x40 ss:$0x1], $0xffff  }
0x1ea: {  	s29 =	spop (v2sf);
	v63 =	vmul.f32 v52, v45;
	v20 =	vmul.f32 v33, v40;
	v62 =	vadd.f32 v59, v5;
	v5 =	vld.idx.msk [tilespmem:v47+s26+$0x50 ss:$0x1], $0xffff  }
0x1eb: {  	s30 =	sshll.u32 s29, $0x9;
	v19 =	vadd.f32 v61, v60;
	v8 =	vmul.f32 v18, v8;
	v23 =	vmul.f32 v18, v9;
	v9 =	vld.idx.msk [tilespmem:v47+s25+$0x10 ss:$0x1], $0xffff  }
0x1ec: {  	s24 =	sshra.s32 s30, $0x2;
	v51 =	vadd.f32 v63, v62;
	v61 =	vmul.f32 v18, v12;
	v12 =	vld.idx.msk [tilespmem:v47+s25+$0x30 ss:$0x1], $0xffff  }
0x1ed: {  	v16 =	vmul.f32 v18, v16;
	v21 =	vadd.f32 v20, v19;
	v22 =	vmul.f32 v3, v41;
	[tilespmem:s24+$0xC280] =	vst.add.f32.msk $0xffff, v8  }
0x1ee: {  	v24 =	vperm.xlane v51, v34;
	[tilespmem:s24+$0xC290] =	vst.add.f32.msk $0xffff, v23  }
0x1ef: {  	v17 =	vmul.f32 v18, v17;
	[tilespmem:s24+$0xC2A0] =	vst.add.f32.msk $0xffff, v16;
	v8 =	vadd.f32 v22, v21;
	v25 =	vmul.f32 v2, v42  }
0x1f0: {  	(v2sf) =	vpush v26, $0x0;
	[tilespmem:s24+$0xC2B0] =	vst.add.f32.msk $0xffff, v61;
	v51 =	vadd.f32 v51, v24  }
0x1f1: {  	[tilespmem:s24+$0xC2C0] =	vst.add.f32.msk $0xffff, v17;
	v60 =	vmul.f32 v5, v43;
	v26 =	vadd.f32 v25, v8  }
0x1f2: {  	v63 =	vmul.f32 v6, v44;
	v8 =	vld.idx.msk [tilespmem:v47+s25+$0x20 ss:$0x1], $0xffff;
	v62 =	vperm.xlane v51, v35  }
0x1f3: {  	v17 =	vld.idx.msk [tilespmem:v48+s22+$0x0 ss:$0x1], $0xffff;
	v21 =	vmul.f32 v50, v38;
	v22 =	vmul.f32 v9, v39;
	v15 =	vadd.f32 v60, v26  }
0x1f4: {  	v23 =	vmul.f32 v7, v45;
	v25 =	vmul.f32 v18, v55;
	v55 =	vld.idx.msk [tilespmem:v47+s25+$0x50 ss:$0x1], $0xffff;
	v58 =	vadd.f32 v51, v62  }
0x1f5: {  	v16 =	vadd.f32 v22, v21;
	v22 =	vmul.f32 v18, v56;
	v56 =	vld.idx.msk [tilespmem:v47+s25+$0x60 ss:$0x1], $0xffff;
	v15 =	vadd.f32 v63, v15  }
0x1f6: {  	v51 =	vld.idx.msk [tilespmem:v47+s25+$0x40 ss:$0x1], $0xffff;
	v26 =	vperm.xlane v58, v36  }
0x1f7: {  	[tilespmem:s24+$0xC2D0] =	vst.add.f32.msk $0xffff, v25;
	v18 =	vmul.f32 v18, v10;
	v24 =	vmul.f32 v8, v40;
	v15 =	vadd.f32 v23, v15  }
0x1f8: {  	s22 =	sadd.s32 $0xE, s21;
	[tilespmem:s24+$0xC2E0] =	vst.add.f32.msk $0xffff, v22;
	v60 =	vadd.f32 v58, v26  }
0x1f9: {  	s29 =	sshll.u32 s22, $0x7;
	v21 =	vmul.f32 v12, v41;
	[tilespmem:s24+$0xC2F0] =	vst.add.f32.msk $0xffff, v18;
	v16 =	vadd.f32 v24, v16;
	v23 =	vperm.xlane v15, v34  }
0x1fa: {  	(v2sf) =	vpush v17, $0x0;
	v58 =	vld.idx.msk [tilespmem:v47+s25+$0x70 ss:$0x1], $0xffff;
	s25 =	sand.u32 $0x3FFFFF80, s29;
	v25 =	vperm.xlane v60, v37  }
0x1fb: {  	v24 =	vmul.f32 v51, v42;
	v59 =	vld.idx.msk [tilespmem:v47+s25+$0x0 ss:$0x1], $0xffff;
	v16 =	vadd.f32 v21, v16;
	v15 =	vadd.f32 v15, v23  }
0x1fc: {  	v10 =	vld.idx.msk [tilespmem:v47+s25+$0x10 ss:$0x1], $0xffff;
	v60 =	vadd.f32 v60, v25  }
0x1fd: {  	v26 =	vmul.f32 v55, v43;
	v61 =	vld.idx.msk [tilespmem:v47+s25+$0x60 ss:$0x1], $0xffff;
	v16 =	vadd.f32 v24, v16;
	v62 =	vperm.xlane v15, v35  }
0x1fe: {  	v63 =	vmul.f32 v56, v44;
	v18 =	vadd.f32 v60, v46;
	v60 =	vld.idx.msk [tilespmem:v47+s25+$0x20 ss:$0x1], $0xffff  }
0x1ff: {  	s30 =	spop (v2sf);
	v22 =	vmul.f32 v58, v45;
	v16 =	vadd.f32 v26, v16;
	v17 =	vadd.f32 v15, v62;
	v62 =	vld.idx.msk [tilespmem:v47+s25+$0x30 ss:$0x1], $0xffff  }
0x200: {  	s24 =	sshll.u32 s30, $0x9;
	v25 =	vmul.f32 v59, v38;
	v15 =	vld.idx.msk [tilespmem:v47+s25+$0x40 ss:$0x1], $0xffff;
	v23 =	vmul.f32 v18, v57  }
0x201: {  	v21 =	vadd.f32 v63, v16;
	v57 =	vld.idx.msk [tilespmem:v48+s31+$0x0 ss:$0x1], $0xffff;
	s31 =	sshra.s32 s24, $0x2;
	v54 =	vmul.f32 v18, v54;
	v24 =	vperm.xlane v17, v36  }
0x202: {  	v26 =	vmul.f32 v10, v39;
	v53 =	vmul.f32 v18, v53;
	[tilespmem:s31+$0xC280] =	vst.add.f32.msk $0xffff, v23  }
0x203: {  	v14 =	vmul.f32 v18, v14;
	v16 =	vadd.f32 v22, v21;
	[tilespmem:s31+$0xC290] =	vst.add.f32.msk $0xffff, v54;
	v17 =	vadd.f32 v17, v24  }
0x204: {  	v19 =	vadd.f32 v26, v25;
	v13 =	vmul.f32 v18, v13;
	[tilespmem:s31+$0xC2A0] =	vst.add.f32.msk $0xffff, v53;
	v63 =	vmul.f32 v60, v40  }
0x205: {  	[tilespmem:s31+$0xC2B0] =	vst.add.f32.msk $0xffff, v14;
	v20 =	vperm.xlane v16, v34;
	v24 =	vperm.xlane v17, v37  }
0x206: {  	v53 =	vld.idx.msk [tilespmem:v47+s25+$0x70 ss:$0x1], $0xffff;
	v25 =	vmul.f32 v62, v41;
	(v2sf) =	vpush v57, $0x0;
	v19 =	vadd.f32 v63, v19  }
0x207: {  	v11 =	vmul.f32 v18, v11;
	v16 =	vadd.f32 v16, v20;
	v20 =	vld.idx.msk [tilespmem:v47+s25+$0x50 ss:$0x1], $0xffff;
	v63 =	vadd.f32 v17, v24  }
0x208: {  	v49 =	vmul.f32 v18, v49;
	[tilespmem:s31+$0xC2C0] =	vst.add.f32.msk $0xffff, v13;
	v21 =	vadd.f32 v25, v19  }
0x209: {  	[tilespmem:s31+$0xC2D0] =	vst.add.f32.msk $0xffff, v11;
	v25 =	vmul.f32 v18, v52;
	v26 =	vperm.xlane v16, v35;
	v13 =	vadd.f32 v63, v46  }
0x20a: {  	s26 =	spop (v2sf);
	[tilespmem:s31+$0xC2E0] =	vst.add.f32.msk $0xffff, v49;
	v22 =	vmul.f32 v15, v42  }
0x20b: {  	s24 =	sshll.u32 s26, $0x9;
	[tilespmem:s31+$0xC2F0] =	vst.add.f32.msk $0xffff, v25;
	v16 =	vadd.f32 v16, v26;
	v4 =	vmul.f32 v13, v4  }
0x20c: {  	s28 =	sshra.s32 s24, $0x2;
	v23 =	vadd.f32 v22, v21;
	v21 =	vld.idx.msk [tilespmem:v48+s22+$0x0 ss:$0x1], $0xffff;
	v24 =	vmul.f32 v20, v43;
	v0 =	vmul.f32 v13, v0  }
0x20d: {  	v3 =	vmul.f32 v13, v3;
	v26 =	vperm.xlane v16, v36;
	[tilespmem:s28+$0xC280] =	vst.add.f32.msk $0xffff, v4  }
0x20e: {  	v52 =	vmul.f32 v61, v44;
	v14 =	vadd.f32 v24, v23;
	[tilespmem:s28+$0xC290] =	vst.add.f32.msk $0xffff, v0;
	v0 =	vmul.f32 v13, v33  }
0x20f: {  	s23 =	sadd.s32 $0xF, s21;
	[tilespmem:s28+$0xC2B0] =	vst.add.f32.msk $0xffff, v3;
	v3 =	vmul.f32 v13, v5;
	v54 =	vadd.f32 v16, v26  }
0x210: {  	s30 =	sshll.u32 s23, $0x7;
	v63 =	vmul.f32 v53, v45;
	v57 =	vadd.f32 v52, v14;
	[tilespmem:s28+$0xC2A0] =	vst.add.f32.msk $0xffff, v0  }
0x211: {  	s24 =	sand.u32 $0x3FFFFF80, s30;
	[tilespmem:s28+$0xC2D0] =	vst.add.f32.msk $0xffff, v3;
	v16 =	vperm.xlane v54, v37  }
0x212: {  	v0 =	vmul.f32 v13, v2;
	v14 =	vld.idx.msk [tilespmem:v47+s24+$0x10 ss:$0x1], $0xffff;
	v4 =	vadd.f32 v63, v57  }
0x213: {  	v3 =	vmul.f32 v13, v7;
	v7 =	vld.idx.msk [tilespmem:v47+s24+$0x50 ss:$0x1], $0xffff;
	v2 =	vadd.f32 v54, v16  }
0x214: {  	[tilespmem:s28+$0xC2C0] =	vst.add.f32.msk $0xffff, v0;
	v22 =	vperm.xlane v4, v34  }
0x215: {  	v0 =	vmul.f32 v13, v6;
	[tilespmem:s28+$0xC2F0] =	vst.add.f32.msk $0xffff, v3;
	v2 =	vadd.f32 v2, v46  }
0x216: {  	(v2sf) =	vpush v21, $0x0;
	v6 =	vld.idx.msk [tilespmem:v47+s24+$0x20 ss:$0x1], $0xffff;
	s29 =	spop (v2sf);
	v4 =	vadd.f32 v4, v22  }
0x217: {  	[tilespmem:s28+$0xC2E0] =	vst.add.f32.msk $0xffff, v0;
	s22 =	sshll.u32 s29, $0x9;
	v0 =	vmul.f32 v2, v50  }
0x218: {  	v13 =	vld.idx.msk [tilespmem:v47+s24+$0x60 ss:$0x1], $0xffff;
	s22 =	sshra.s32 s22, $0x2;
	v3 =	vmul.f32 v2, v9;
	v5 =	vperm.xlane v4, v35  }
0x219: {  	[tilespmem:s22+$0xC280] =	vst.add.f32.msk $0xffff, v0  }
0x21a: {  	[tilespmem:s22+$0xC290] =	vst.add.f32.msk $0xffff, v3;
	v3 =	vmul.f32 v2, v8;
	v0 =	vadd.f32 v4, v5  }
0x21b: {  	v4 =	vld.idx.msk [tilespmem:v47+s24+$0x0 ss:$0x1], $0xffff  }
0x21c: {  	[tilespmem:s22+$0xC2A0] =	vst.add.f32.msk $0xffff, v3;
	v3 =	vmul.f32 v2, v12;
	v5 =	vperm.xlane v0, v36  }
0x21d: {  	v9 =	vld.idx.msk [tilespmem:v47+s24+$0x40 ss:$0x1], $0xffff  }
0x21e: {  	[tilespmem:s22+$0xC2B0] =	vst.add.f32.msk $0xffff, v3;
	v3 =	vmul.f32 v2, v51;
	v0 =	vadd.f32 v0, v5  }
0x21f: {  	s28 =	sadd.s32 $0x10, s21;
	v25 =	vmul.f32 v14, v39;
	v12 =	vld.idx.msk [tilespmem:v47+s24+$0x30 ss:$0x1], $0xffff  }
0x220: {  	s29 =	sshll.u32 s28, $0x7;
	[tilespmem:s22+$0xC2C0] =	vst.add.f32.msk $0xffff, v3;
	v3 =	vmul.f32 v4, v38;
	v24 =	vperm.xlane v0, v37  }
0x221: {  	v23 =	vmul.f32 v2, v55;
	v55 =	vld.idx.msk [tilespmem:v48+s23+$0x0 ss:$0x1], $0xffff;
	s30 =	sand.u32 $0x3FFFFF80, s29  }
0x222: {  	v33 =	vmul.f32 v6, v40;
	v63 =	vld.idx.msk [tilespmem:v47+s30+$0x0 ss:$0x1], $0xffff;
	v3 =	vadd.f32 v25, v3;
	v0 =	vadd.f32 v0, v24  }
0x223: {  	v26 =	vmul.f32 v2, v56;
	v11 =	vld.idx.msk [tilespmem:v47+s30+$0x20 ss:$0x1], $0xffff;
	v2 =	vmul.f32 v2, v58  }
0x224: {  	[tilespmem:s22+$0xC2D0] =	vst.add.f32.msk $0xffff, v23;
	v49 =	vmul.f32 v12, v41;
	v3 =	vadd.f32 v33, v3;
	v0 =	vadd.f32 v0, v46  }
0x225: {  	[tilespmem:s22+$0xC2E0] =	vst.add.f32.msk $0xffff, v26;
	s31 =	spop (v2sf)  }
0x226: {  	v50 =	vmul.f32 v9, v42;
	[tilespmem:s22+$0xC2F0] =	vst.add.f32.msk $0xffff, v2;
	s26 =	sshll.u32 s31, $0x9;
	v3 =	vadd.f32 v49, v3;
	v2 =	vmul.f32 v0, v59  }
0x227: {  	s22 =	sshra.s32 s26, $0x2;
	v33 =	vld.idx.msk [tilespmem:v47+s24+$0x70 ss:$0x1], $0xffff  }
0x228: {  	v52 =	vmul.f32 v7, v43;
	v3 =	vadd.f32 v50, v3;
	[tilespmem:s22+$0xC280] =	vst.add.f32.msk $0xffff, v2;
	v2 =	vmul.f32 v0, v60  }
0x229: {  	v5 =	vld.idx.msk [tilespmem:v47+s30+$0x30 ss:$0x1], $0xffff  }
0x22a: {  	v51 =	vmul.f32 v0, v10;
	[tilespmem:s22+$0xC2A0] =	vst.add.f32.msk $0xffff, v2;
	v2 =	vadd.f32 v52, v3;
	v3 =	vmul.f32 v13, v44  }
0x22b: {  	v54 =	vmul.f32 v0, v62;
	v10 =	vld.idx.msk [tilespmem:v47+s30+$0x10 ss:$0x1], $0xffff  }
0x22c: {  	v56 =	vmul.f32 v0, v15;
	[tilespmem:s22+$0xC290] =	vst.add.f32.msk $0xffff, v51;
	v2 =	vadd.f32 v3, v2;
	v3 =	vmul.f32 v33, v45  }
0x22d: {  	v58 =	vmul.f32 v0, v53;
	[tilespmem:s22+$0xC2B0] =	vst.add.f32.msk $0xffff, v54  }
0x22e: {  	[tilespmem:s22+$0xC2C0] =	vst.add.f32.msk $0xffff, v56;
	v2 =	vadd.f32 v3, v2  }
0x22f: {  	[tilespmem:s22+$0xC2F0] =	vst.add.f32.msk $0xffff, v58;
	v3 =	vmul.f32 v0, v20  }
0x230: {  	v56 =	vld.idx.msk [tilespmem:v47+s30+$0x50 ss:$0x1], $0xffff;
	v57 =	vperm.xlane v2, v34  }
0x231: {  	[tilespmem:s22+$0xC2D0] =	vst.add.f32.msk $0xffff, v3;
	v3 =	vmul.f32 v0, v61  }
0x232: {  	s31 =	sadd.s32 $0x11, s21;
	v54 =	vld.idx.msk [tilespmem:v47+s30+$0x70 ss:$0x1], $0xffff;
	v2 =	vadd.f32 v2, v57  }
0x233: {  	(v2sf) =	vpush v55, $0x0;
	s26 =	sshll.u32 s31, $0x7;
	v59 =	vmul.f32 v10, v39;
	[tilespmem:s22+$0xC2E0] =	vst.add.f32.msk $0xffff, v3;
	v3 =	vmul.f32 v63, v38  }
0x234: {  	v0 =	vld.idx.msk [tilespmem:v47+s30+$0x40 ss:$0x1], $0xffff;
	s22 =	sand.u32 $0x3FFFFF80, s26;
	v60 =	vperm.xlane v2, v35  }
0x235: {  	v61 =	vmul.f32 v11, v40;
	v57 =	vld.idx.msk [tilespmem:v47+s22+$0x0 ss:$0x1], $0xffff;
	v3 =	vadd.f32 v59, v3  }
0x236: {  	v49 =	vld.idx.msk [tilespmem:v47+s22+$0x10 ss:$0x1], $0xffff;
	v62 =	vadd.f32 v2, v60  }
0x237: {  	v20 =	vmul.f32 v5, v41;
	v58 =	vld.idx.msk [tilespmem:v47+s22+$0x20 ss:$0x1], $0xffff;
	v3 =	vadd.f32 v61, v3  }
0x238: {  	v2 =	vld.idx.msk [tilespmem:v47+s30+$0x60 ss:$0x1], $0xffff;
	v16 =	vperm.xlane v62, v36  }
0x239: {  	v51 =	vld.idx.msk [tilespmem:v47+s22+$0x30 ss:$0x1], $0xffff;
	v21 =	vmul.f32 v0, v42;
	v3 =	vadd.f32 v20, v3  }
0x23a: {  	v53 =	vld.idx.msk [tilespmem:v47+s22+$0x40 ss:$0x1], $0xffff;
	v15 =	vadd.f32 v62, v16  }
0x23b: {  	v22 =	vmul.f32 v56, v43;
	v50 =	vld.idx.msk [tilespmem:v47+s22+$0x50 ss:$0x1], $0xffff;
	v26 =	vmul.f32 v57, v38;
	v3 =	vadd.f32 v21, v3  }
0x23c: {  	v55 =	vld.idx.msk [tilespmem:v47+s22+$0x60 ss:$0x1], $0xffff;
	v59 =	vmul.f32 v49, v39;
	v23 =	vperm.xlane v15, v37  }
0x23d: {  	s24 =	sadd.s32 $0x12, s21;
	v52 =	vld.idx.msk [tilespmem:v47+s22+$0x70 ss:$0x1], $0xffff;
	v24 =	vmul.f32 v2, v44;
	v3 =	vadd.f32 v22, v3  }
0x23e: {  	v60 =	vmul.f32 v58, v40;
	v16 =	vld.idx.msk [tilespmem:v48+s28+$0x0 ss:$0x1], $0xffff;
	s28 =	sshll.u32 s24, $0x7;
	v8 =	vadd.f32 v59, v26;
	v15 =	vadd.f32 v15, v23  }
0x23f: {  	v25 =	vmul.f32 v54, v45;
	v21 =	vld.idx.msk [tilespmem:v48+s31+$0x0 ss:$0x1], $0xffff;
	s30 =	sand.u32 $0x3FFFFF80, s28;
	v3 =	vadd.f32 v24, v3  }
0x240: {  	v8 =	vadd.f32 v60, v8;
	v60 =	vld.idx.msk [tilespmem:v47+s30+$0x30 ss:$0x1], $0xffff;
	v24 =	vmul.f32 v51, v41;
	v15 =	vadd.f32 v15, v46  }
0x241: {  	v17 =	vadd.f32 v25, v3;
	v3 =	vld.idx.msk [tilespmem:v47+s30+$0x0 ss:$0x1], $0xffff  }
0x242: {  	s29 =	spop (v2sf);
	v18 =	vadd.f32 v24, v8;
	v25 =	vmul.f32 v53, v42;
	v61 =	vmul.f32 v15, v4;
	v4 =	vld.idx.msk [tilespmem:v47+s30+$0x10 ss:$0x1], $0xffff  }
0x243: {  	s22 =	sshll.u32 s29, $0x9;
	v59 =	vld.idx.msk [tilespmem:v47+s30+$0x40 ss:$0x1], $0xffff;
	v62 =	vperm.xlane v17, v34  }
0x244: {  	s22 =	sshra.s32 s22, $0x2;
	v8 =	vld.idx.msk [tilespmem:v47+s30+$0x20 ss:$0x1], $0xffff;
	v24 =	vmul.f32 v50, v43;
	v18 =	vadd.f32 v25, v18  }
0x245: {  	v20 =	vmul.f32 v15, v14;
	[tilespmem:s22+$0xC280] =	vst.add.f32.msk $0xffff, v61;
	v17 =	vadd.f32 v17, v62  }
0x246: {  	v25 =	vmul.f32 v55, v44;
	v14 =	vadd.f32 v24, v18;
	v61 =	vld.idx.msk [tilespmem:v47+s30+$0x50 ss:$0x1], $0xffff;
	v22 =	vmul.f32 v3, v38  }
0x247: {  	s31 =	sadd.s32 $0x13, s21;
	(v2sf) =	vpush v16, $0x0;
	v62 =	vld.idx.msk [tilespmem:v47+s30+$0x60 ss:$0x1], $0xffff;
	v26 =	vperm.xlane v17, v35;
	v23 =	vmul.f32 v4, v39  }
0x248: {  	s28 =	sshll.u32 s31, $0x7;
	[tilespmem:s22+$0xC290] =	vst.add.f32.msk $0xffff, v20;
	v20 =	vmul.f32 v52, v45;
	v18 =	vadd.f32 v25, v14  }
0x249: {  	s25 =	sand.u32 $0x3FFFFF80, s28;
	v24 =	vmul.f32 v8, v40;
	v14 =	vld.idx.msk [tilespmem:v47+s30+$0x70 ss:$0x1], $0xffff;
	v17 =	vadd.f32 v17, v26;
	v26 =	vadd.f32 v23, v22  }
0x24a: {  	v19 =	vmul.f32 v60, v41;
	v18 =	vadd.f32 v20, v18;
	v20 =	vmul.f32 v15, v9;
	v9 =	vld.idx.msk [tilespmem:v47+s25+$0x20 ss:$0x1], $0xffff  }
0x24b: {  	v23 =	vmul.f32 v15, v6;
	v6 =	vld.idx.msk [tilespmem:v47+s25+$0x10 ss:$0x1], $0xffff;
	v22 =	vperm.xlane v17, v36;
	v16 =	vadd.f32 v24, v26  }
0x24c: {  	v25 =	vmul.f32 v59, v42;
	v24 =	vmul.f32 v15, v12;
	v12 =	vld.idx.msk [tilespmem:v47+s25+$0x0 ss:$0x1], $0xffff  }
0x24d: {  	[tilespmem:s22+$0xC2A0] =	vst.add.f32.msk $0xffff, v23;
	v23 =	vperm.xlane v18, v34;
	v17 =	vadd.f32 v17, v22;
	v16 =	vadd.f32 v19, v16  }
0x24e: {  	v19 =	vmul.f32 v61, v43;
	[tilespmem:s22+$0xC2B0] =	vst.add.f32.msk $0xffff, v24;
	v24 =	vmul.f32 v15, v7  }
0x24f: {  	[tilespmem:s22+$0xC2C0] =	vst.add.f32.msk $0xffff, v20;
	v18 =	vadd.f32 v18, v23;
	v22 =	vperm.xlane v17, v37;
	v16 =	vadd.f32 v25, v16  }
0x250: {  	(v2sf) =	vpush v21, $0x0;
	v7 =	vld.idx.msk [tilespmem:v47+s25+$0x30 ss:$0x1], $0xffff;
	v26 =	vmul.f32 v6, v39;
	v25 =	vmul.f32 v15, v13  }
0x251: {  	v23 =	vld.idx.msk [tilespmem:v48+s24+$0x0 ss:$0x1], $0xffff;
	v21 =	vperm.xlane v18, v35;
	v13 =	vadd.f32 v19, v16;
	v16 =	vmul.f32 v62, v44  }
0x252: {  	v15 =	vmul.f32 v15, v33;
	[tilespmem:s22+$0xC2D0] =	vst.add.f32.msk $0xffff, v24;
	v17 =	vadd.f32 v17, v22;
	v19 =	vmul.f32 v12, v38  }
0x253: {  	v22 =	vmul.f32 v14, v45;
	v18 =	vadd.f32 v18, v21;
	v16 =	vadd.f32 v16, v13;
	v13 =	vld.idx.msk [tilespmem:v47+s25+$0x40 ss:$0x1], $0xffff  }
0x254: {  	v21 =	vld.idx.msk [tilespmem:v47+s25+$0x50 ss:$0x1], $0xffff;
	v17 =	vadd.f32 v17, v46;
	v19 =	vadd.f32 v26, v19;
	v26 =	vmul.f32 v9, v40  }
0x255: {  	[tilespmem:s22+$0xC2E0] =	vst.add.f32.msk $0xffff, v25;
	v20 =	vmul.f32 v7, v41;
	v24 =	vperm.xlane v18, v36  }
0x256: {  	s29 =	spop (v2sf);
	[tilespmem:s22+$0xC2F0] =	vst.add.f32.msk $0xffff, v15;
	v10 =	vmul.f32 v17, v10;
	v16 =	vadd.f32 v22, v16;
	v19 =	vadd.f32 v26, v19  }
0x257: {  	s24 =	sshll.u32 s29, $0x9;
	v11 =	vmul.f32 v17, v11;
	v22 =	vmul.f32 v17, v63;
	v63 =	vld.idx.msk [tilespmem:v47+s25+$0x60 ss:$0x1], $0xffff;
	v18 =	vadd.f32 v18, v24  }
0x258: {  	s30 =	sshra.s32 s24, $0x2;
	v24 =	vld.idx.msk [tilespmem:v47+s25+$0x70 ss:$0x1], $0xffff;
	v26 =	vperm.xlane v16, v34;
	v19 =	vadd.f32 v20, v19;
	v20 =	vmul.f32 v13, v42  }
0x259: {  	(v2sf) =	vpush v23, $0x0;
	v5 =	vmul.f32 v17, v5;
	[tilespmem:s30+$0xC290] =	vst.add.f32.msk $0xffff, v10;
	v33 =	vperm.xlane v18, v37  }
0x25a: {  	[tilespmem:s30+$0xC2A0] =	vst.add.f32.msk $0xffff, v11;
	v16 =	vadd.f32 v16, v26;
	v26 =	vmul.f32 v21, v43;
	v25 =	vadd.f32 v20, v19  }
0x25b: {  	v0 =	vmul.f32 v17, v0;
	v56 =	vmul.f32 v17, v56;
	[tilespmem:s30+$0xC2B0] =	vst.add.f32.msk $0xffff, v5  }
0x25c: {  	[tilespmem:s30+$0xC280] =	vst.add.f32.msk $0xffff, v22;
	v22 =	vperm.xlane v16, v35;
	v15 =	vadd.f32 v26, v25;
	v25 =	vadd.f32 v18, v33  }
0x25d: {  	[tilespmem:s30+$0xC2C0] =	vst.add.f32.msk $0xffff, v0;
	v23 =	vmul.f32 v63, v44  }
0x25e: {  	v2 =	vmul.f32 v17, v2;
	[tilespmem:s30+$0xC2D0] =	vst.add.f32.msk $0xffff, v56;
	v5 =	vadd.f32 v16, v22;
	v0 =	vadd.f32 v25, v46  }
0x25f: {  	v33 =	vmul.f32 v24, v45;
	v22 =	vld.idx.msk [tilespmem:v48+s31+$0x0 ss:$0x1], $0xffff;
	s31 =	spop (v2sf);
	v26 =	vadd.f32 v23, v15;
	v25 =	vmul.f32 v17, v54  }
0x260: {  	[tilespmem:s30+$0xC2E0] =	vst.add.f32.msk $0xffff, v2;
	s23 =	sshll.u32 s31, $0x9;
	v23 =	vperm.xlane v5, v36;
	v2 =	vmul.f32 v0, v57  }
0x261: {  	s24 =	sshra.s32 s23, $0x2;
	v10 =	vadd.f32 v33, v26;
	[tilespmem:s30+$0xC2F0] =	vst.add.f32.msk $0xffff, v25;
	v33 =	vmul.f32 v0, v49  }
0x262: {  	v49 =	vmul.f32 v0, v58;
	v5 =	vadd.f32 v5, v23;
	[tilespmem:s24+$0xC280] =	vst.add.f32.msk $0xffff, v2  }
0x263: {  	v51 =	vmul.f32 v0, v51;
	v26 =	vperm.xlane v10, v34;
	[tilespmem:s24+$0xC290] =	vst.add.f32.msk $0xffff, v33  }
0x264: {  	v54 =	vmul.f32 v0, v53;
	[tilespmem:s24+$0xC2A0] =	vst.add.f32.msk $0xffff, v49;
	v2 =	vperm.xlane v5, v37  }
0x265: {  	v57 =	vmul.f32 v0, v50;
	(v2sf) =	vpush v22, $0x0;
	[tilespmem:s24+$0xC2B0] =	vst.add.f32.msk $0xffff, v51;
	v10 =	vadd.f32 v10, v26  }
0x266: {  	v58 =	vmul.f32 v0, v55;
	[tilespmem:s24+$0xC2C0] =	vst.add.f32.msk $0xffff, v54;
	v2 =	vadd.f32 v5, v2  }
0x267: {  	s28 =	sadd.s32 $0x14, s21;
	v0 =	vmul.f32 v0, v52;
	[tilespmem:s24+$0xC2D0] =	vst.add.f32.msk $0xffff, v57;
	v56 =	vperm.xlane v10, v35  }
0x268: {  	s29 =	sshll.u32 s28, $0x7;
	[tilespmem:s24+$0xC2E0] =	vst.add.f32.msk $0xffff, v58;
	v2 =	vadd.f32 v2, v46  }
0x269: {  	s25 =	spop (v2sf);
	[tilespmem:s24+$0xC2F0] =	vst.add.f32.msk $0xffff, v0;
	s24 =	sand.u32 $0x3FFFFF80, s29;
	v5 =	vadd.f32 v10, v56  }
0x26a: {  	s23 =	sshll.u32 s25, $0x9;
	v16 =	vld.idx.msk [tilespmem:v47+s24+$0x30 ss:$0x1], $0xffff;
	v3 =	vmul.f32 v2, v3  }
0x26b: {  	s26 =	sshra.s32 s23, $0x2;
	v15 =	vld.idx.msk [tilespmem:v47+s24+$0x40 ss:$0x1], $0xffff;
	v0 =	vmul.f32 v2, v4;
	v10 =	vperm.xlane v5, v36  }
0x26c: {  	[tilespmem:s26+$0xC280] =	vst.add.f32.msk $0xffff, v3  }
0x26d: {  	v3 =	vmul.f32 v2, v8;
	[tilespmem:s26+$0xC290] =	vst.add.f32.msk $0xffff, v0;
	v8 =	vadd.f32 v5, v10  }
0x26e: {  	v0 =	vmul.f32 v2, v60;
	v10 =	vld.idx.msk [tilespmem:v47+s24+$0x0 ss:$0x1], $0xffff  }
0x26f: {  	[tilespmem:s26+$0xC2A0] =	vst.add.f32.msk $0xffff, v3;
	v3 =	vmul.f32 v2, v59;
	v5 =	vperm.xlane v8, v37  }
0x270: {  	[tilespmem:s26+$0xC2B0] =	vst.add.f32.msk $0xffff, v0;
	v0 =	vmul.f32 v2, v61  }
0x271: {  	[tilespmem:s26+$0xC2C0] =	vst.add.f32.msk $0xffff, v3;
	v4 =	vadd.f32 v8, v5  }
0x272: {  	v3 =	vmul.f32 v2, v62;
	[tilespmem:s26+$0xC2D0] =	vst.add.f32.msk $0xffff, v0  }
0x273: {  	v0 =	vmul.f32 v2, v14;
	v14 =	vld.idx.msk [tilespmem:v47+s24+$0x20 ss:$0x1], $0xffff;
	v2 =	vadd.f32 v4, v46  }
0x274: {  	[tilespmem:s26+$0xC2E0] =	vst.add.f32.msk $0xffff, v3;
	s30 =	spop (v2sf)  }
0x275: {  	[tilespmem:s26+$0xC2F0] =	vst.add.f32.msk $0xffff, v0;
	s22 =	sshll.u32 s30, $0x9;
	v0 =	vmul.f32 v2, v12  }
0x276: {  	s22 =	sshra.s32 s22, $0x2;
	v12 =	vld.idx.msk [tilespmem:v47+s24+$0x10 ss:$0x1], $0xffff;
	v3 =	vmul.f32 v2, v7  }
0x277: {  	[tilespmem:s22+$0xC280] =	vst.add.f32.msk $0xffff, v0;
	v0 =	vmul.f32 v2, v6  }
0x278: {  	[tilespmem:s22+$0xC2B0] =	vst.add.f32.msk $0xffff, v3;
	v3 =	vmul.f32 v2, v13  }
0x279: {  	[tilespmem:s22+$0xC290] =	vst.add.f32.msk $0xffff, v0;
	v0 =	vmul.f32 v2, v9  }
0x27a: {  	[tilespmem:s22+$0xC2C0] =	vst.add.f32.msk $0xffff, v3;
	v3 =	vmul.f32 v2, v21  }
0x27b: {  	v9 =	vmul.f32 v12, v39;
	[tilespmem:s22+$0xC2A0] =	vst.add.f32.msk $0xffff, v0;
	v0 =	vmul.f32 v10, v38  }
0x27c: {  	v8 =	vld.idx.msk [tilespmem:v47+s24+$0x70 ss:$0x1], $0xffff  }
0x27d: {  	v11 =	vmul.f32 v14, v40;
	[tilespmem:s22+$0xC2D0] =	vst.add.f32.msk $0xffff, v3;
	v3 =	vmul.f32 v2, v63;
	v0 =	vadd.f32 v9, v0  }
0x27e: {  	v7 =	vld.idx.msk [tilespmem:v47+s24+$0x50 ss:$0x1], $0xffff  }
0x27f: {  	s31 =	sadd.s32 $0x15, s21;
	v13 =	vmul.f32 v16, v41;
	v2 =	vmul.f32 v2, v24;
	[tilespmem:s22+$0xC2E0] =	vst.add.f32.msk $0xffff, v3;
	v0 =	vadd.f32 v11, v0  }
0x280: {  	s26 =	sshll.u32 s31, $0x7;
	v11 =	vld.idx.msk [tilespmem:v47+s24+$0x60 ss:$0x1], $0xffff  }
0x281: {  	v17 =	vmul.f32 v15, v42;
	[tilespmem:s22+$0xC2F0] =	vst.add.f32.msk $0xffff, v2;
	s22 =	sand.u32 $0x3FFFFF80, s26;
	v0 =	vadd.f32 v13, v0  }
0x282: {  	v6 =	vld.idx.msk [tilespmem:v47+s22+$0x0 ss:$0x1], $0xffff  }
0x283: {  	v3 =	vmul.f32 v7, v43;
	v5 =	vld.idx.msk [tilespmem:v47+s22+$0x10 ss:$0x1], $0xffff;
	v0 =	vadd.f32 v17, v0  }
0x284: {  	v62 =	vld.idx.msk [tilespmem:v47+s22+$0x20 ss:$0x1], $0xffff  }
0x285: {  	v2 =	vmul.f32 v11, v44;
	v0 =	vadd.f32 v3, v0;
	v3 =	vld.idx.msk [tilespmem:v48+s28+$0x0 ss:$0x1], $0xffff;
	s28 =	sadd.s32 $0x16, s21  }
0x286: {  	v60 =	vld.idx.msk [tilespmem:v47+s22+$0x30 ss:$0x1], $0xffff;
	s29 =	sshll.u32 s28, $0x7  }
0x287: {  	v54 =	vld.idx.msk [tilespmem:v47+s22+$0x40 ss:$0x1], $0xffff;
	v0 =	vadd.f32 v2, v0;
	v2 =	vmul.f32 v8, v45;
	s25 =	sand.u32 $0x3FFFFF80, s29  }
0x288: {  	v50 =	vld.idx.msk [tilespmem:v47+s25+$0x0 ss:$0x1], $0xffff  }
0x289: {  	s30 =	sadd.s32 $0x17, s21;
	v18 =	vmul.f32 v6, v38;
	v19 =	vmul.f32 v5, v39;
	v49 =	vld.idx.msk [tilespmem:v47+s25+$0x10 ss:$0x1], $0xffff;
	v0 =	vadd.f32 v2, v0  }
0x28a: {  	v27 =	vld.idx.msk [tilespmem:v48+s30+$0x0 ss:$0x1], $0xffff  }
0x28b: {  	v20 =	vmul.f32 v62, v40;
	v4 =	vadd.f32 v19, v18;
	v51 =	vld.idx.msk [tilespmem:v47+s25+$0x20 ss:$0x1], $0xffff;
	v2 =	vperm.xlane v0, v34  }
0x28c: {  	v61 =	vld.idx.msk [tilespmem:v47+s22+$0x50 ss:$0x1], $0xffff;
	v22 =	vmul.f32 v60, v41  }
0x28d: {  	v25 =	vmul.f32 v54, v42;
	v9 =	vadd.f32 v20, v4;
	v52 =	vld.idx.msk [tilespmem:v47+s25+$0x30 ss:$0x1], $0xffff;
	v2 =	vadd.f32 v0, v2  }
0x28e: {  	v53 =	vld.idx.msk [tilespmem:v47+s25+$0x40 ss:$0x1], $0xffff;
	v23 =	vmul.f32 v50, v38;
	v24 =	vmul.f32 v49, v39  }
0x28f: {  	(v2sf) =	vpush v3, $0x0;
	v3 =	vadd.f32 v22, v9;
	v0 =	vld.idx.msk [tilespmem:v47+s22+$0x60 ss:$0x1], $0xffff;
	v21 =	vperm.xlane v2, v35  }
0x290: {  	v55 =	vld.idx.msk [tilespmem:v47+s25+$0x50 ss:$0x1], $0xffff;
	v26 =	vmul.f32 v51, v40;
	v13 =	vadd.f32 v24, v23  }
0x291: {  	v63 =	vmul.f32 v61, v43;
	v4 =	vld.idx.msk [tilespmem:v47+s22+$0x70 ss:$0x1], $0xffff;
	v3 =	vadd.f32 v25, v3;
	v2 =	vadd.f32 v2, v21  }
0x292: {  	v17 =	vld.idx.msk [tilespmem:v48+s31+$0x0 ss:$0x1], $0xffff;
	v13 =	vadd.f32 v26, v13;
	v21 =	vmul.f32 v52, v41  }
0x293: {  	s31 =	sshll.u32 s30, $0x7;
	v56 =	vld.idx.msk [tilespmem:v47+s25+$0x60 ss:$0x1], $0xffff;
	v3 =	vadd.f32 v63, v3;
	v33 =	vperm.xlane v2, v36  }
0x294: {  	v57 =	vld.idx.msk [tilespmem:v47+s25+$0x70 ss:$0x1], $0xffff;
	s22 =	sand.u32 $0x3FFFFF80, s31;
	v23 =	vmul.f32 v53, v42;
	v22 =	vmul.f32 v0, v44;
	v13 =	vadd.f32 v21, v13  }
0x295: {  	v25 =	vmul.f32 v55, v43;
	v58 =	vld.idx.msk [tilespmem:v47+s22+$0x0 ss:$0x1], $0xffff;
	v2 =	vadd.f32 v2, v33  }
0x296: {  	v59 =	vld.idx.msk [tilespmem:v47+s22+$0x10 ss:$0x1], $0xffff;
	v24 =	vmul.f32 v4, v45;
	v3 =	vadd.f32 v22, v3;
	v13 =	vadd.f32 v23, v13  }
0x297: {  	v20 =	vld.idx.msk [tilespmem:v48+s28+$0x0 ss:$0x1], $0xffff;
	v19 =	vperm.xlane v2, v37  }
0x298: {  	v63 =	vld.idx.msk [tilespmem:v47+s22+$0x20 ss:$0x1], $0xffff;
	v26 =	vmul.f32 v56, v44;
	v9 =	vadd.f32 v24, v3;
	v3 =	vadd.f32 v25, v13  }
0x299: {  	(v2sf) =	vpush v17, $0x0;
	v33 =	vld.idx.msk [tilespmem:v47+s22+$0x30 ss:$0x1], $0xffff;
	v2 =	vadd.f32 v2, v19  }
0x29a: {  	v21 =	vmul.f32 v57, v45;
	v19 =	vperm.xlane v9, v34;
	v13 =	vadd.f32 v26, v3;
	v3 =	vld.idx.msk [tilespmem:v47+s22+$0x50 ss:$0x1], $0xffff  }
0x29b: {  	s26 =	sadd.s32 $0x18, s21;
	v22 =	vmul.f32 v58, v38;
	v23 =	vmul.f32 v59, v39;
	v18 =	vadd.f32 v2, v46;
	v2 =	vld.idx.msk [tilespmem:v47+s22+$0x40 ss:$0x1], $0xffff  }
0x29c: {  	s28 =	sshll.u32 s26, $0x7;
	v19 =	vadd.f32 v9, v19;
	v9 =	vld.idx.msk [tilespmem:v47+s22+$0x60 ss:$0x1], $0xffff;
	v17 =	vadd.f32 v21, v13  }
0x29d: {  	s23 =	sand.u32 $0x3FFFFF80, s28;
	v13 =	vadd.f32 v23, v22;
	v21 =	vmul.f32 v63, v40;
	v24 =	vmul.f32 v18, v10;
	v10 =	vld.idx.msk [tilespmem:v47+s22+$0x70 ss:$0x1], $0xffff  }
0x29e: {  	s29 =	spop (v2sf);
	(v2sf) =	vpush v20, $0x0;
	v22 =	vmul.f32 v18, v12;
	v23 =	vperm.xlane v19, v35;
	v12 =	vld.idx.msk [tilespmem:v47+s23+$0x0 ss:$0x1], $0xffff  }
0x29f: {  	v26 =	vmul.f32 v33, v41;
	s30 =	sshll.u32 s29, $0x9;
	v25 =	vperm.xlane v17, v34;
	v21 =	vadd.f32 v21, v13;
	v13 =	vld.idx.msk [tilespmem:v47+s23+$0x10 ss:$0x1], $0xffff  }
0x2a0: {  	s24 =	sshra.s32 s30, $0x2;
	v28 =	vmul.f32 v18, v14;
	v16 =	vmul.f32 v18, v16;
	v14 =	vld.idx.msk [tilespmem:v47+s23+$0x20 ss:$0x1], $0xffff;
	v19 =	vadd.f32 v19, v23  }
0x2a1: {  	v7 =	vmul.f32 v18, v7;
	v21 =	vadd.f32 v26, v21;
	[tilespmem:s24+$0xC280] =	vst.add.f32.msk $0xffff, v24;
	v23 =	vmul.f32 v2, v42  }
0x2a2: {  	v17 =	vadd.f32 v17, v25;
	v24 =	vmul.f32 v18, v15;
	v15 =	vld.idx.msk [tilespmem:v47+s23+$0x30 ss:$0x1], $0xffff;
	v25 =	vperm.xlane v19, v36  }
0x2a3: {  	v11 =	vmul.f32 v18, v11;
	[tilespmem:s24+$0xC290] =	vst.add.f32.msk $0xffff, v22;
	v21 =	vadd.f32 v23, v21;
	v23 =	vmul.f32 v3, v43  }
0x2a4: {  	[tilespmem:s24+$0xC2A0] =	vst.add.f32.msk $0xffff, v28;
	v22 =	vmul.f32 v12, v38;
	v19 =	vadd.f32 v19, v25;
	v25 =	vmul.f32 v13, v39  }
0x2a5: {  	v26 =	vperm.xlane v17, v35;
	v20 =	vadd.f32 v23, v21;
	v21 =	vmul.f32 v9, v44;
	v23 =	vld.idx.msk [tilespmem:v47+s23+$0x40 ss:$0x1], $0xffff  }
0x2a6: {  	[tilespmem:s24+$0xC2B0] =	vst.add.f32.msk $0xffff, v16;
	v28 =	vperm.xlane v19, v37;
	v22 =	vadd.f32 v25, v22;
	v25 =	vmul.f32 v14, v40  }
0x2a7: {  	v17 =	vadd.f32 v17, v26;
	v26 =	vld.idx.msk [tilespmem:v47+s23+$0x50 ss:$0x1], $0xffff;
	v20 =	vadd.f32 v21, v20;
	v21 =	vmul.f32 v10, v45  }
0x2a8: {  	[tilespmem:s24+$0xC2C0] =	vst.add.f32.msk $0xffff, v24;
	v16 =	vadd.f32 v25, v22;
	v22 =	vmul.f32 v15, v41;
	v19 =	vadd.f32 v19, v28  }
0x2a9: {  	v8 =	vmul.f32 v18, v8;
	v24 =	vperm.xlane v17, v36;
	v20 =	vadd.f32 v21, v20;
	v21 =	vld.idx.msk [tilespmem:v47+s23+$0x60 ss:$0x1], $0xffff  }
0x2aa: {  	[tilespmem:s24+$0xC2D0] =	vst.add.f32.msk $0xffff, v7;
	v16 =	vadd.f32 v22, v16;
	v22 =	vmul.f32 v23, v42;
	v18 =	vadd.f32 v19, v46  }
0x2ab: {  	s31 =	spop (v2sf);
	(v2sf) =	vpush v27, $0x0;
	v25 =	vld.idx.msk [tilespmem:v47+s23+$0x70 ss:$0x1], $0xffff;
	v7 =	vadd.f32 v17, v24;
	v19 =	vperm.xlane v20, v34  }
0x2ac: {  	s23 =	sshll.u32 s31, $0x9;
	v16 =	vadd.f32 v22, v16;
	v22 =	vmul.f32 v26, v43;
	v5 =	vmul.f32 v18, v5  }
0x2ad: {  	[tilespmem:s24+$0xC2E0] =	vst.add.f32.msk $0xffff, v11;
	s23 =	sshra.s32 s23, $0x2;
	v6 =	vmul.f32 v18, v6;
	v61 =	vmul.f32 v18, v61;
	v11 =	vadd.f32 v20, v19  }
0x2ae: {  	v24 =	vadd.f32 v22, v16;
	v20 =	vmul.f32 v21, v44;
	[tilespmem:s23+$0xC290] =	vst.add.f32.msk $0xffff, v5;
	v5 =	vperm.xlane v7, v37  }
0x2af: {  	[tilespmem:s24+$0xC2F0] =	vst.add.f32.msk $0xffff, v8;
	v0 =	vmul.f32 v18, v0;
	v22 =	vperm.xlane v11, v35  }
0x2b0: {  	[tilespmem:s23+$0xC280] =	vst.add.f32.msk $0xffff, v6;
	v8 =	vadd.f32 v20, v24;
	v24 =	vmul.f32 v25, v45;
	v5 =	vadd.f32 v7, v5  }
0x2b1: {  	v6 =	vmul.f32 v18, v62;
	v62 =	vmul.f32 v18, v60;
	v11 =	vadd.f32 v11, v22;
	v22 =	vld.idx.msk [tilespmem:v48+s26+$0x0 ss:$0x1], $0xffff  }
0x2b2: {  	v4 =	vmul.f32 v18, v4;
	[tilespmem:s23+$0xC2D0] =	vst.add.f32.msk $0xffff, v61;
	v24 =	vadd.f32 v24, v8;
	v5 =	vadd.f32 v5, v46  }
0x2b3: {  	v60 =	vmul.f32 v18, v54;
	[tilespmem:s23+$0xC2B0] =	vst.add.f32.msk $0xffff, v62;
	v62 =	vperm.xlane v11, v36  }
0x2b4: {  	[tilespmem:s23+$0xC2E0] =	vst.add.f32.msk $0xffff, v0;
	v19 =	vperm.xlane v24, v34;
	v52 =	vmul.f32 v5, v52  }
0x2b5: {  	s25 =	spop (v2sf);
	[tilespmem:s23+$0xC2F0] =	vst.add.f32.msk $0xffff, v4;
	v53 =	vmul.f32 v5, v53;
	v54 =	vmul.f32 v5, v55;
	v20 =	vadd.f32 v11, v62  }
0x2b6: {  	s22 =	sshll.u32 s25, $0x9;
	[tilespmem:s23+$0xC2A0] =	vst.add.f32.msk $0xffff, v6;
	v0 =	vadd.f32 v24, v19;
	(v2sf) =	vpush v22, $0x0;
	v22 =	vmul.f32 v5, v50  }
0x2b7: {  	s22 =	sshra.s32 s22, $0x2;
	[tilespmem:s23+$0xC2C0] =	vst.add.f32.msk $0xffff, v60;
	v24 =	vmul.f32 v5, v49;
	v49 =	vmul.f32 v5, v51  }
0x2b8: {  	[tilespmem:s22+$0xC2B0] =	vst.add.f32.msk $0xffff, v52;
	v50 =	vperm.xlane v20, v37;
	v51 =	vperm.xlane v0, v35  }
0x2b9: {  	v55 =	vmul.f32 v5, v56;
	[tilespmem:s22+$0xC2C0] =	vst.add.f32.msk $0xffff, v53  }
0x2ba: {  	v57 =	vmul.f32 v5, v57;
	[tilespmem:s22+$0xC2D0] =	vst.add.f32.msk $0xffff, v54;
	v6 =	vadd.f32 v20, v50;
	v0 =	vadd.f32 v0, v51  }
0x2bb: {  	[tilespmem:s22+$0xC2E0] =	vst.add.f32.msk $0xffff, v55  }
0x2bc: {  	[tilespmem:s22+$0xC2F0] =	vst.add.f32.msk $0xffff, v57;
	v6 =	vadd.f32 v6, v46;
	v56 =	vperm.xlane v0, v36  }
0x2bd: {  	s26 =	spop (v2sf);
	[tilespmem:s22+$0xC280] =	vst.add.f32.msk $0xffff, v22  }
0x2be: {  	s23 =	sshll.u32 s26, $0x9;
	[tilespmem:s22+$0xC290] =	vst.add.f32.msk $0xffff, v24;
	v58 =	vmul.f32 v6, v58;
	v0 =	vadd.f32 v0, v56  }
0x2bf: {  	s28 =	sshra.s32 s23, $0x2;
	[tilespmem:s22+$0xC2A0] =	vst.add.f32.msk $0xffff, v49;
	v60 =	vmul.f32 v6, v59  }
0x2c0: {  	v61 =	vmul.f32 v6, v63;
	[tilespmem:s28+$0xC280] =	vst.add.f32.msk $0xffff, v58;
	v62 =	vperm.xlane v0, v37  }
0x2c1: {  	v63 =	vmul.f32 v6, v33;
	[tilespmem:s28+$0xC290] =	vst.add.f32.msk $0xffff, v60  }
0x2c2: {  	v2 =	vmul.f32 v6, v2;
	[tilespmem:s28+$0xC2A0] =	vst.add.f32.msk $0xffff, v61;
	v0 =	vadd.f32 v0, v62  }
0x2c3: {  	v3 =	vmul.f32 v6, v3;
	[tilespmem:s28+$0xC2B0] =	vst.add.f32.msk $0xffff, v63  }
0x2c4: {  	[tilespmem:s28+$0xC2C0] =	vst.add.f32.msk $0xffff, v2;
	v2 =	vmul.f32 v6, v9;
	v0 =	vadd.f32 v0, v46  }
0x2c5: {  	[tilespmem:s28+$0xC2D0] =	vst.add.f32.msk $0xffff, v3;
	v3 =	vmul.f32 v6, v10;
	s29 =	spop (v2sf)  }
0x2c6: {  	[tilespmem:s28+$0xC2E0] =	vst.add.f32.msk $0xffff, v2;
	v2 =	vmul.f32 v0, v12;
	s23 =	sshll.u32 s29, $0x9  }
0x2c7: {  	[tilespmem:s28+$0xC2F0] =	vst.add.f32.msk $0xffff, v3;
	v3 =	vmul.f32 v0, v13;
	s30 =	sshra.s32 s23, $0x2  }
0x2c8: {  	[tilespmem:s30+$0xC280] =	vst.add.f32.msk $0xffff, v2;
	v2 =	vmul.f32 v0, v14  }
0x2c9: {  	[tilespmem:s30+$0xC290] =	vst.add.f32.msk $0xffff, v3;
	v3 =	vmul.f32 v0, v15  }
0x2ca: {  	p1 =	slt.u32 s21, $0x64;
	[tilespmem:s30+$0xC2A0] =	vst.add.f32.msk $0xffff, v2;
	v2 =	vmul.f32 v0, v23  }
.Ltmp6:
0x2cb: {  	[tilespmem:s30+$0xC2B0] =	vst.add.f32.msk $0xffff, v3;
	v3 =	vmul.f32 v0, v26;
	(pc) =	sbr.rel @p1 .LBB2_9-.Ltmp6, $4  }
0x2cc: {  	[tilespmem:s30+$0xC2C0] =	vst.add.f32.msk $0xffff, v2;
	v2 =	vmul.f32 v0, v21  }
0x2cd: {  	[tilespmem:s30+$0xC2D0] =	vst.add.f32.msk $0xffff, v3;
	v0 =	vmul.f32 v0, v25  }
0x2ce: {  	s31 =	sadd.s32 $0x19, s21;
	[tilespmem:s30+$0xC2E0] =	vst.add.f32.msk $0xffff, v2  }
0x2cf: {  	s21 =	smov.u32 s31;
	[tilespmem:s30+$0xC2F0] =	vst.add.f32.msk $0xffff, v0  }
0x2d0: {  	s20 =	sadd.s32 $0x1, s20  }
0x2d1: {  	p1 =	sne.s32 s20, $0xD  }
.Ltmp7:
0x2d2: {  	_ = 	snop;
	(pc) =	sbr.rel @p1 .LBB2_4-.Ltmp7, $1  }
0x2d3: {  	_ =	sdelay $0x3  }
0x2d4: {  	v0 =	vld [tilespmem:s7+$0x0];
	_ =	sdelay $0x1  }
0x2d5: {  	v2 =	vld [tilespmem:s7+$0x658];
	_ =	sdelay $0x2  }
0x2d6: {  	(v2sf) =	vpush v0, $0x0;
	_ =	sdelay $0x1  }
0x2d7: {  	(v2sf) =	vpush v2, $0x0;
	_ =	sdelay $0xc  }
0x2d8: {  	s20 =	spop (v2sf)  }
0x2d9: {  	s21 =	sshra.s32 s20, $0x1F;
	s22 =	sand.u32 $0x1F, s20  }
0x2da: {  	p1 =	slt.s32 s20, $0x1;
	s30 =	spop (v2sf);
	s21 =	sshrl.u32 s21, $0x1B  }
0x2db: {  	p2 =	sne.s32 s22, $0x0;
	s31 =	sand.u32 $0x1F, s30;
	s23 =	sshra.s32 s30, $0x1F  }
0x2dc: {  	p6 =	slt.s32 s30, $0x1;
	s20 =	sadd.s32 s21, s20;
	p1 =	por !p1, !p2  }
0x2dd: {  	p3 =	sne.s32 s31, $0x0;
	s21 =	simm.s32 $0x1;
	s23 =	sshrl.u32 s23, $0x1B  }
0x2de: {  	s20 =	sshra.s32 s20, $0x5;
	p1 =	por !p1, !p1;
	p2 =	por !p6, !p3  }
0x2df: {  	s22 =	sadd.s32 s23, s30;
	s23 =	simm.s32 $0x1;
	p2 =	por !p2, !p2  }
0x2e0: {  	s21 =	simm.s32 @!p1 $0x0;
	s22 =	sshra.s32 s22, $0x5;
	s23 =	simm.s32 @!p2 $0x0  }
0x2e1: {  	s21 =	ssub.s32 s20, s21;
	s23 =	ssub.s32 s22, s23  }
0x2e2: {  	p3 =	sgt.s32 s21, s23  }
.Ltmp8:
0x2e3: {  	_ = 	snop;
	(pc) =	sbr.rel @p3 .LBB2_15-.Ltmp8, $1  }
0x2e4: {  	_ =	sdelay $0x3  }
0x2e5: {  	s23 =	simm.s32 $0xFFFFFFFF  }
0x2e6: {  	s23 =	simm.s32 @!p2 $0x0  }
0x2e7: {  	s24 =	simm.s32 $0xFFFFFFFF;
	s22 =	sadd.s32 s23, s22  }
0x2e8: {  	s24 =	simm.s32 @!p1 $0x0;
	s20 =	ssub.s32 s22, s20  }
0x2e9: {  	s20 =	ssub.s32 s20, s24  }
0x2ea: {  	s31 =	sadd.s32 $0x1, s20  }
0x2eb: {  	s29 =	sshll.u32 s21, $0x9;
	s30 =	sshll.u32 s21, $0xE;
	p1 =	sne.s32 s31, $0x1  }
.Ltmp9:
0x2ec: {  	s21 =	sshra.s32 s30, $0x2;
	s22 =	sshra.s32 s29, $0x2;
	(pc) =	sbr.rel @!p1 .LBB2_14-.Ltmp9, $4  }
0x2ed: {  	s21 =	sadd.s32 $0xC280, s21;
	s20 =	sadd.s32 $0x1C380, s22  }
0x2ee: {  	[spmem:s4] =	stream.indirect.scatter.add.f32 [tilespmem:s21], [sflag:$0x4], $0x80, s20, s18, $0xb8;
	[tilespmem:$0x1DB80] =	vst v63  }
0x2ef: {  	_ =	swait.ge [sflag:s14], $0x1000  }
0x2f0: {  	s22 =	sadd.s32 $0xFFFFFFFF, s31;
	[sflag:s14] =	ssyncset.done $0x0  }
.LBB2_13:
0x2f1: {  	[sflag:s14] =	ssyncadd.s32 $0xFFFFF000  }
0x2f2: {  	s20 =	sadd.s32 $0x80, s20;
	s21 =	sadd.s32 $0x1000, s21;
	p1 =	sne.s32 s22, $0x1  }
.Ltmp10:
0x2f3: {  	s22 =	sadd.s32 $0xFFFFFFFF, s22;
	(pc) =	sbr.rel @p1 .LBB2_13-.Ltmp10, $4  }
0x2f4: {  	_ = 	snop  }
0x2f5: {  	[spmem:s4] =	stream.indirect.scatter.add.f32 [tilespmem:s21], [sflag:$0x4], $0x80, s20, s18, $0xb8;
	[tilespmem:$0x1DB80] =	vst v63  }
0x2f6: {  	_ =	swait.ge [sflag:s14], $0x1000  }
0x2f7: {  	[sflag:s14] =	ssyncset.done $0x0  }
.Ltmp11:
0x2f8: {  	_ = 	snop;
	(pc) =	sbr.rel .LBB2_14-.Ltmp11, $1  }
0x2f9: {  	_ =	sdelay $0x3  }
.LBB2_16:
0x2fa: {  	_ =	sfence.sel $0x180000  }
0x2fb: {  	[bflag:$0x0] =	sbarrier.arrive $0xFFFF  }
0x2fc: {  	_ =	strace $0x90000047  }
0x2fd: {  	s0 =	sadd.s32 @!p0 $0x100000, s3;
	[bflag:$0x2] =	sbarrier.arrive $0xFFFF  }
0x2fe: {  	[sflag:s0] =	ssyncadd.tile.s32 @!p0 $0x1;
	_ =	shalt  }
.Lfunc_end2:
_tile_overlayer_lowered:
.L_overlay_start_2:
0x2ff: {  	(tag) =	ssettag $0x2  }
0x300: {  	s0 =	rddreg [dreg:$0x0];
	s2 =	stileid.u32  }
0x301: {  	s1 =	rddreg [dreg:$0x1];
	p0 =	sne.s32 s2, $0x0  }
0x302: {  	s3 =	rddreg [dreg:$0x2];
	[bflag:$0x3] =	sbarrier.arrive $0xFFFF;
	s2 =	simm.s32 @!p0 $0x1C04  }
0x303: {  	[timem:s3], [sflag:s2] =	dma.local @!p0 [hbm:s0], s1  }
0x304: {  	s0 =	simm.s32 @!p0 $0x4  }
0x305: {  	_ =	swait.ge @!p0 [sflag:s0], s1  }
0x306: {  	s1 =	ssub.s32 @!p0 $0x0, s1;
	[sflag:s0] =	ssyncset.done @!p0 $0x0  }
0x307: {  	[sflag:s0] =	ssyncadd.s32 @!p0 s1  }
0x308: {  	[bflag:$0x3] =	sbarrier.arrive $0xFFFF  }
0x309: {  	_ =	shalt  }

</sc_bundles>
